<compile_context>
chip_gen: v7x
topology: tpu7x:2x2x1
jax: 0.10.2.dev20260603
libtpu: 0.0.44.dev20260713+nightly
codegen_flags: <defaults>
</compile_context>

<pallas_src>
import functools

import jax
import jax.numpy as jnp
from jax import lax
from jax.experimental import pallas as pl
from jax.experimental.pallas import tpu as pltpu
from jax.experimental.pallas import tpu_sc as plsc

B, N, K, SX, F, MID, DOUT, C, SO = 4, 10000, 16, 12, 32, 16, 16, 8, 32
MARGIN = 0.5
UPDATE_RATE = 0.01

R = B * N
RK = R * K
CSO = C * SO
TW = 32
NCORES, NSUB = 2, 16
NW = NCORES * NSUB
BLK = 4000
NBLK = R // BLK
BLK3 = 1000
NBLK3 = R // BLK3
PACK = 128 // TW
RK4 = PACK * R
DPT = R // NW
DCH = 125
NCH = DPT // DCH


def _relu(x):
    return jnp.maximum(x, 0.0)


def _dot(a, b):
    return jnp.dot(a, b, preferred_element_type=jnp.float32)


def _expand_mat():
    r = lax.broadcasted_iota(jnp.int32, (C, CSO), 0)
    j = lax.broadcasted_iota(jnp.int32, (C, CSO), 1)
    return (j // SO == r).astype(jnp.float32)


def _s1_body(fushed_ref, inp_ref, cent_ref, wc1a, bc1a, wc1b, bc1b, wc2, bc2,
             wi1a, bi1a, wi1b, bi1b, wi2, bi2, out_ref):
    x = fushed_ref[...]
    fused = _relu(_dot(_relu(_dot(x, wi1a[...]) + bi1a[...]), wi1b[...])
                  + bi1b[...]) + _relu(_dot(x, wi2[...]) + bi2[...])
    cent = cent_ref[...]
    cf = _relu(_dot(_relu(_dot(cent, wc1a[...]) + bc1a[...]), wc1b[...])
               + bc1b[...]) + _relu(_dot(cent, wc2[...]) + bc2[...])
    xn = jnp.sum(fused * fused, axis=1, keepdims=True)
    cn = lax.dot_general(jnp.ones((1, DOUT), jnp.float32), cf * cf,
                         (((1,), (1,)), ((), ())))
    g = lax.dot_general(fused, cf, (((1,), (1,)), ((), ())))
    dist = jnp.sqrt(jnp.maximum(xn + cn - 2.0 * g, 1e-30))
    m = jnp.max(dist, axis=1, keepdims=True)
    e = jnp.exp(dist - m)
    simi = e / jnp.sum(e, axis=1, keepdims=True)
    out_ref[...] = jnp.concatenate(
        [inp_ref[...], simi, jnp.zeros((BLK, TW - SX - C), jnp.float32)],
        axis=1)


def _stage1(fushed, inp, cent, wc1a, bc1a, wc1b, bc1b, wc2, bc2,
            wi1a, bi1a, wi1b, bi1b, wi2, bi2):
    row_spec = lambda width: pl.BlockSpec((BLK, width), lambda i: (i, 0))
    rep = lambda shape: pl.BlockSpec(shape, lambda i: (0,) * len(shape))
    return pl.pallas_call(
        _s1_body,
        grid=(NBLK,),
        in_specs=[row_spec(F), row_spec(SX), rep((C, F)),
                  rep((F, MID)), rep((1, MID)), rep((MID, DOUT)), rep((1, DOUT)),
                  rep((F, DOUT)), rep((1, DOUT)),
                  rep((F, MID)), rep((1, MID)), rep((MID, DOUT)), rep((1, DOUT)),
                  rep((F, DOUT)), rep((1, DOUT))],
        out_specs=row_spec(TW),
        out_shape=jax.ShapeDtypeStruct((R, TW), jnp.float32),
    )(fushed, inp, cent, wc1a, bc1a, wc1b, bc1b, wc2, bc2,
      wi1a, bi1a, wi1b, bi1b, wi2, bi2)


def _s2_body(t1_hbm, adjt_hbm, out_hbm, idx_v, st_v, semg):
    wid = lax.axis_index("s") * NCORES + lax.axis_index("c")
    base = wid * DPT
    pltpu.sync_copy(adjt_hbm.at[:, wid], idx_v)

    def chunk(j, carry):
        descs = [pltpu.async_copy(t1_hbm.at[idx_v.at[k, j]],
                                  st_v.at[k], semg) for k in range(K)]
        for k in range(K):
            descs[k].wait()
            pltpu.sync_copy(
                st_v.at[k],
                out_hbm.at[pl.ds((k // PACK) * R + base + j * DCH, DCH),
                           pl.ds((k % PACK) * TW, TW)])
        return carry

    lax.fori_loop(0, NCH, chunk, 0)


_stage2 = functools.partial(
    pl.kernel,
    out_type=jax.ShapeDtypeStruct((RK4, 128), jnp.float32),
    mesh=plsc.VectorSubcoreMesh(core_axis_name="c", subcore_axis_name="s",
                                num_cores=NCORES, num_subcores=NSUB),
    scratch_types=[pltpu.VMEM((K, NCH, DCH), jnp.int32),
                   pltpu.VMEM((K, DCH, TW), jnp.float32),
                   pltpu.SemaphoreType.DMA],
    compiler_params=pltpu.CompilerParams(use_tc_tiling_on_sc=False),
)(_s2_body)


def _s3_body(g0_ref, g1_ref, g2_ref, g3_ref, wgt, bgt, upd_ref, sum_ref):
    e = _expand_mat()
    hsum = None
    ssum = None
    for gq in (g0_ref, g1_ref, g2_ref, g3_ref):
        g = gq[...]
        for q in range(PACK):
            xi = g[:, q * TW:q * TW + SX]
            s = g[:, q * TW + SX:q * TW + SX + C]
            t = _relu(_dot(xi, wgt[...]) + bgt[...])
            h = t * _dot(s, e)
            hsum = h if hsum is None else hsum + h
            ssum = s if ssum is None else ssum + s
    upd = hsum * _dot(1.0 / ssum, e)
    upd_ref[...] = upd
    part = jnp.sum(upd, axis=0, keepdims=True)

    @pl.when(pl.program_id(0) == 0)
    def _():
        sum_ref[...] = part

    @pl.when(pl.program_id(0) > 0)
    def _():
        sum_ref[...] = sum_ref[...] + part


def _stage3(gathered, wgt, bgt):
    rep = lambda shape: pl.BlockSpec(shape, lambda i: (0,) * len(shape))
    band = lambda q2: pl.BlockSpec((BLK3, 128),
                                   lambda i, q2=q2: (i + q2 * NBLK3, 0))
    return pl.pallas_call(
        _s3_body,
        grid=(NBLK3,),
        in_specs=[band(0), band(1), band(2), band(3),
                  rep((SX, CSO)), rep((1, CSO))],
        out_specs=[pl.BlockSpec((BLK3, CSO), lambda i: (i, 0)),
                   pl.BlockSpec((1, CSO), lambda i: (0, 0))],
        out_shape=[jax.ShapeDtypeStruct((R, CSO), jnp.float32),
                   jax.ShapeDtypeStruct((1, CSO), jnp.float32)],
    )(gathered, gathered, gathered, gathered, wgt, bgt)


def _s4_body(sum_ref, cent_ref, out_ref):
    mean = sum_ref[...] * (1.0 / R)
    nc = (1.0 - UPDATE_RATE) * cent_ref[...] + UPDATE_RATE * mean
    sq = nc * nc
    ones = jnp.ones((1, SO), jnp.float32)
    ncol = lax.dot_general(ones, sq, (((1,), (1,)), ((), ())))
    nrow = lax.dot_general(sq, ones, (((1,), (1,)), ((), ())))
    g = lax.dot_general(nc, nc, (((1,), (1,)), ((), ())))
    dist = jnp.sqrt(jnp.maximum(nrow + ncol - 2.0 * g, 1e-30))
    i = lax.broadcasted_iota(jnp.int32, (C, C), 0)
    j = lax.broadcasted_iota(jnp.int32, (C, C), 1)
    target = jnp.where(i == j, 0.0, MARGIN)
    out_ref[...] = jnp.sum(jnp.maximum(target - dist, 0.0) ** 2,
                           keepdims=True)


def _stage4(sums, cent):
    return pl.pallas_call(
        _s4_body,
        in_specs=[pl.BlockSpec((C, SO), lambda: (0, 0)),
                  pl.BlockSpec((C, SO), lambda: (0, 0))],
        out_specs=pl.BlockSpec((1, 1), lambda: (0, 0)),
        out_shape=jax.ShapeDtypeStruct((1, 1), jnp.float32),
    )(sums, cent)


def kernel(fushed_features, input_data, centroids, Wc1a, bc1a, Wc1b, bc1b,
           Wc2, bc2, Wi1a, bi1a, Wi1b, bi1b, Wi2, bi2, Wg, bg, adj):
    fushed = fushed_features.reshape(R, F)
    inp = input_data[:, 0].reshape(R, SX)
    wgt = jnp.transpose(Wg, (1, 0, 2)).reshape(SX, CSO)
    bgt = bg.reshape(1, CSO)
    r2 = lambda v: v.reshape(1, -1)

    t1 = _stage1(fushed, inp, centroids,
                 Wc1a, r2(bc1a), Wc1b, r2(bc1b), Wc2, r2(bc2),
                 Wi1a, r2(bi1a), Wi1b, r2(bi1b), Wi2, r2(bi2))

    adjg = adj + (jnp.arange(B, dtype=jnp.int32) * N)[:, None, None]
    adjt = jnp.transpose(adjg.reshape(R, K), (1, 0)).reshape(K, NW, NCH, DCH)

    gathered = _stage2(t1, adjt)
    upd, sums = _stage3(gathered, wgt, bgt)
    loss = _stage4(sums.reshape(C, SO), centroids)
    return upd.reshape(B, N, C, SO), loss[0, 0]

# --- scband reference (transcript-rebuilt; emitter-appended) ---
"""Pipeline reference for scband-clustering-dynamic-learning-common-center-2-45286135169476 (READ-ONLY COPY).

The authoritative reference and input builder live on the scoring server;
editing this copy changes nothing except your own understanding.
"""

import jax, jax.numpy as jnp
import numpy as np

B, N, K, SX, F, MID, DOUT, C, SO = 4, 10000, 16, 12, 32, 16, 16, 8, 32
MARGIN = 0.5
UPDATE_RATE = 0.01


def fast_cdist(x1, x2):
    adjustment = x1.mean(axis=-2, keepdims=True)
    x1 = x1 - adjustment
    x2 = x2 - adjustment
    x1_norm = jnp.sum(x1 ** 2, axis=-1, keepdims=True)
    x1_pad = jnp.ones_like(x1_norm)
    x2_norm = jnp.sum(x2 ** 2, axis=-1, keepdims=True)
    x2_pad = jnp.ones_like(x2_norm)
    x1_ = jnp.concatenate([-2.0 * x1, x1_norm, x1_pad], axis=-1)
    x2_ = jnp.concatenate([x2, x2_pad, x2_norm], axis=-1)
    res = x1_ @ jnp.swapaxes(x2_, -2, -1)
    return jnp.sqrt(jnp.maximum(res, 1e-30))


def setup_inputs(seed: int = 0) -> dict:
    key = jax.random.key(seed)
    ks = jax.random.split(key, 16)

    def w(k, shape, fan_in):
        return jax.random.normal(k, shape, dtype=jnp.float32) / np.sqrt(fan_in)

    inp = {}
    inp["fushed_features"] = jax.random.normal(ks[0], (B, N, F), dtype=jnp.float32)
    inp["input_data"] = jax.random.normal(ks[1], (B, 1, N, SX), dtype=jnp.float32)
    inp["centroids"] = jax.random.normal(ks[2], (C, F), dtype=jnp.float32)
    inp["Wc1a"] = w(ks[3], (F, MID), F); inp["bc1a"] = jnp.zeros((MID,), jnp.float32)
    inp["Wc1b"] = w(ks[4], (MID, DOUT), MID); inp["bc1b"] = jnp.zeros((DOUT,), jnp.float32)
    inp["Wc2"] = w(ks[5], (F, DOUT), F); inp["bc2"] = jnp.zeros((DOUT,), jnp.float32)
    inp["Wi1a"] = w(ks[6], (F, MID), F); inp["bi1a"] = jnp.zeros((MID,), jnp.float32)
    inp["Wi1b"] = w(ks[7], (MID, DOUT), MID); inp["bi1b"] = jnp.zeros((DOUT,), jnp.float32)
    inp["Wi2"] = w(ks[8], (F, DOUT), F); inp["bi2"] = jnp.zeros((DOUT,), jnp.float32)
    inp["Wg"] = w(ks[9], (C, SX, SO), SX); inp["bg"] = jnp.zeros((C, SO), jnp.float32)
    inp["adj"] = jax.random.randint(ks[10], (B, N, K), 0, N, dtype=jnp.int32)
    return inp


def _forward(fushed_features, input_data, centroids, Wc1a, bc1a, Wc1b, bc1b, Wc2, bc2,
             Wi1a, bi1a, Wi1b, bi1b, Wi2, bi2, Wg, bg, adj):
    relu = jax.nn.relu
    batch_idx = jnp.arange(B)[:, None, None]
    inp = input_data[:, 0]  # (B, N, SX)
    # gather of expanded input along neighbor (dim=2) -> (B, N, K, SX)
    input_topk = inp[batch_idx, adj]
    cent_feat = relu(relu(centroids @ Wc1a + bc1a) @ Wc1b + bc1b) + relu(centroids @ Wc2 + bc2)
    fused = relu(relu(fushed_features @ Wi1a + bi1a) @ Wi1b + bi1b) + relu(fushed_features @ Wi2 + bi2)
    simi = fast_cdist(fused.reshape(-1, DOUT), cent_feat)
    simi = jax.nn.softmax(simi.reshape(B, N, C), axis=-1)
    # gather of expanded similarity along neighbor dim -> (B, N, K, C)
    simi_topk = simi[batch_idx, adj]
    outs = []
    for i in range(C):
        wgt = relu(input_topk @ Wg[i] + bg[i])  # (B, N, K, SO)
        s = simi_topk[..., i:i + 1]  # (B, N, K, 1)
        wgt = wgt * s
        wgt = jnp.sum(wgt, axis=-2, keepdims=True) / jnp.sum(s, axis=-2, keepdims=True)
        outs.append(wgt)
    updated = jnp.concatenate(outs, axis=-2)  # (B, N, C, SO)
    new_cent = (1.0 - UPDATE_RATE) * centroids + UPDATE_RATE * updated.mean(axis=0).mean(axis=0)
    dist = fast_cdist(new_cent, new_cent)
    eye = jnp.eye(C, dtype=jnp.float32)
    target = (jnp.ones_like(eye) - eye) * MARGIN
    loss = jnp.sum(jnp.maximum(target - dist, 0.0) ** 2)
    return updated, loss


def reference(fushed_features, input_data, centroids, Wc1a, bc1a, Wc1b, bc1b, Wc2, bc2,
              Wi1a, bi1a, Wi1b, bi1b, Wi2, bi2, Wg, bg, adj):
    return _forward(fushed_features, input_data, centroids, Wc1a, bc1a, Wc1b, bc1b, Wc2, bc2,
                    Wi1a, bi1a, Wi1b, bi1b, Wi2, bi2, Wg, bg, adj)

if __name__ == "__main__":
    import jax
    _d = setup_inputs()
    print(jax.jit(kernel)(*tuple(_d.values())))

</pallas_src>

<mosaic_0001>
#map = affine_map<(d0, d1) -> (0, 0)>
#map1 = affine_map<(d0, d1) -> (0, 0, 0, 0)>
module attributes {stable_mosaic.version = 14 : i64} {
  func.func @_s2_body(%arg0: i32, %arg1: i32, %arg2: memref<40000x32xf32, #tpu.memory_space<hbm>>, %arg3: memref<16x32x10x125xi32, #tpu.memory_space<hbm>>, %arg4: memref<160000x128xf32, #tpu.memory_space<hbm>>, %arg5: memref<16x10x125xi32, #tpu.memory_space<vmem>>, %arg6: memref<16x125x32xf32, #tpu.memory_space<vmem>>, %arg7: memref<!tpu.dma_semaphore, #tpu.memory_space<semaphore_mem>>) attributes {dimension_semantics = [#tpu.dimension_semantics<core_parallel>, #tpu.dimension_semantics<subcore_parallel>], iteration_bounds = array<i64: 2, 16>, scalar_prefetch = 0 : i64, scratch_operands = 3 : i64, tpu.core_type = #tpu.core_type<sc_vector_subcore>, window_params = [{transform_indices = #map}, {transform_indices = #map1}, {transform_indices = #map}]} {
    %mul3A = arith.constant 2 : i32
    %mul3A_0 = arith.muli %arg1, %mul3A : i32
    %add3A = arith.addi %mul3A_0, %arg0 : i32
    %mul3A_1 = arith.constant 1250 : i32
    %mul3A_2 = arith.muli %add3A, %mul3A_1 : i32
    "tpu.region"() ({
      %run_scoped3A = tpu.sem_alloc : memref<!tpu.dma_semaphore, #tpu.memory_space<semaphore_mem>>
      %dma_start3A = arith.constant 0 : i32
      %dma_start3A_8 = arith.constant 0 : i32
      %dma_start3A_9 = arith.constant 0 : i32
      %dma_start3A_10 = tpu.memref_slice %arg3[%dma_start3A, %add3A, %dma_start3A_8, %dma_start3A_9] : memref<16x32x10x125xi32, #tpu.memory_space<hbm>> -> memref<16x1x10x125xi32, #tpu.memory_space<hbm>>
      %dma_start3A_11 = tpu.memref_squeeze %dma_start3A_10 : memref<16x1x10x125xi32, #tpu.memory_space<hbm>> -> memref<16x10x125xi32, #tpu.memory_space<hbm>>
      %dma_start3A_12 = arith.constant 0 : i32
      %dma_start3A_13 = arith.constant 0 : i32
      %dma_start3A_14 = arith.constant 0 : i32
      %dma_start3A_15 = tpu.memref_slice %arg3[%dma_start3A_12, %add3A, %dma_start3A_13, %dma_start3A_14] : memref<16x32x10x125xi32, #tpu.memory_space<hbm>> -> memref<16x1x10x125xi32, #tpu.memory_space<hbm>>
      %dma_start3A_16 = tpu.memref_squeeze %dma_start3A_15 : memref<16x1x10x125xi32, #tpu.memory_space<hbm>> -> memref<16x10x125xi32, #tpu.memory_space<hbm>>
      tpu.enqueue_dma source(%dma_start3A_16 : memref<16x10x125xi32, #tpu.memory_space<hbm>>) target(%arg5 : memref<16x10x125xi32, #tpu.memory_space<vmem>>) target_semaphore(%run_scoped3A : memref<!tpu.dma_semaphore, #tpu.memory_space<semaphore_mem>>)
      %dma_wait3A = arith.constant 0 : i32
      %dma_wait3A_17 = arith.constant 0 : i32
      %dma_wait3A_18 = arith.constant 0 : i32
      %dma_wait3A_19 = tpu.memref_slice %arg3[%dma_wait3A, %add3A, %dma_wait3A_17, %dma_wait3A_18] : memref<16x32x10x125xi32, #tpu.memory_space<hbm>> -> memref<16x1x10x125xi32, #tpu.memory_space<hbm>>
      %dma_wait3A_20 = tpu.memref_squeeze %dma_wait3A_19 : memref<16x1x10x125xi32, #tpu.memory_space<hbm>> -> memref<16x10x125xi32, #tpu.memory_space<hbm>>
      %dma_wait3A_21 = arith.constant 0 : i32
      %dma_wait3A_22 = arith.constant 0 : i32
      %dma_wait3A_23 = arith.constant 0 : i32
      %dma_wait3A_24 = tpu.memref_slice %arg3[%dma_wait3A_21, %add3A, %dma_wait3A_22, %dma_wait3A_23] : memref<16x32x10x125xi32, #tpu.memory_space<hbm>> -> memref<16x1x10x125xi32, #tpu.memory_space<hbm>>
      %dma_wait3A_25 = tpu.memref_squeeze %dma_wait3A_24 : memref<16x1x10x125xi32, #tpu.memory_space<hbm>> -> memref<16x10x125xi32, #tpu.memory_space<hbm>>
      tpu.wait_dma2 semaphore(%run_scoped3A : memref<!tpu.dma_semaphore, #tpu.memory_space<semaphore_mem>>) src(%dma_wait3A_25 : memref<16x10x125xi32, #tpu.memory_space<hbm>>) dst(%arg5 : memref<16x10x125xi32, #tpu.memory_space<vmem>>)
      tpu.yield
    }) : () -> ()
    %scan3A = arith.constant 0 : i32
    %scan3A_3 = arith.constant 0 : i32
    %scan3A_4 = arith.constant 10 : i32
    %scan3A_5 = arith.addi %scan3A_3, %scan3A_4 : i32
    %scan3A_6 = arith.constant 1 : i32
    scf.for %scan3A_8 = %scan3A_3 to %scan3A_5 step %scan3A_6  : i32 {
      %dma_start3A = arith.constant 0 : i32
      %dma_start3A_9 = arith.constant 0 : i32
      %dma_start3A_10 = arith.constant 0 : i32
      %dma_start3A_11 = arith.constant 0 : i32
      %dma_start3A_12 = tpu.memref_slice %arg6[%dma_start3A_9, %dma_start3A_10, %dma_start3A_11] : memref<16x125x32xf32, #tpu.memory_space<vmem>> -> memref<1x125x32xf32, #tpu.memory_space<vmem>>
      %dma_start3A_13 = tpu.memref_squeeze %dma_start3A_12 : memref<1x125x32xf32, #tpu.memory_space<vmem>> -> memref<125x32xf32, #tpu.memory_space<vmem>>
      %dma_start3A_14 = arith.constant 0 : i32
      %dma_start3A_15 = tpu.memref_slice %arg5[%dma_start3A, %scan3A_8, %dma_start3A_14] : memref<16x10x125xi32, #tpu.memory_space<vmem>> -> memref<1x1x125xi32, #tpu.memory_space<vmem>>
      %dma_start3A_16 = tpu.memref_squeeze %dma_start3A_15 : memref<1x1x125xi32, #tpu.memory_space<vmem>> -> memref<125xi32, #tpu.memory_space<vmem>>
      %dma_start3A_17 = arith.constant 0 : i32
      %dma_start3A_18 = arith.constant 0 : i32
      %dma_start3A_19 = tpu.memref_slice %arg2[%dma_start3A_17, %dma_start3A_18] : memref<40000x32xf32, #tpu.memory_space<hbm>> -> memref<40000x32xf32, #tpu.memory_space<hbm>>
      tpu.enqueue_indirect_dma source(%dma_start3A_19 : memref<40000x32xf32, #tpu.memory_space<hbm>>) target(%dma_start3A_13 : memref<125x32xf32, #tpu.memory_space<vmem>>) offsets(%dma_start3A_16 : memref<125xi32, #tpu.memory_space<vmem>>) semaphore(%arg7 : memref<!tpu.dma_semaphore, #tpu.memory_space<semaphore_mem>>)
      %dma_start3A_20 = arith.constant 1 : i32
      %dma_start3A_21 = arith.constant 1 : i32
      %dma_start3A_22 = arith.constant 0 : i32
      %dma_start3A_23 = arith.constant 0 : i32
      %dma_start3A_24 = tpu.memref_slice %arg6[%dma_start3A_21, %dma_start3A_22, %dma_start3A_23] : memref<16x125x32xf32, #tpu.memory_space<vmem>> -> memref<1x125x32xf32, #tpu.memory_space<vmem>>
      %dma_start3A_25 = tpu.memref_squeeze %dma_start3A_24 : memref<1x125x32xf32, #tpu.memory_space<vmem>> -> memref<125x32xf32, #tpu.memory_space<vmem>>
      %dma_start3A_26 = arith.constant 0 : i32
      %dma_start3A_27 = tpu.memref_slice %arg5[%dma_start3A_20, %scan3A_8, %dma_start3A_26] : memref<16x10x125xi32, #tpu.memory_space<vmem>> -> memref<1x1x125xi32, #tpu.memory_space<vmem>>
      %dma_start3A_28 = tpu.memref_squeeze %dma_start3A_27 : memref<1x1x125xi32, #tpu.memory_space<vmem>> -> memref<125xi32, #tpu.memory_space<vmem>>
      %dma_start3A_29 = arith.constant 0 : i32
      %dma_start3A_30 = arith.constant 0 : i32
      %dma_start3A_31 = tpu.memref_slice %arg2[%dma_start3A_29, %dma_start3A_30] : memref<40000x32xf32, #tpu.memory_space<hbm>> -> memref<40000x32xf32, #tpu.memory_space<hbm>>
      tpu.enqueue_indirect_dma source(%dma_start3A_31 : memref<40000x32xf32, #tpu.memory_space<hbm>>) target(%dma_start3A_25 : memref<125x32xf32, #tpu.memory_space<vmem>>) offsets(%dma_start3A_28 : memref<125xi32, #tpu.memory_space<vmem>>) semaphore(%arg7 : memref<!tpu.dma_semaphore, #tpu.memory_space<semaphore_mem>>)
      %dma_start3A_32 = arith.constant 2 : i32
      %dma_start3A_33 = arith.constant 2 : i32
      %dma_start3A_34 = arith.constant 0 : i32
      %dma_start3A_35 = arith.constant 0 : i32
      %dma_start3A_36 = tpu.memref_slice %arg6[%dma_start3A_33, %dma_start3A_34, %dma_start3A_35] : memref<16x125x32xf32, #tpu.memory_space<vmem>> -> memref<1x125x32xf32, #tpu.memory_space<vmem>>
      %dma_start3A_37 = tpu.memref_squeeze %dma_start3A_36 : memref<1x125x32xf32, #tpu.memory_space<vmem>> -> memref<125x32xf32, #tpu.memory_space<vmem>>
      %dma_start3A_38 = arith.constant 0 : i32
      %dma_start3A_39 = tpu.memref_slice %arg5[%dma_start3A_32, %scan3A_8, %dma_start3A_38] : memref<16x10x125xi32, #tpu.memory_space<vmem>> -> memref<1x1x125xi32, #tpu.memory_space<vmem>>
      %dma_start3A_40 = tpu.memref_squeeze %dma_start3A_39 : memref<1x1x125xi32, #tpu.memory_space<vmem>> -> memref<125xi32, #tpu.memory_space<vmem>>
      %dma_start3A_41 = arith.constant 0 : i32
      %dma_start3A_42 = arith.constant 0 : i32
      %dma_start3A_43 = tpu.memref_slice %arg2[%dma_start3A_41, %dma_start3A_42] : memref<40000x32xf32, #tpu.memory_space<hbm>> -> memref<40000x32xf32, #tpu.memory_space<hbm>>
      tpu.enqueue_indirect_dma source(%dma_start3A_43 : memref<40000x32xf32, #tpu.memory_space<hbm>>) target(%dma_start3A_37 : memref<125x32xf32, #tpu.memory_space<vmem>>) offsets(%dma_start3A_40 : memref<125xi32, #tpu.memory_space<vmem>>) semaphore(%arg7 : memref<!tpu.dma_semaphore, #tpu.memory_space<semaphore_mem>>)
      %dma_start3A_44 = arith.constant 3 : i32
      %dma_start3A_45 = arith.constant 3 : i32
      %dma_start3A_46 = arith.constant 0 : i32
      %dma_start3A_47 = arith.constant 0 : i32
      %dma_start3A_48 = tpu.memref_slice %arg6[%dma_start3A_45, %dma_start3A_46, %dma_start3A_47] : memref<16x125x32xf32, #tpu.memory_space<vmem>> -> memref<1x125x32xf32, #tpu.memory_space<vmem>>
      %dma_start3A_49 = tpu.memref_squeeze %dma_start3A_48 : memref<1x125x32xf32, #tpu.memory_space<vmem>> -> memref<125x32xf32, #tpu.memory_space<vmem>>
      %dma_start3A_50 = arith.constant 0 : i32
      %dma_start3A_51 = tpu.memref_slice %arg5[%dma_start3A_44, %scan3A_8, %dma_start3A_50] : memref<16x10x125xi32, #tpu.memory_space<vmem>> -> memref<1x1x125xi32, #tpu.memory_space<vmem>>
      %dma_start3A_52 = tpu.memref_squeeze %dma_start3A_51 : memref<1x1x125xi32, #tpu.memory_space<vmem>> -> memref<125xi32, #tpu.memory_space<vmem>>
      %dma_start3A_53 = arith.constant 0 : i32
      %dma_start3A_54 = arith.constant 0 : i32
      %dma_start3A_55 = tpu.memref_slice %arg2[%dma_start3A_53, %dma_start3A_54] : memref<40000x32xf32, #tpu.memory_space<hbm>> -> memref<40000x32xf32, #tpu.memory_space<hbm>>
      tpu.enqueue_indirect_dma source(%dma_start3A_55 : memref<40000x32xf32, #tpu.memory_space<hbm>>) target(%dma_start3A_49 : memref<125x32xf32, #tpu.memory_space<vmem>>) offsets(%dma_start3A_52 : memref<125xi32, #tpu.memory_space<vmem>>) semaphore(%arg7 : memref<!tpu.dma_semaphore, #tpu.memory_space<semaphore_mem>>)
      %dma_start3A_56 = arith.constant 4 : i32
      %dma_start3A_57 = arith.constant 4 : i32
      %dma_start3A_58 = arith.constant 0 : i32
      %dma_start3A_59 = arith.constant 0 : i32
      %dma_start3A_60 = tpu.memref_slice %arg6[%dma_start3A_57, %dma_start3A_58, %dma_start3A_59] : memref<16x125x32xf32, #tpu.memory_space<vmem>> -> memref<1x125x32xf32, #tpu.memory_space<vmem>>
      %dma_start3A_61 = tpu.memref_squeeze %dma_start3A_60 : memref<1x125x32xf32, #tpu.memory_space<vmem>> -> memref<125x32xf32, #tpu.memory_space<vmem>>
      %dma_start3A_62 = arith.constant 0 : i32
      %dma_start3A_63 = tpu.memref_slice %arg5[%dma_start3A_56, %scan3A_8, %dma_start3A_62] : memref<16x10x125xi32, #tpu.memory_space<vmem>> -> memref<1x1x125xi32, #tpu.memory_space<vmem>>
      %dma_start3A_64 = tpu.memref_squeeze %dma_start3A_63 : memref<1x1x125xi32, #tpu.memory_space<vmem>> -> memref<125xi32, #tpu.memory_space<vmem>>
      %dma_start3A_65 = arith.constant 0 : i32
      %dma_start3A_66 = arith.constant 0 : i32
      %dma_start3A_67 = tpu.memref_slice %arg2[%dma_start3A_65, %dma_start3A_66] : memref<40000x32xf32, #tpu.memory_space<hbm>> -> memref<40000x32xf32, #tpu.memory_space<hbm>>
      tpu.enqueue_indirect_dma source(%dma_start3A_67 : memref<40000x32xf32, #tpu.memory_space<hbm>>) target(%dma_start3A_61 : memref<125x32xf32, #tpu.memory_space<vmem>>) offsets(%dma_start3A_64 : memref<125xi32, #tpu.memory_space<vmem>>) semaphore(%arg7 : memref<!tpu.dma_semaphore, #tpu.memory_space<semaphore_mem>>)
      %dma_start3A_68 = arith.constant 5 : i32
      %dma_start3A_69 = arith.constant 5 : i32
      %dma_start3A_70 = arith.constant 0 : i32
      %dma_start3A_71 = arith.constant 0 : i32
      %dma_start3A_72 = tpu.memref_slice %arg6[%dma_start3A_69, %dma_start3A_70, %dma_start3A_71] : memref<16x125x32xf32, #tpu.memory_space<vmem>> -> memref<1x125x32xf32, #tpu.memory_space<vmem>>
      %dma_start3A_73 = tpu.memref_squeeze %dma_start3A_72 : memref<1x125x32xf32, #tpu.memory_space<vmem>> -> memref<125x32xf32, #tpu.memory_space<vmem>>
      %dma_start3A_74 = arith.constant 0 : i32
      %dma_start3A_75 = tpu.memref_slice %arg5[%dma_start3A_68, %scan3A_8, %dma_start3A_74] : memref<16x10x125xi32, #tpu.memory_space<vmem>> -> memref<1x1x125xi32, #tpu.memory_space<vmem>>
      %dma_start3A_76 = tpu.memref_squeeze %dma_start3A_75 : memref<1x1x125xi32, #tpu.memory_space<vmem>> -> memref<125xi32, #tpu.memory_space<vmem>>
      %dma_start3A_77 = arith.constant 0 : i32
      %dma_start3A_78 = arith.constant 0 : i32
      %dma_start3A_79 = tpu.memref_slice %arg2[%dma_start3A_77, %dma_start3A_78] : memref<40000x32xf32, #tpu.memory_space<hbm>> -> memref<40000x32xf32, #tpu.memory_space<hbm>>
      tpu.enqueue_indirect_dma source(%dma_start3A_79 : memref<40000x32xf32, #tpu.memory_space<hbm>>) target(%dma_start3A_73 : memref<125x32xf32, #tpu.memory_space<vmem>>) offsets(%dma_start3A_76 : memref<125xi32, #tpu.memory_space<vmem>>) semaphore(%arg7 : memref<!tpu.dma_semaphore, #tpu.memory_space<semaphore_mem>>)
      %dma_start3A_80 = arith.constant 6 : i32
      %dma_start3A_81 = arith.constant 6 : i32
      %dma_start3A_82 = arith.constant 0 : i32
      %dma_start3A_83 = arith.constant 0 : i32
      %dma_start3A_84 = tpu.memref_slice %arg6[%dma_start3A_81, %dma_start3A_82, %dma_start3A_83] : memref<16x125x32xf32, #tpu.memory_space<vmem>> -> memref<1x125x32xf32, #tpu.memory_space<vmem>>
      %dma_start3A_85 = tpu.memref_squeeze %dma_start3A_84 : memref<1x125x32xf32, #tpu.memory_space<vmem>> -> memref<125x32xf32, #tpu.memory_space<vmem>>
      %dma_start3A_86 = arith.constant 0 : i32
      %dma_start3A_87 = tpu.memref_slice %arg5[%dma_start3A_80, %scan3A_8, %dma_start3A_86] : memref<16x10x125xi32, #tpu.memory_space<vmem>> -> memref<1x1x125xi32, #tpu.memory_space<vmem>>
      %dma_start3A_88 = tpu.memref_squeeze %dma_start3A_87 : memref<1x1x125xi32, #tpu.memory_space<vmem>> -> memref<125xi32, #tpu.memory_space<vmem>>
      %dma_start3A_89 = arith.constant 0 : i32
      %dma_start3A_90 = arith.constant 0 : i32
      %dma_start3A_91 = tpu.memref_slice %arg2[%dma_start3A_89, %dma_start3A_90] : memref<40000x32xf32, #tpu.memory_space<hbm>> -> memref<40000x32xf32, #tpu.memory_space<hbm>>
      tpu.enqueue_indirect_dma source(%dma_start3A_91 : memref<40000x32xf32, #tpu.memory_space<hbm>>) target(%dma_start3A_85 : memref<125x32xf32, #tpu.memory_space<vmem>>) offsets(%dma_start3A_88 : memref<125xi32, #tpu.memory_space<vmem>>) semaphore(%arg7 : memref<!tpu.dma_semaphore, #tpu.memory_space<semaphore_mem>>)
      %dma_start3A_92 = arith.constant 7 : i32
      %dma_start3A_93 = arith.constant 7 : i32
      %dma_start3A_94 = arith.constant 0 : i32
      %dma_start3A_95 = arith.constant 0 : i32
      %dma_start3A_96 = tpu.memref_slice %arg6[%dma_start3A_93, %dma_start3A_94, %dma_start3A_95] : memref<16x125x32xf32, #tpu.memory_space<vmem>> -> memref<1x125x32xf32, #tpu.memory_space<vmem>>
      %dma_start3A_97 = tpu.memref_squeeze %dma_start3A_96 : memref<1x125x32xf32, #tpu.memory_space<vmem>> -> memref<125x32xf32, #tpu.memory_space<vmem>>
      %dma_start3A_98 = arith.constant 0 : i32
      %dma_start3A_99 = tpu.memref_slice %arg5[%dma_start3A_92, %scan3A_8, %dma_start3A_98] : memref<16x10x125xi32, #tpu.memory_space<vmem>> -> memref<1x1x125xi32, #tpu.memory_space<vmem>>
      %dma_start3A_100 = tpu.memref_squeeze %dma_start3A_99 : memref<1x1x125xi32, #tpu.memory_space<vmem>> -> memref<125xi32, #tpu.memory_space<vmem>>
      %dma_start3A_101 = arith.constant 0 : i32
      %dma_start3A_102 = arith.constant 0 : i32
      %dma_start3A_103 = tpu.memref_slice %arg2[%dma_start3A_101, %dma_start3A_102] : memref<40000x32xf32, #tpu.memory_space<hbm>> -> memref<40000x32xf32, #tpu.memory_space<hbm>>
      tpu.enqueue_indirect_dma source(%dma_start3A_103 : memref<40000x32xf32, #tpu.memory_space<hbm>>) target(%dma_start3A_97 : memref<125x32xf32, #tpu.memory_space<vmem>>) offsets(%dma_start3A_100 : memref<125xi32, #tpu.memory_space<vmem>>) semaphore(%arg7 : memref<!tpu.dma_semaphore, #tpu.memory_space<semaphore_mem>>)
      %dma_start3A_104 = arith.constant 8 : i32
      %dma_start3A_105 = arith.constant 8 : i32
      %dma_start3A_106 = arith.constant 0 : i32
      %dma_start3A_107 = arith.constant 0 : i32
      %dma_start3A_108 = tpu.memref_slice %arg6[%dma_start3A_105, %dma_start3A_106, %dma_start3A_107] : memref<16x125x32xf32, #tpu.memory_space<vmem>> -> memref<1x125x32xf32, #tpu.memory_space<vmem>>
      %dma_start3A_109 = tpu.memref_squeeze %dma_start3A_108 : memref<1x125x32xf32, #tpu.memory_space<vmem>> -> memref<125x32xf32, #tpu.memory_space<vmem>>
      %dma_start3A_110 = arith.constant 0 : i32
      %dma_start3A_111 = tpu.memref_slice %arg5[%dma_start3A_104, %scan3A_8, %dma_start3A_110] : memref<16x10x125xi32, #tpu.memory_space<vmem>> -> memref<1x1x125xi32, #tpu.memory_space<vmem>>
      %dma_start3A_112 = tpu.memref_squeeze %dma_start3A_111 : memref<1x1x125xi32, #tpu.memory_space<vmem>> -> memref<125xi32, #tpu.memory_space<vmem>>
      %dma_start3A_113 = arith.constant 0 : i32
      %dma_start3A_114 = arith.constant 0 : i32
      %dma_start3A_115 = tpu.memref_slice %arg2[%dma_start3A_113, %dma_start3A_114] : memref<40000x32xf32, #tpu.memory_space<hbm>> -> memref<40000x32xf32, #tpu.memory_space<hbm>>
      tpu.enqueue_indirect_dma source(%dma_start3A_115 : memref<40000x32xf32, #tpu.memory_space<hbm>>) target(%dma_start3A_109 : memref<125x32xf32, #tpu.memory_space<vmem>>) offsets(%dma_start3A_112 : memref<125xi32, #tpu.memory_space<vmem>>) semaphore(%arg7 : memref<!tpu.dma_semaphore, #tpu.memory_space<semaphore_mem>>)
      %dma_start3A_116 = arith.constant 9 : i32
      %dma_start3A_117 = arith.constant 9 : i32
      %dma_start3A_118 = arith.constant 0 : i32
      %dma_start3A_119 = arith.constant 0 : i32
      %dma_start3A_120 = tpu.memref_slice %arg6[%dma_start3A_117, %dma_start3A_118, %dma_start3A_119] : memref<16x125x32xf32, #tpu.memory_space<vmem>> -> memref<1x125x32xf32, #tpu.memory_space<vmem>>
      %dma_start3A_121 = tpu.memref_squeeze %dma_start3A_120 : memref<1x125x32xf32, #tpu.memory_space<vmem>> -> memref<125x32xf32, #tpu.memory_space<vmem>>
      %dma_start3A_122 = arith.constant 0 : i32
      %dma_start3A_123 = tpu.memref_slice %arg5[%dma_start3A_116, %scan3A_8, %dma_start3A_122] : memref<16x10x125xi32, #tpu.memory_space<vmem>> -> memref<1x1x125xi32, #tpu.memory_space<vmem>>
      %dma_start3A_124 = tpu.memref_squeeze %dma_start3A_123 : memref<1x1x125xi32, #tpu.memory_space<vmem>> -> memref<125xi32, #tpu.memory_space<vmem>>
      %dma_start3A_125 = arith.constant 0 : i32
      %dma_start3A_126 = arith.constant 0 : i32
      %dma_start3A_127 = tpu.memref_slice %arg2[%dma_start3A_125, %dma_start3A_126] : memref<40000x32xf32, #tpu.memory_space<hbm>> -> memref<40000x32xf32, #tpu.memory_space<hbm>>
      tpu.enqueue_indirect_dma source(%dma_start3A_127 : memref<40000x32xf32, #tpu.memory_space<hbm>>) target(%dma_start3A_121 : memref<125x32xf32, #tpu.memory_space<vmem>>) offsets(%dma_start3A_124 : memref<125xi32, #tpu.memory_space<vmem>>) semaphore(%arg7 : memref<!tpu.dma_semaphore, #tpu.memory_space<semaphore_mem>>)
      %dma_start3A_128 = arith.constant 10 : i32
      %dma_start3A_129 = arith.constant 10 : i32
      %dma_start3A_130 = arith.constant 0 : i32
      %dma_start3A_131 = arith.constant 0 : i32
      %dma_start3A_132 = tpu.memref_slice %arg6[%dma_start3A_129, %dma_start3A_130, %dma_start3A_131] : memref<16x125x32xf32, #tpu.memory_space<vmem>> -> memref<1x125x32xf32, #tpu.memory_space<vmem>>
      %dma_start3A_133 = tpu.memref_squeeze %dma_start3A_132 : memref<1x125x32xf32, #tpu.memory_space<vmem>> -> memref<125x32xf32, #tpu.memory_space<vmem>>
      %dma_start3A_134 = arith.constant 0 : i32
      %dma_start3A_135 = tpu.memref_slice %arg5[%dma_start3A_128, %scan3A_8, %dma_start3A_134] : memref<16x10x125xi32, #tpu.memory_space<vmem>> -> memref<1x1x125xi32, #tpu.memory_space<vmem>>
      %dma_start3A_136 = tpu.memref_squeeze %dma_start3A_135 : memref<1x1x125xi32, #tpu.memory_space<vmem>> -> memref<125xi32, #tpu.memory_space<vmem>>
      %dma_start3A_137 = arith.constant 0 : i32
      %dma_start3A_138 = arith.constant 0 : i32
      %dma_start3A_139 = tpu.memref_slice %arg2[%dma_start3A_137, %dma_start3A_138] : memref<40000x32xf32, #tpu.memory_space<hbm>> -> memref<40000x32xf32, #tpu.memory_space<hbm>>
      tpu.enqueue_indirect_dma source(%dma_start3A_139 : memref<40000x32xf32, #tpu.memory_space<hbm>>) target(%dma_start3A_133 : memref<125x32xf32, #tpu.memory_space<vmem>>) offsets(%dma_start3A_136 : memref<125xi32, #tpu.memory_space<vmem>>) semaphore(%arg7 : memref<!tpu.dma_semaphore, #tpu.memory_space<semaphore_mem>>)
      %dma_start3A_140 = arith.constant 11 : i32
      %dma_start3A_141 = arith.constant 11 : i32
      %dma_start3A_142 = arith.constant 0 : i32
      %dma_start3A_143 = arith.constant 0 : i32
      %dma_start3A_144 = tpu.memref_slice %arg6[%dma_start3A_141, %dma_start3A_142, %dma_start3A_143] : memref<16x125x32xf32, #tpu.memory_space<vmem>> -> memref<1x125x32xf32, #tpu.memory_space<vmem>>
      %dma_start3A_145 = tpu.memref_squeeze %dma_start3A_144 : memref<1x125x32xf32, #tpu.memory_space<vmem>> -> memref<125x32xf32, #tpu.memory_space<vmem>>
      %dma_start3A_146 = arith.constant 0 : i32
      %dma_start3A_147 = tpu.memref_slice %arg5[%dma_start3A_140, %scan3A_8, %dma_start3A_146] : memref<16x10x125xi32, #tpu.memory_space<vmem>> -> memref<1x1x125xi32, #tpu.memory_space<vmem>>
      %dma_start3A_148 = tpu.memref_squeeze %dma_start3A_147 : memref<1x1x125xi32, #tpu.memory_space<vmem>> -> memref<125xi32, #tpu.memory_space<vmem>>
      %dma_start3A_149 = arith.constant 0 : i32
      %dma_start3A_150 = arith.constant 0 : i32
      %dma_start3A_151 = tpu.memref_slice %arg2[%dma_start3A_149, %dma_start3A_150] : memref<40000x32xf32, #tpu.memory_space<hbm>> -> memref<40000x32xf32, #tpu.memory_space<hbm>>
      tpu.enqueue_indirect_dma source(%dma_start3A_151 : memref<40000x32xf32, #tpu.memory_space<hbm>>) target(%dma_start3A_145 : memref<125x32xf32, #tpu.memory_space<vmem>>) offsets(%dma_start3A_148 : memref<125xi32, #tpu.memory_space<vmem>>) semaphore(%arg7 : memref<!tpu.dma_semaphore, #tpu.memory_space<semaphore_mem>>)
      %dma_start3A_152 = arith.constant 12 : i32
      %dma_start3A_153 = arith.constant 12 : i32
      %dma_start3A_154 = arith.constant 0 : i32
      %dma_start3A_155 = arith.constant 0 : i32
      %dma_start3A_156 = tpu.memref_slice %arg6[%dma_start3A_153, %dma_start3A_154, %dma_start3A_155] : memref<16x125x32xf32, #tpu.memory_space<vmem>> -> memref<1x125x32xf32, #tpu.memory_space<vmem>>
      %dma_start3A_157 = tpu.memref_squeeze %dma_start3A_156 : memref<1x125x32xf32, #tpu.memory_space<vmem>> -> memref<125x32xf32, #tpu.memory_space<vmem>>
      %dma_start3A_158 = arith.constant 0 : i32
      %dma_start3A_159 = tpu.memref_slice %arg5[%dma_start3A_152, %scan3A_8, %dma_start3A_158] : memref<16x10x125xi32, #tpu.memory_space<vmem>> -> memref<1x1x125xi32, #tpu.memory_space<vmem>>
      %dma_start3A_160 = tpu.memref_squeeze %dma_start3A_159 : memref<1x1x125xi32, #tpu.memory_space<vmem>> -> memref<125xi32, #tpu.memory_space<vmem>>
      %dma_start3A_161 = arith.constant 0 : i32
      %dma_start3A_162 = arith.constant 0 : i32
      %dma_start3A_163 = tpu.memref_slice %arg2[%dma_start3A_161, %dma_start3A_162] : memref<40000x32xf32, #tpu.memory_space<hbm>> -> memref<40000x32xf32, #tpu.memory_space<hbm>>
      tpu.enqueue_indirect_dma source(%dma_start3A_163 : memref<40000x32xf32, #tpu.memory_space<hbm>>) target(%dma_start3A_157 : memref<125x32xf32, #tpu.memory_space<vmem>>) offsets(%dma_start3A_160 : memref<125xi32, #tpu.memory_space<vmem>>) semaphore(%arg7 : memref<!tpu.dma_semaphore, #tpu.memory_space<semaphore_mem>>)
      %dma_start3A_164 = arith.constant 13 : i32
      %dma_start3A_165 = arith.constant 13 : i32
      %dma_start3A_166 = arith.constant 0 : i32
      %dma_start3A_167 = arith.constant 0 : i32
      %dma_start3A_168 = tpu.memref_slice %arg6[%dma_start3A_165, %dma_start3A_166, %dma_start3A_167] : memref<16x125x32xf32, #tpu.memory_space<vmem>> -> memref<1x125x32xf32, #tpu.memory_space<vmem>>
      %dma_start3A_169 = tpu.memref_squeeze %dma_start3A_168 : memref<1x125x32xf32, #tpu.memory_space<vmem>> -> memref<125x32xf32, #tpu.memory_space<vmem>>
      %dma_start3A_170 = arith.constant 0 : i32
      %dma_start3A_171 = tpu.memref_slice %arg5[%dma_start3A_164, %scan3A_8, %dma_start3A_170] : memref<16x10x125xi32, #tpu.memory_space<vmem>> -> memref<1x1x125xi32, #tpu.memory_space<vmem>>
      %dma_start3A_172 = tpu.memref_squeeze %dma_start3A_171 : memref<1x1x125xi32, #tpu.memory_space<vmem>> -> memref<125xi32, #tpu.memory_space<vmem>>
      %dma_start3A_173 = arith.constant 0 : i32
      %dma_start3A_174 = arith.constant 0 : i32
      %dma_start3A_175 = tpu.memref_slice %arg2[%dma_start3A_173, %dma_start3A_174] : memref<40000x32xf32, #tpu.memory_space<hbm>> -> memref<40000x32xf32, #tpu.memory_space<hbm>>
      tpu.enqueue_indirect_dma source(%dma_start3A_175 : memref<40000x32xf32, #tpu.memory_space<hbm>>) target(%dma_start3A_169 : memref<125x32xf32, #tpu.memory_space<vmem>>) offsets(%dma_start3A_172 : memref<125xi32, #tpu.memory_space<vmem>>) semaphore(%arg7 : memref<!tpu.dma_semaphore, #tpu.memory_space<semaphore_mem>>)
      %dma_start3A_176 = arith.constant 14 : i32
      %dma_start3A_177 = arith.constant 14 : i32
      %dma_start3A_178 = arith.constant 0 : i32
      %dma_start3A_179 = arith.constant 0 : i32
      %dma_start3A_180 = tpu.memref_slice %arg6[%dma_start3A_177, %dma_start3A_178, %dma_start3A_179] : memref<16x125x32xf32, #tpu.memory_space<vmem>> -> memref<1x125x32xf32, #tpu.memory_space<vmem>>
      %dma_start3A_181 = tpu.memref_squeeze %dma_start3A_180 : memref<1x125x32xf32, #tpu.memory_space<vmem>> -> memref<125x32xf32, #tpu.memory_space<vmem>>
      %dma_start3A_182 = arith.constant 0 : i32
      %dma_start3A_183 = tpu.memref_slice %arg5[%dma_start3A_176, %scan3A_8, %dma_start3A_182] : memref<16x10x125xi32, #tpu.memory_space<vmem>> -> memref<1x1x125xi32, #tpu.memory_space<vmem>>
      %dma_start3A_184 = tpu.memref_squeeze %dma_start3A_183 : memref<1x1x125xi32, #tpu.memory_space<vmem>> -> memref<125xi32, #tpu.memory_space<vmem>>
      %dma_start3A_185 = arith.constant 0 : i32
      %dma_start3A_186 = arith.constant 0 : i32
      %dma_start3A_187 = tpu.memref_slice %arg2[%dma_start3A_185, %dma_start3A_186] : memref<40000x32xf32, #tpu.memory_space<hbm>> -> memref<40000x32xf32, #tpu.memory_space<hbm>>
      tpu.enqueue_indirect_dma source(%dma_start3A_187 : memref<40000x32xf32, #tpu.memory_space<hbm>>) target(%dma_start3A_181 : memref<125x32xf32, #tpu.memory_space<vmem>>) offsets(%dma_start3A_184 : memref<125xi32, #tpu.memory_space<vmem>>) semaphore(%arg7 : memref<!tpu.dma_semaphore, #tpu.memory_space<semaphore_mem>>)
      %dma_start3A_188 = arith.constant 15 : i32
      %dma_start3A_189 = arith.constant 15 : i32
      %dma_start3A_190 = arith.constant 0 : i32
      %dma_start3A_191 = arith.constant 0 : i32
      %dma_start3A_192 = tpu.memref_slice %arg6[%dma_start3A_189, %dma_start3A_190, %dma_start3A_191] : memref<16x125x32xf32, #tpu.memory_space<vmem>> -> memref<1x125x32xf32, #tpu.memory_space<vmem>>
      %dma_start3A_193 = tpu.memref_squeeze %dma_start3A_192 : memref<1x125x32xf32, #tpu.memory_space<vmem>> -> memref<125x32xf32, #tpu.memory_space<vmem>>
      %dma_start3A_194 = arith.constant 0 : i32
      %dma_start3A_195 = tpu.memref_slice %arg5[%dma_start3A_188, %scan3A_8, %dma_start3A_194] : memref<16x10x125xi32, #tpu.memory_space<vmem>> -> memref<1x1x125xi32, #tpu.memory_space<vmem>>
      %dma_start3A_196 = tpu.memref_squeeze %dma_start3A_195 : memref<1x1x125xi32, #tpu.memory_space<vmem>> -> memref<125xi32, #tpu.memory_space<vmem>>
      %dma_start3A_197 = arith.constant 0 : i32
      %dma_start3A_198 = arith.constant 0 : i32
      %dma_start3A_199 = tpu.memref_slice %arg2[%dma_start3A_197, %dma_start3A_198] : memref<40000x32xf32, #tpu.memory_space<hbm>> -> memref<40000x32xf32, #tpu.memory_space<hbm>>
      tpu.enqueue_indirect_dma source(%dma_start3A_199 : memref<40000x32xf32, #tpu.memory_space<hbm>>) target(%dma_start3A_193 : memref<125x32xf32, #tpu.memory_space<vmem>>) offsets(%dma_start3A_196 : memref<125xi32, #tpu.memory_space<vmem>>) semaphore(%arg7 : memref<!tpu.dma_semaphore, #tpu.memory_space<semaphore_mem>>)
      %dma_wait3A = arith.constant 0 : i32
      %dma_wait3A_200 = arith.constant 0 : i32
      %dma_wait3A_201 = arith.constant 0 : i32
      %dma_wait3A_202 = arith.constant 0 : i32
      %dma_wait3A_203 = tpu.memref_slice %arg6[%dma_wait3A_200, %dma_wait3A_201, %dma_wait3A_202] : memref<16x125x32xf32, #tpu.memory_space<vmem>> -> memref<1x125x32xf32, #tpu.memory_space<vmem>>
      %dma_wait3A_204 = tpu.memref_squeeze %dma_wait3A_203 : memref<1x125x32xf32, #tpu.memory_space<vmem>> -> memref<125x32xf32, #tpu.memory_space<vmem>>
      %dma_wait3A_205 = arith.constant 0 : i32
      %dma_wait3A_206 = tpu.memref_slice %arg5[%dma_wait3A, %scan3A_8, %dma_wait3A_205] : memref<16x10x125xi32, #tpu.memory_space<vmem>> -> memref<1x1x125xi32, #tpu.memory_space<vmem>>
      %dma_wait3A_207 = tpu.memref_squeeze %dma_wait3A_206 : memref<1x1x125xi32, #tpu.memory_space<vmem>> -> memref<125xi32, #tpu.memory_space<vmem>>
      %dma_wait3A_208 = arith.constant 0 : i32
      %dma_wait3A_209 = arith.constant 0 : i32
      %dma_wait3A_210 = tpu.memref_slice %arg2[%dma_wait3A_208, %dma_wait3A_209] : memref<40000x32xf32, #tpu.memory_space<hbm>> -> memref<40000x32xf32, #tpu.memory_space<hbm>>
      tpu.wait_indirect_dma semaphore(%arg7 : memref<!tpu.dma_semaphore, #tpu.memory_space<semaphore_mem>>) src(%dma_wait3A_210 : memref<40000x32xf32, #tpu.memory_space<hbm>>) dst(%dma_wait3A_204 : memref<125x32xf32, #tpu.memory_space<vmem>>)
      %add3A_211 = arith.constant 0 : i32
      %add3A_212 = arith.addi %add3A_211, %mul3A_2 : i32
      %mul3A_213 = arith.constant 125 : i32
      %mul3A_214 = arith.muli %scan3A_8, %mul3A_213 : i32
      %add3A_215 = arith.addi %add3A_212, %mul3A_214 : i32
      %run_scoped3A = arith.constant 0 : i32
      "tpu.region"() ({
        %run_scoped3A_486 = tpu.sem_alloc : memref<!tpu.dma_semaphore, #tpu.memory_space<semaphore_mem>>
        %dma_start3A_487 = arith.constant 0 : i32
        %dma_start3A_488 = arith.constant 0 : i32
        %dma_start3A_489 = tpu.memref_slice %arg6[%run_scoped3A, %dma_start3A_487, %dma_start3A_488] : memref<16x125x32xf32, #tpu.memory_space<vmem>> -> memref<1x125x32xf32, #tpu.memory_space<vmem>>
        %dma_start3A_490 = tpu.memref_squeeze %dma_start3A_489 : memref<1x125x32xf32, #tpu.memory_space<vmem>> -> memref<125x32xf32, #tpu.memory_space<vmem>>
        %dma_start3A_491 = arith.constant 0 : i32
        %dma_start3A_492 = tpu.memref_slice %arg4[%add3A_215, %dma_start3A_491] : memref<160000x128xf32, #tpu.memory_space<hbm>> -> memref<125x32xf32, #tpu.memory_space<hbm>>
        %dma_start3A_493 = arith.constant 0 : i32
        %dma_start3A_494 = tpu.memref_slice %arg4[%add3A_215, %dma_start3A_493] : memref<160000x128xf32, #tpu.memory_space<hbm>> -> memref<125x32xf32, #tpu.memory_space<hbm>>
        %dma_start3A_495 = arith.constant 0 : i32
        %dma_start3A_496 = arith.constant 0 : i32
        %dma_start3A_497 = tpu.memref_slice %arg6[%run_scoped3A, %dma_start3A_495, %dma_start3A_496] : memref<16x125x32xf32, #tpu.memory_space<vmem>> -> memref<1x125x32xf32, #tpu.memory_space<vmem>>
        %dma_start3A_498 = tpu.memref_squeeze %dma_start3A_497 : memref<1x125x32xf32, #tpu.memory_space<vmem>> -> memref<125x32xf32, #tpu.memory_space<vmem>>
        tpu.enqueue_dma source(%dma_start3A_498 : memref<125x32xf32, #tpu.memory_space<vmem>>) target(%dma_start3A_494 : memref<125x32xf32, #tpu.memory_space<hbm>>) target_semaphore(%run_scoped3A_486 : memref<!tpu.dma_semaphore, #tpu.memory_space<semaphore_mem>>)
        %dma_wait3A_499 = arith.constant 0 : i32
        %dma_wait3A_500 = arith.constant 0 : i32
        %dma_wait3A_501 = tpu.memref_slice %arg6[%run_scoped3A, %dma_wait3A_499, %dma_wait3A_500] : memref<16x125x32xf32, #tpu.memory_space<vmem>> -> memref<1x125x32xf32, #tpu.memory_space<vmem>>
        %dma_wait3A_502 = tpu.memref_squeeze %dma_wait3A_501 : memref<1x125x32xf32, #tpu.memory_space<vmem>> -> memref<125x32xf32, #tpu.memory_space<vmem>>
        %dma_wait3A_503 = arith.constant 0 : i32
        %dma_wait3A_504 = tpu.memref_slice %arg4[%add3A_215, %dma_wait3A_503] : memref<160000x128xf32, #tpu.memory_space<hbm>> -> memref<125x32xf32, #tpu.memory_space<hbm>>
        %dma_wait3A_505 = arith.constant 0 : i32
        %dma_wait3A_506 = tpu.memref_slice %arg4[%add3A_215, %dma_wait3A_505] : memref<160000x128xf32, #tpu.memory_space<hbm>> -> memref<125x32xf32, #tpu.memory_space<hbm>>
        %dma_wait3A_507 = arith.constant 0 : i32
        %dma_wait3A_508 = arith.constant 0 : i32
        %dma_wait3A_509 = tpu.memref_slice %arg6[%run_scoped3A, %dma_wait3A_507, %dma_wait3A_508] : memref<16x125x32xf32, #tpu.memory_space<vmem>> -> memref<1x125x32xf32, #tpu.memory_space<vmem>>
        %dma_wait3A_510 = tpu.memref_squeeze %dma_wait3A_509 : memref<1x125x32xf32, #tpu.memory_space<vmem>> -> memref<125x32xf32, #tpu.memory_space<vmem>>
        tpu.wait_dma2 semaphore(%run_scoped3A_486 : memref<!tpu.dma_semaphore, #tpu.memory_space<semaphore_mem>>) src(%dma_wait3A_510 : memref<125x32xf32, #tpu.memory_space<vmem>>) dst(%dma_wait3A_506 : memref<125x32xf32, #tpu.memory_space<hbm>>)
        tpu.yield
      }) : () -> ()
      %dma_wait3A_216 = arith.constant 1 : i32
      %dma_wait3A_217 = arith.constant 1 : i32
      %dma_wait3A_218 = arith.constant 0 : i32
      %dma_wait3A_219 = arith.constant 0 : i32
      %dma_wait3A_220 = tpu.memref_slice %arg6[%dma_wait3A_217, %dma_wait3A_218, %dma_wait3A_219] : memref<16x125x32xf32, #tpu.memory_space<vmem>> -> memref<1x125x32xf32, #tpu.memory_space<vmem>>
      %dma_wait3A_221 = tpu.memref_squeeze %dma_wait3A_220 : memref<1x125x32xf32, #tpu.memory_space<vmem>> -> memref<125x32xf32, #tpu.memory_space<vmem>>
      %dma_wait3A_222 = arith.constant 0 : i32
      %dma_wait3A_223 = tpu.memref_slice %arg5[%dma_wait3A_216, %scan3A_8, %dma_wait3A_222] : memref<16x10x125xi32, #tpu.memory_space<vmem>> -> memref<1x1x125xi32, #tpu.memory_space<vmem>>
      %dma_wait3A_224 = tpu.memref_squeeze %dma_wait3A_223 : memref<1x1x125xi32, #tpu.memory_space<vmem>> -> memref<125xi32, #tpu.memory_space<vmem>>
      %dma_wait3A_225 = arith.constant 0 : i32
      %dma_wait3A_226 = arith.constant 0 : i32
      %dma_wait3A_227 = tpu.memref_slice %arg2[%dma_wait3A_225, %dma_wait3A_226] : memref<40000x32xf32, #tpu.memory_space<hbm>> -> memref<40000x32xf32, #tpu.memory_space<hbm>>
      tpu.wait_indirect_dma semaphore(%arg7 : memref<!tpu.dma_semaphore, #tpu.memory_space<semaphore_mem>>) src(%dma_wait3A_227 : memref<40000x32xf32, #tpu.memory_space<hbm>>) dst(%dma_wait3A_221 : memref<125x32xf32, #tpu.memory_space<vmem>>)
      %add3A_228 = arith.constant 0 : i32
      %add3A_229 = arith.addi %add3A_228, %mul3A_2 : i32
      %mul3A_230 = arith.constant 125 : i32
      %mul3A_231 = arith.muli %scan3A_8, %mul3A_230 : i32
      %add3A_232 = arith.addi %add3A_229, %mul3A_231 : i32
      %run_scoped3A_233 = arith.constant 1 : i32
      "tpu.region"() ({
        %run_scoped3A_486 = tpu.sem_alloc : memref<!tpu.dma_semaphore, #tpu.memory_space<semaphore_mem>>
        %dma_start3A_487 = arith.constant 0 : i32
        %dma_start3A_488 = arith.constant 0 : i32
        %dma_start3A_489 = tpu.memref_slice %arg6[%run_scoped3A_233, %dma_start3A_487, %dma_start3A_488] : memref<16x125x32xf32, #tpu.memory_space<vmem>> -> memref<1x125x32xf32, #tpu.memory_space<vmem>>
        %dma_start3A_490 = tpu.memref_squeeze %dma_start3A_489 : memref<1x125x32xf32, #tpu.memory_space<vmem>> -> memref<125x32xf32, #tpu.memory_space<vmem>>
        %dma_start3A_491 = arith.constant 32 : i32
        %dma_start3A_492 = tpu.memref_slice %arg4[%add3A_232, %dma_start3A_491] : memref<160000x128xf32, #tpu.memory_space<hbm>> -> memref<125x32xf32, #tpu.memory_space<hbm>>
        %dma_start3A_493 = arith.constant 32 : i32
        %dma_start3A_494 = tpu.memref_slice %arg4[%add3A_232, %dma_start3A_493] : memref<160000x128xf32, #tpu.memory_space<hbm>> -> memref<125x32xf32, #tpu.memory_space<hbm>>
        %dma_start3A_495 = arith.constant 0 : i32
        %dma_start3A_496 = arith.constant 0 : i32
        %dma_start3A_497 = tpu.memref_slice %arg6[%run_scoped3A_233, %dma_start3A_495, %dma_start3A_496] : memref<16x125x32xf32, #tpu.memory_space<vmem>> -> memref<1x125x32xf32, #tpu.memory_space<vmem>>
        %dma_start3A_498 = tpu.memref_squeeze %dma_start3A_497 : memref<1x125x32xf32, #tpu.memory_space<vmem>> -> memref<125x32xf32, #tpu.memory_space<vmem>>
        tpu.enqueue_dma source(%dma_start3A_498 : memref<125x32xf32, #tpu.memory_space<vmem>>) target(%dma_start3A_494 : memref<125x32xf32, #tpu.memory_space<hbm>>) target_semaphore(%run_scoped3A_486 : memref<!tpu.dma_semaphore, #tpu.memory_space<semaphore_mem>>)
        %dma_wait3A_499 = arith.constant 0 : i32
        %dma_wait3A_500 = arith.constant 0 : i32
        %dma_wait3A_501 = tpu.memref_slice %arg6[%run_scoped3A_233, %dma_wait3A_499, %dma_wait3A_500] : memref<16x125x32xf32, #tpu.memory_space<vmem>> -> memref<1x125x32xf32, #tpu.memory_space<vmem>>
        %dma_wait3A_502 = tpu.memref_squeeze %dma_wait3A_501 : memref<1x125x32xf32, #tpu.memory_space<vmem>> -> memref<125x32xf32, #tpu.memory_space<vmem>>
        %dma_wait3A_503 = arith.constant 32 : i32
        %dma_wait3A_504 = tpu.memref_slice %arg4[%add3A_232, %dma_wait3A_503] : memref<160000x128xf32, #tpu.memory_space<hbm>> -> memref<125x32xf32, #tpu.memory_space<hbm>>
        %dma_wait3A_505 = arith.constant 32 : i32
        %dma_wait3A_506 = tpu.memref_slice %arg4[%add3A_232, %dma_wait3A_505] : memref<160000x128xf32, #tpu.memory_space<hbm>> -> memref<125x32xf32, #tpu.memory_space<hbm>>
        %dma_wait3A_507 = arith.constant 0 : i32
        %dma_wait3A_508 = arith.constant 0 : i32
        %dma_wait3A_509 = tpu.memref_slice %arg6[%run_scoped3A_233, %dma_wait3A_507, %dma_wait3A_508] : memref<16x125x32xf32, #tpu.memory_space<vmem>> -> memref<1x125x32xf32, #tpu.memory_space<vmem>>
        %dma_wait3A_510 = tpu.memref_squeeze %dma_wait3A_509 : memref<1x125x32xf32, #tpu.memory_space<vmem>> -> memref<125x32xf32, #tpu.memory_space<vmem>>
        tpu.wait_dma2 semaphore(%run_scoped3A_486 : memref<!tpu.dma_semaphore, #tpu.memory_space<semaphore_mem>>) src(%dma_wait3A_510 : memref<125x32xf32, #tpu.memory_space<vmem>>) dst(%dma_wait3A_506 : memref<125x32xf32, #tpu.memory_space<hbm>>)
        tpu.yield
      }) : () -> ()
      %dma_wait3A_234 = arith.constant 2 : i32
      %dma_wait3A_235 = arith.constant 2 : i32
      %dma_wait3A_236 = arith.constant 0 : i32
      %dma_wait3A_237 = arith.constant 0 : i32
      %dma_wait3A_238 = tpu.memref_slice %arg6[%dma_wait3A_235, %dma_wait3A_236, %dma_wait3A_237] : memref<16x125x32xf32, #tpu.memory_space<vmem>> -> memref<1x125x32xf32, #tpu.memory_space<vmem>>
      %dma_wait3A_239 = tpu.memref_squeeze %dma_wait3A_238 : memref<1x125x32xf32, #tpu.memory_space<vmem>> -> memref<125x32xf32, #tpu.memory_space<vmem>>
      %dma_wait3A_240 = arith.constant 0 : i32
      %dma_wait3A_241 = tpu.memref_slice %arg5[%dma_wait3A_234, %scan3A_8, %dma_wait3A_240] : memref<16x10x125xi32, #tpu.memory_space<vmem>> -> memref<1x1x125xi32, #tpu.memory_space<vmem>>
      %dma_wait3A_242 = tpu.memref_squeeze %dma_wait3A_241 : memref<1x1x125xi32, #tpu.memory_space<vmem>> -> memref<125xi32, #tpu.memory_space<vmem>>
      %dma_wait3A_243 = arith.constant 0 : i32
      %dma_wait3A_244 = arith.constant 0 : i32
      %dma_wait3A_245 = tpu.memref_slice %arg2[%dma_wait3A_243, %dma_wait3A_244] : memref<40000x32xf32, #tpu.memory_space<hbm>> -> memref<40000x32xf32, #tpu.memory_space<hbm>>
      tpu.wait_indirect_dma semaphore(%arg7 : memref<!tpu.dma_semaphore, #tpu.memory_space<semaphore_mem>>) src(%dma_wait3A_245 : memref<40000x32xf32, #tpu.memory_space<hbm>>) dst(%dma_wait3A_239 : memref<125x32xf32, #tpu.memory_space<vmem>>)
      %add3A_246 = arith.constant 0 : i32
      %add3A_247 = arith.addi %add3A_246, %mul3A_2 : i32
      %mul3A_248 = arith.constant 125 : i32
      %mul3A_249 = arith.muli %scan3A_8, %mul3A_248 : i32
      %add3A_250 = arith.addi %add3A_247, %mul3A_249 : i32
      %run_scoped3A_251 = arith.constant 2 : i32
      "tpu.region"() ({
        %run_scoped3A_486 = tpu.sem_alloc : memref<!tpu.dma_semaphore, #tpu.memory_space<semaphore_mem>>
        %dma_start3A_487 = arith.constant 0 : i32
        %dma_start3A_488 = arith.constant 0 : i32
        %dma_start3A_489 = tpu.memref_slice %arg6[%run_scoped3A_251, %dma_start3A_487, %dma_start3A_488] : memref<16x125x32xf32, #tpu.memory_space<vmem>> -> memref<1x125x32xf32, #tpu.memory_space<vmem>>
        %dma_start3A_490 = tpu.memref_squeeze %dma_start3A_489 : memref<1x125x32xf32, #tpu.memory_space<vmem>> -> memref<125x32xf32, #tpu.memory_space<vmem>>
        %dma_start3A_491 = arith.constant 64 : i32
        %dma_start3A_492 = tpu.memref_slice %arg4[%add3A_250, %dma_start3A_491] : memref<160000x128xf32, #tpu.memory_space<hbm>> -> memref<125x32xf32, #tpu.memory_space<hbm>>
        %dma_start3A_493 = arith.constant 64 : i32
        %dma_start3A_494 = tpu.memref_slice %arg4[%add3A_250, %dma_start3A_493] : memref<160000x128xf32, #tpu.memory_space<hbm>> -> memref<125x32xf32, #tpu.memory_space<hbm>>
        %dma_start3A_495 = arith.constant 0 : i32
        %dma_start3A_496 = arith.constant 0 : i32
        %dma_start3A_497 = tpu.memref_slice %arg6[%run_scoped3A_251, %dma_start3A_495, %dma_start3A_496] : memref<16x125x32xf32, #tpu.memory_space<vmem>> -> memref<1x125x32xf32, #tpu.memory_space<vmem>>
        %dma_start3A_498 = tpu.memref_squeeze %dma_start3A_497 : memref<1x125x32xf32, #tpu.memory_space<vmem>> -> memref<125x32xf32, #tpu.memory_space<vmem>>
        tpu.enqueue_dma source(%dma_start3A_498 : memref<125x32xf32, #tpu.memory_space<vmem>>) target(%dma_start3A_494 : memref<125x32xf32, #tpu.memory_space<hbm>>) target_semaphore(%run_scoped3A_486 : memref<!tpu.dma_semaphore, #tpu.memory_space<semaphore_mem>>)
        %dma_wait3A_499 = arith.constant 0 : i32
        %dma_wait3A_500 = arith.constant 0 : i32
        %dma_wait3A_501 = tpu.memref_slice %arg6[%run_scoped3A_251, %dma_wait3A_499, %dma_wait3A_500] : memref<16x125x32xf32, #tpu.memory_space<vmem>> -> memref<1x125x32xf32, #tpu.memory_space<vmem>>
        %dma_wait3A_502 = tpu.memref_squeeze %dma_wait3A_501 : memref<1x125x32xf32, #tpu.memory_space<vmem>> -> memref<125x32xf32, #tpu.memory_space<vmem>>
        %dma_wait3A_503 = arith.constant 64 : i32
        %dma_wait3A_504 = tpu.memref_slice %arg4[%add3A_250, %dma_wait3A_503] : memref<160000x128xf32, #tpu.memory_space<hbm>> -> memref<125x32xf32, #tpu.memory_space<hbm>>
        %dma_wait3A_505 = arith.constant 64 : i32
        %dma_wait3A_506 = tpu.memref_slice %arg4[%add3A_250, %dma_wait3A_505] : memref<160000x128xf32, #tpu.memory_space<hbm>> -> memref<125x32xf32, #tpu.memory_space<hbm>>
        %dma_wait3A_507 = arith.constant 0 : i32
        %dma_wait3A_508 = arith.constant 0 : i32
        %dma_wait3A_509 = tpu.memref_slice %arg6[%run_scoped3A_251, %dma_wait3A_507, %dma_wait3A_508] : memref<16x125x32xf32, #tpu.memory_space<vmem>> -> memref<1x125x32xf32, #tpu.memory_space<vmem>>
        %dma_wait3A_510 = tpu.memref_squeeze %dma_wait3A_509 : memref<1x125x32xf32, #tpu.memory_space<vmem>> -> memref<125x32xf32, #tpu.memory_space<vmem>>
        tpu.wait_dma2 semaphore(%run_scoped3A_486 : memref<!tpu.dma_semaphore, #tpu.memory_space<semaphore_mem>>) src(%dma_wait3A_510 : memref<125x32xf32, #tpu.memory_space<vmem>>) dst(%dma_wait3A_506 : memref<125x32xf32, #tpu.memory_space<hbm>>)
        tpu.yield
      }) : () -> ()
      %dma_wait3A_252 = arith.constant 3 : i32
      %dma_wait3A_253 = arith.constant 3 : i32
      %dma_wait3A_254 = arith.constant 0 : i32
      %dma_wait3A_255 = arith.constant 0 : i32
      %dma_wait3A_256 = tpu.memref_slice %arg6[%dma_wait3A_253, %dma_wait3A_254, %dma_wait3A_255] : memref<16x125x32xf32, #tpu.memory_space<vmem>> -> memref<1x125x32xf32, #tpu.memory_space<vmem>>
      %dma_wait3A_257 = tpu.memref_squeeze %dma_wait3A_256 : memref<1x125x32xf32, #tpu.memory_space<vmem>> -> memref<125x32xf32, #tpu.memory_space<vmem>>
      %dma_wait3A_258 = arith.constant 0 : i32
      %dma_wait3A_259 = tpu.memref_slice %arg5[%dma_wait3A_252, %scan3A_8, %dma_wait3A_258] : memref<16x10x125xi32, #tpu.memory_space<vmem>> -> memref<1x1x125xi32, #tpu.memory_space<vmem>>
      %dma_wait3A_260 = tpu.memref_squeeze %dma_wait3A_259 : memref<1x1x125xi32, #tpu.memory_space<vmem>> -> memref<125xi32, #tpu.memory_space<vmem>>
      %dma_wait3A_261 = arith.constant 0 : i32
      %dma_wait3A_262 = arith.constant 0 : i32
      %dma_wait3A_263 = tpu.memref_slice %arg2[%dma_wait3A_261, %dma_wait3A_262] : memref<40000x32xf32, #tpu.memory_space<hbm>> -> memref<40000x32xf32, #tpu.memory_space<hbm>>
      tpu.wait_indirect_dma semaphore(%arg7 : memref<!tpu.dma_semaphore, #tpu.memory_space<semaphore_mem>>) src(%dma_wait3A_263 : memref<40000x32xf32, #tpu.memory_space<hbm>>) dst(%dma_wait3A_257 : memref<125x32xf32, #tpu.memory_space<vmem>>)
      %add3A_264 = arith.constant 0 : i32
      %add3A_265 = arith.addi %add3A_264, %mul3A_2 : i32
      %mul3A_266 = arith.constant 125 : i32
      %mul3A_267 = arith.muli %scan3A_8, %mul3A_266 : i32
      %add3A_268 = arith.addi %add3A_265, %mul3A_267 : i32
      %run_scoped3A_269 = arith.constant 3 : i32
      "tpu.region"() ({
        %run_scoped3A_486 = tpu.sem_alloc : memref<!tpu.dma_semaphore, #tpu.memory_space<semaphore_mem>>
        %dma_start3A_487 = arith.constant 0 : i32
        %dma_start3A_488 = arith.constant 0 : i32
        %dma_start3A_489 = tpu.memref_slice %arg6[%run_scoped3A_269, %dma_start3A_487, %dma_start3A_488] : memref<16x125x32xf32, #tpu.memory_space<vmem>> -> memref<1x125x32xf32, #tpu.memory_space<vmem>>
        %dma_start3A_490 = tpu.memref_squeeze %dma_start3A_489 : memref<1x125x32xf32, #tpu.memory_space<vmem>> -> memref<125x32xf32, #tpu.memory_space<vmem>>
        %dma_start3A_491 = arith.constant 96 : i32
        %dma_start3A_492 = tpu.memref_slice %arg4[%add3A_268, %dma_start3A_491] : memref<160000x128xf32, #tpu.memory_space<hbm>> -> memref<125x32xf32, #tpu.memory_space<hbm>>
        %dma_start3A_493 = arith.constant 96 : i32
        %dma_start3A_494 = tpu.memref_slice %arg4[%add3A_268, %dma_start3A_493] : memref<160000x128xf32, #tpu.memory_space<hbm>> -> memref<125x32xf32, #tpu.memory_space<hbm>>
        %dma_start3A_495 = arith.constant 0 : i32
        %dma_start3A_496 = arith.constant 0 : i32
        %dma_start3A_497 = tpu.memref_slice %arg6[%run_scoped3A_269, %dma_start3A_495, %dma_start3A_496] : memref<16x125x32xf32, #tpu.memory_space<vmem>> -> memref<1x125x32xf32, #tpu.memory_space<vmem>>
        %dma_start3A_498 = tpu.memref_squeeze %dma_start3A_497 : memref<1x125x32xf32, #tpu.memory_space<vmem>> -> memref<125x32xf32, #tpu.memory_space<vmem>>
        tpu.enqueue_dma source(%dma_start3A_498 : memref<125x32xf32, #tpu.memory_space<vmem>>) target(%dma_start3A_494 : memref<125x32xf32, #tpu.memory_space<hbm>>) target_semaphore(%run_scoped3A_486 : memref<!tpu.dma_semaphore, #tpu.memory_space<semaphore_mem>>)
        %dma_wait3A_499 = arith.constant 0 : i32
        %dma_wait3A_500 = arith.constant 0 : i32
        %dma_wait3A_501 = tpu.memref_slice %arg6[%run_scoped3A_269, %dma_wait3A_499, %dma_wait3A_500] : memref<16x125x32xf32, #tpu.memory_space<vmem>> -> memref<1x125x32xf32, #tpu.memory_space<vmem>>
        %dma_wait3A_502 = tpu.memref_squeeze %dma_wait3A_501 : memref<1x125x32xf32, #tpu.memory_space<vmem>> -> memref<125x32xf32, #tpu.memory_space<vmem>>
        %dma_wait3A_503 = arith.constant 96 : i32
        %dma_wait3A_504 = tpu.memref_slice %arg4[%add3A_268, %dma_wait3A_503] : memref<160000x128xf32, #tpu.memory_space<hbm>> -> memref<125x32xf32, #tpu.memory_space<hbm>>
        %dma_wait3A_505 = arith.constant 96 : i32
        %dma_wait3A_506 = tpu.memref_slice %arg4[%add3A_268, %dma_wait3A_505] : memref<160000x128xf32, #tpu.memory_space<hbm>> -> memref<125x32xf32, #tpu.memory_space<hbm>>
        %dma_wait3A_507 = arith.constant 0 : i32
        %dma_wait3A_508 = arith.constant 0 : i32
        %dma_wait3A_509 = tpu.memref_slice %arg6[%run_scoped3A_269, %dma_wait3A_507, %dma_wait3A_508] : memref<16x125x32xf32, #tpu.memory_space<vmem>> -> memref<1x125x32xf32, #tpu.memory_space<vmem>>
        %dma_wait3A_510 = tpu.memref_squeeze %dma_wait3A_509 : memref<1x125x32xf32, #tpu.memory_space<vmem>> -> memref<125x32xf32, #tpu.memory_space<vmem>>
        tpu.wait_dma2 semaphore(%run_scoped3A_486 : memref<!tpu.dma_semaphore, #tpu.memory_space<semaphore_mem>>) src(%dma_wait3A_510 : memref<125x32xf32, #tpu.memory_space<vmem>>) dst(%dma_wait3A_506 : memref<125x32xf32, #tpu.memory_space<hbm>>)
        tpu.yield
      }) : () -> ()
      %dma_wait3A_270 = arith.constant 4 : i32
      %dma_wait3A_271 = arith.constant 4 : i32
      %dma_wait3A_272 = arith.constant 0 : i32
      %dma_wait3A_273 = arith.constant 0 : i32
      %dma_wait3A_274 = tpu.memref_slice %arg6[%dma_wait3A_271, %dma_wait3A_272, %dma_wait3A_273] : memref<16x125x32xf32, #tpu.memory_space<vmem>> -> memref<1x125x32xf32, #tpu.memory_space<vmem>>
      %dma_wait3A_275 = tpu.memref_squeeze %dma_wait3A_274 : memref<1x125x32xf32, #tpu.memory_space<vmem>> -> memref<125x32xf32, #tpu.memory_space<vmem>>
      %dma_wait3A_276 = arith.constant 0 : i32
      %dma_wait3A_277 = tpu.memref_slice %arg5[%dma_wait3A_270, %scan3A_8, %dma_wait3A_276] : memref<16x10x125xi32, #tpu.memory_space<vmem>> -> memref<1x1x125xi32, #tpu.memory_space<vmem>>
      %dma_wait3A_278 = tpu.memref_squeeze %dma_wait3A_277 : memref<1x1x125xi32, #tpu.memory_space<vmem>> -> memref<125xi32, #tpu.memory_space<vmem>>
      %dma_wait3A_279 = arith.constant 0 : i32
      %dma_wait3A_280 = arith.constant 0 : i32
      %dma_wait3A_281 = tpu.memref_slice %arg2[%dma_wait3A_279, %dma_wait3A_280] : memref<40000x32xf32, #tpu.memory_space<hbm>> -> memref<40000x32xf32, #tpu.memory_space<hbm>>
      tpu.wait_indirect_dma semaphore(%arg7 : memref<!tpu.dma_semaphore, #tpu.memory_space<semaphore_mem>>) src(%dma_wait3A_281 : memref<40000x32xf32, #tpu.memory_space<hbm>>) dst(%dma_wait3A_275 : memref<125x32xf32, #tpu.memory_space<vmem>>)
      %add3A_282 = arith.constant 40000 : i32
      %add3A_283 = arith.addi %add3A_282, %mul3A_2 : i32
      %mul3A_284 = arith.constant 125 : i32
      %mul3A_285 = arith.muli %scan3A_8, %mul3A_284 : i32
      %add3A_286 = arith.addi %add3A_283, %mul3A_285 : i32
      %run_scoped3A_287 = arith.constant 4 : i32
      "tpu.region"() ({
        %run_scoped3A_486 = tpu.sem_alloc : memref<!tpu.dma_semaphore, #tpu.memory_space<semaphore_mem>>
        %dma_start3A_487 = arith.constant 0 : i32
        %dma_start3A_488 = arith.constant 0 : i32
        %dma_start3A_489 = tpu.memref_slice %arg6[%run_scoped3A_287, %dma_start3A_487, %dma_start3A_488] : memref<16x125x32xf32, #tpu.memory_space<vmem>> -> memref<1x125x32xf32, #tpu.memory_space<vmem>>
        %dma_start3A_490 = tpu.memref_squeeze %dma_start3A_489 : memref<1x125x32xf32, #tpu.memory_space<vmem>> -> memref<125x32xf32, #tpu.memory_space<vmem>>
        %dma_start3A_491 = arith.constant 0 : i32
        %dma_start3A_492 = tpu.memref_slice %arg4[%add3A_286, %dma_start3A_491] : memref<160000x128xf32, #tpu.memory_space<hbm>> -> memref<125x32xf32, #tpu.memory_space<hbm>>
        %dma_start3A_493 = arith.constant 0 : i32
        %dma_start3A_494 = tpu.memref_slice %arg4[%add3A_286, %dma_start3A_493] : memref<160000x128xf32, #tpu.memory_space<hbm>> -> memref<125x32xf32, #tpu.memory_space<hbm>>
        %dma_start3A_495 = arith.constant 0 : i32
        %dma_start3A_496 = arith.constant 0 : i32
        %dma_start3A_497 = tpu.memref_slice %arg6[%run_scoped3A_287, %dma_start3A_495, %dma_start3A_496] : memref<16x125x32xf32, #tpu.memory_space<vmem>> -> memref<1x125x32xf32, #tpu.memory_space<vmem>>
        %dma_start3A_498 = tpu.memref_squeeze %dma_start3A_497 : memref<1x125x32xf32, #tpu.memory_space<vmem>> -> memref<125x32xf32, #tpu.memory_space<vmem>>
        tpu.enqueue_dma source(%dma_start3A_498 : memref<125x32xf32, #tpu.memory_space<vmem>>) target(%dma_start3A_494 : memref<125x32xf32, #tpu.memory_space<hbm>>) target_semaphore(%run_scoped3A_486 : memref<!tpu.dma_semaphore, #tpu.memory_space<semaphore_mem>>)
        %dma_wait3A_499 = arith.constant 0 : i32
        %dma_wait3A_500 = arith.constant 0 : i32
        %dma_wait3A_501 = tpu.memref_slice %arg6[%run_scoped3A_287, %dma_wait3A_499, %dma_wait3A_500] : memref<16x125x32xf32, #tpu.memory_space<vmem>> -> memref<1x125x32xf32, #tpu.memory_space<vmem>>
        %dma_wait3A_502 = tpu.memref_squeeze %dma_wait3A_501 : memref<1x125x32xf32, #tpu.memory_space<vmem>> -> memref<125x32xf32, #tpu.memory_space<vmem>>
        %dma_wait3A_503 = arith.constant 0 : i32
        %dma_wait3A_504 = tpu.memref_slice %arg4[%add3A_286, %dma_wait3A_503] : memref<160000x128xf32, #tpu.memory_space<hbm>> -> memref<125x32xf32, #tpu.memory_space<hbm>>
        %dma_wait3A_505 = arith.constant 0 : i32
        %dma_wait3A_506 = tpu.memref_slice %arg4[%add3A_286, %dma_wait3A_505] : memref<160000x128xf32, #tpu.memory_space<hbm>> -> memref<125x32xf32, #tpu.memory_space<hbm>>
        %dma_wait3A_507 = arith.constant 0 : i32
        %dma_wait3A_508 = arith.constant 0 : i32
        %dma_wait3A_509 = tpu.memref_slice %arg6[%run_scoped3A_287, %dma_wait3A_507, %dma_wait3A_508] : memref<16x125x32xf32, #tpu.memory_space<vmem>> -> memref<1x125x32xf32, #tpu.memory_space<vmem>>
        %dma_wait3A_510 = tpu.memref_squeeze %dma_wait3A_509 : memref<1x125x32xf32, #tpu.memory_space<vmem>> -> memref<125x32xf32, #tpu.memory_space<vmem>>
        tpu.wait_dma2 semaphore(%run_scoped3A_486 : memref<!tpu.dma_semaphore, #tpu.memory_space<semaphore_mem>>) src(%dma_wait3A_510 : memref<125x32xf32, #tpu.memory_space<vmem>>) dst(%dma_wait3A_506 : memref<125x32xf32, #tpu.memory_space<hbm>>)
        tpu.yield
      }) : () -> ()
      %dma_wait3A_288 = arith.constant 5 : i32
      %dma_wait3A_289 = arith.constant 5 : i32
      %dma_wait3A_290 = arith.constant 0 : i32
      %dma_wait3A_291 = arith.constant 0 : i32
      %dma_wait3A_292 = tpu.memref_slice %arg6[%dma_wait3A_289, %dma_wait3A_290, %dma_wait3A_291] : memref<16x125x32xf32, #tpu.memory_space<vmem>> -> memref<1x125x32xf32, #tpu.memory_space<vmem>>
      %dma_wait3A_293 = tpu.memref_squeeze %dma_wait3A_292 : memref<1x125x32xf32, #tpu.memory_space<vmem>> -> memref<125x32xf32, #tpu.memory_space<vmem>>
      %dma_wait3A_294 = arith.constant 0 : i32
      %dma_wait3A_295 = tpu.memref_slice %arg5[%dma_wait3A_288, %scan3A_8, %dma_wait3A_294] : memref<16x10x125xi32, #tpu.memory_space<vmem>> -> memref<1x1x125xi32, #tpu.memory_space<vmem>>
      %dma_wait3A_296 = tpu.memref_squeeze %dma_wait3A_295 : memref<1x1x125xi32, #tpu.memory_space<vmem>> -> memref<125xi32, #tpu.memory_space<vmem>>
      %dma_wait3A_297 = arith.constant 0 : i32
      %dma_wait3A_298 = arith.constant 0 : i32
      %dma_wait3A_299 = tpu.memref_slice %arg2[%dma_wait3A_297, %dma_wait3A_298] : memref<40000x32xf32, #tpu.memory_space<hbm>> -> memref<40000x32xf32, #tpu.memory_space<hbm>>
      tpu.wait_indirect_dma semaphore(%arg7 : memref<!tpu.dma_semaphore, #tpu.memory_space<semaphore_mem>>) src(%dma_wait3A_299 : memref<40000x32xf32, #tpu.memory_space<hbm>>) dst(%dma_wait3A_293 : memref<125x32xf32, #tpu.memory_space<vmem>>)
      %add3A_300 = arith.constant 40000 : i32
      %add3A_301 = arith.addi %add3A_300, %mul3A_2 : i32
      %mul3A_302 = arith.constant 125 : i32
      %mul3A_303 = arith.muli %scan3A_8, %mul3A_302 : i32
      %add3A_304 = arith.addi %add3A_301, %mul3A_303 : i32
      %run_scoped3A_305 = arith.constant 5 : i32
      "tpu.region"() ({
        %run_scoped3A_486 = tpu.sem_alloc : memref<!tpu.dma_semaphore, #tpu.memory_space<semaphore_mem>>
        %dma_start3A_487 = arith.constant 0 : i32
        %dma_start3A_488 = arith.constant 0 : i32
        %dma_start3A_489 = tpu.memref_slice %arg6[%run_scoped3A_305, %dma_start3A_487, %dma_start3A_488] : memref<16x125x32xf32, #tpu.memory_space<vmem>> -> memref<1x125x32xf32, #tpu.memory_space<vmem>>
        %dma_start3A_490 = tpu.memref_squeeze %dma_start3A_489 : memref<1x125x32xf32, #tpu.memory_space<vmem>> -> memref<125x32xf32, #tpu.memory_space<vmem>>
        %dma_start3A_491 = arith.constant 32 : i32
        %dma_start3A_492 = tpu.memref_slice %arg4[%add3A_304, %dma_start3A_491] : memref<160000x128xf32, #tpu.memory_space<hbm>> -> memref<125x32xf32, #tpu.memory_space<hbm>>
        %dma_start3A_493 = arith.constant 32 : i32
        %dma_start3A_494 = tpu.memref_slice %arg4[%add3A_304, %dma_start3A_493] : memref<160000x128xf32, #tpu.memory_space<hbm>> -> memref<125x32xf32, #tpu.memory_space<hbm>>
        %dma_start3A_495 = arith.constant 0 : i32
        %dma_start3A_496 = arith.constant 0 : i32
        %dma_start3A_497 = tpu.memref_slice %arg6[%run_scoped3A_305, %dma_start3A_495, %dma_start3A_496] : memref<16x125x32xf32, #tpu.memory_space<vmem>> -> memref<1x125x32xf32, #tpu.memory_space<vmem>>
        %dma_start3A_498 = tpu.memref_squeeze %dma_start3A_497 : memref<1x125x32xf32, #tpu.memory_space<vmem>> -> memref<125x32xf32, #tpu.memory_space<vmem>>
        tpu.enqueue_dma source(%dma_start3A_498 : memref<125x32xf32, #tpu.memory_space<vmem>>) target(%dma_start3A_494 : memref<125x32xf32, #tpu.memory_space<hbm>>) target_semaphore(%run_scoped3A_486 : memref<!tpu.dma_semaphore, #tpu.memory_space<semaphore_mem>>)
        %dma_wait3A_499 = arith.constant 0 : i32
        %dma_wait3A_500 = arith.constant 0 : i32
        %dma_wait3A_501 = tpu.memref_slice %arg6[%run_scoped3A_305, %dma_wait3A_499, %dma_wait3A_500] : memref<16x125x32xf32, #tpu.memory_space<vmem>> -> memref<1x125x32xf32, #tpu.memory_space<vmem>>
        %dma_wait3A_502 = tpu.memref_squeeze %dma_wait3A_501 : memref<1x125x32xf32, #tpu.memory_space<vmem>> -> memref<125x32xf32, #tpu.memory_space<vmem>>
        %dma_wait3A_503 = arith.constant 32 : i32
        %dma_wait3A_504 = tpu.memref_slice %arg4[%add3A_304, %dma_wait3A_503] : memref<160000x128xf32, #tpu.memory_space<hbm>> -> memref<125x32xf32, #tpu.memory_space<hbm>>
        %dma_wait3A_505 = arith.constant 32 : i32
        %dma_wait3A_506 = tpu.memref_slice %arg4[%add3A_304, %dma_wait3A_505] : memref<160000x128xf32, #tpu.memory_space<hbm>> -> memref<125x32xf32, #tpu.memory_space<hbm>>
        %dma_wait3A_507 = arith.constant 0 : i32
        %dma_wait3A_508 = arith.constant 0 : i32
        %dma_wait3A_509 = tpu.memref_slice %arg6[%run_scoped3A_305, %dma_wait3A_507, %dma_wait3A_508] : memref<16x125x32xf32, #tpu.memory_space<vmem>> -> memref<1x125x32xf32, #tpu.memory_space<vmem>>
        %dma_wait3A_510 = tpu.memref_squeeze %dma_wait3A_509 : memref<1x125x32xf32, #tpu.memory_space<vmem>> -> memref<125x32xf32, #tpu.memory_space<vmem>>
        tpu.wait_dma2 semaphore(%run_scoped3A_486 : memref<!tpu.dma_semaphore, #tpu.memory_space<semaphore_mem>>) src(%dma_wait3A_510 : memref<125x32xf32, #tpu.memory_space<vmem>>) dst(%dma_wait3A_506 : memref<125x32xf32, #tpu.memory_space<hbm>>)
        tpu.yield
      }) : () -> ()
      %dma_wait3A_306 = arith.constant 6 : i32
      %dma_wait3A_307 = arith.constant 6 : i32
      %dma_wait3A_308 = arith.constant 0 : i32
      %dma_wait3A_309 = arith.constant 0 : i32
      %dma_wait3A_310 = tpu.memref_slice %arg6[%dma_wait3A_307, %dma_wait3A_308, %dma_wait3A_309] : memref<16x125x32xf32, #tpu.memory_space<vmem>> -> memref<1x125x32xf32, #tpu.memory_space<vmem>>
      %dma_wait3A_311 = tpu.memref_squeeze %dma_wait3A_310 : memref<1x125x32xf32, #tpu.memory_space<vmem>> -> memref<125x32xf32, #tpu.memory_space<vmem>>
      %dma_wait3A_312 = arith.constant 0 : i32
      %dma_wait3A_313 = tpu.memref_slice %arg5[%dma_wait3A_306, %scan3A_8, %dma_wait3A_312] : memref<16x10x125xi32, #tpu.memory_space<vmem>> -> memref<1x1x125xi32, #tpu.memory_space<vmem>>
      %dma_wait3A_314 = tpu.memref_squeeze %dma_wait3A_313 : memref<1x1x125xi32, #tpu.memory_space<vmem>> -> memref<125xi32, #tpu.memory_space<vmem>>
      %dma_wait3A_315 = arith.constant 0 : i32
      %dma_wait3A_316 = arith.constant 0 : i32
      %dma_wait3A_317 = tpu.memref_slice %arg2[%dma_wait3A_315, %dma_wait3A_316] : memref<40000x32xf32, #tpu.memory_space<hbm>> -> memref<40000x32xf32, #tpu.memory_space<hbm>>
      tpu.wait_indirect_dma semaphore(%arg7 : memref<!tpu.dma_semaphore, #tpu.memory_space<semaphore_mem>>) src(%dma_wait3A_317 : memref<40000x32xf32, #tpu.memory_space<hbm>>) dst(%dma_wait3A_311 : memref<125x32xf32, #tpu.memory_space<vmem>>)
      %add3A_318 = arith.constant 40000 : i32
      %add3A_319 = arith.addi %add3A_318, %mul3A_2 : i32
      %mul3A_320 = arith.constant 125 : i32
      %mul3A_321 = arith.muli %scan3A_8, %mul3A_320 : i32
      %add3A_322 = arith.addi %add3A_319, %mul3A_321 : i32
      %run_scoped3A_323 = arith.constant 6 : i32
      "tpu.region"() ({
        %run_scoped3A_486 = tpu.sem_alloc : memref<!tpu.dma_semaphore, #tpu.memory_space<semaphore_mem>>
        %dma_start3A_487 = arith.constant 0 : i32
        %dma_start3A_488 = arith.constant 0 : i32
        %dma_start3A_489 = tpu.memref_slice %arg6[%run_scoped3A_323, %dma_start3A_487, %dma_start3A_488] : memref<16x125x32xf32, #tpu.memory_space<vmem>> -> memref<1x125x32xf32, #tpu.memory_space<vmem>>
        %dma_start3A_490 = tpu.memref_squeeze %dma_start3A_489 : memref<1x125x32xf32, #tpu.memory_space<vmem>> -> memref<125x32xf32, #tpu.memory_space<vmem>>
        %dma_start3A_491 = arith.constant 64 : i32
        %dma_start3A_492 = tpu.memref_slice %arg4[%add3A_322, %dma_start3A_491] : memref<160000x128xf32, #tpu.memory_space<hbm>> -> memref<125x32xf32, #tpu.memory_space<hbm>>
        %dma_start3A_493 = arith.constant 64 : i32
        %dma_start3A_494 = tpu.memref_slice %arg4[%add3A_322, %dma_start3A_493] : memref<160000x128xf32, #tpu.memory_space<hbm>> -> memref<125x32xf32, #tpu.memory_space<hbm>>
        %dma_start3A_495 = arith.constant 0 : i32
        %dma_start3A_496 = arith.constant 0 : i32
        %dma_start3A_497 = tpu.memref_slice %arg6[%run_scoped3A_323, %dma_start3A_495, %dma_start3A_496] : memref<16x125x32xf32, #tpu.memory_space<vmem>> -> memref<1x125x32xf32, #tpu.memory_space<vmem>>
        %dma_start3A_498 = tpu.memref_squeeze %dma_start3A_497 : memref<1x125x32xf32, #tpu.memory_space<vmem>> -> memref<125x32xf32, #tpu.memory_space<vmem>>
        tpu.enqueue_dma source(%dma_start3A_498 : memref<125x32xf32, #tpu.memory_space<vmem>>) target(%dma_start3A_494 : memref<125x32xf32, #tpu.memory_space<hbm>>) target_semaphore(%run_scoped3A_486 : memref<!tpu.dma_semaphore, #tpu.memory_space<semaphore_mem>>)
        %dma_wait3A_499 = arith.constant 0 : i32
        %dma_wait3A_500 = arith.constant 0 : i32
        %dma_wait3A_501 = tpu.memref_slice %arg6[%run_scoped3A_323, %dma_wait3A_499, %dma_wait3A_500] : memref<16x125x32xf32, #tpu.memory_space<vmem>> -> memref<1x125x32xf32, #tpu.memory_space<vmem>>
        %dma_wait3A_502 = tpu.memref_squeeze %dma_wait3A_501 : memref<1x125x32xf32, #tpu.memory_space<vmem>> -> memref<125x32xf32, #tpu.memory_space<vmem>>
        %dma_wait3A_503 = arith.constant 64 : i32
        %dma_wait3A_504 = tpu.memref_slice %arg4[%add3A_322, %dma_wait3A_503] : memref<160000x128xf32, #tpu.memory_space<hbm>> -> memref<125x32xf32, #tpu.memory_space<hbm>>
        %dma_wait3A_505 = arith.constant 64 : i32
        %dma_wait3A_506 = tpu.memref_slice %arg4[%add3A_322, %dma_wait3A_505] : memref<160000x128xf32, #tpu.memory_space<hbm>> -> memref<125x32xf32, #tpu.memory_space<hbm>>
        %dma_wait3A_507 = arith.constant 0 : i32
        %dma_wait3A_508 = arith.constant 0 : i32
        %dma_wait3A_509 = tpu.memref_slice %arg6[%run_scoped3A_323, %dma_wait3A_507, %dma_wait3A_508] : memref<16x125x32xf32, #tpu.memory_space<vmem>> -> memref<1x125x32xf32, #tpu.memory_space<vmem>>
        %dma_wait3A_510 = tpu.memref_squeeze %dma_wait3A_509 : memref<1x125x32xf32, #tpu.memory_space<vmem>> -> memref<125x32xf32, #tpu.memory_space<vmem>>
        tpu.wait_dma2 semaphore(%run_scoped3A_486 : memref<!tpu.dma_semaphore, #tpu.memory_space<semaphore_mem>>) src(%dma_wait3A_510 : memref<125x32xf32, #tpu.memory_space<vmem>>) dst(%dma_wait3A_506 : memref<125x32xf32, #tpu.memory_space<hbm>>)
        tpu.yield
      }) : () -> ()
      %dma_wait3A_324 = arith.constant 7 : i32
      %dma_wait3A_325 = arith.constant 7 : i32
      %dma_wait3A_326 = arith.constant 0 : i32
      %dma_wait3A_327 = arith.constant 0 : i32
      %dma_wait3A_328 = tpu.memref_slice %arg6[%dma_wait3A_325, %dma_wait3A_326, %dma_wait3A_327] : memref<16x125x32xf32, #tpu.memory_space<vmem>> -> memref<1x125x32xf32, #tpu.memory_space<vmem>>
      %dma_wait3A_329 = tpu.memref_squeeze %dma_wait3A_328 : memref<1x125x32xf32, #tpu.memory_space<vmem>> -> memref<125x32xf32, #tpu.memory_space<vmem>>
      %dma_wait3A_330 = arith.constant 0 : i32
      %dma_wait3A_331 = tpu.memref_slice %arg5[%dma_wait3A_324, %scan3A_8, %dma_wait3A_330] : memref<16x10x125xi32, #tpu.memory_space<vmem>> -> memref<1x1x125xi32, #tpu.memory_space<vmem>>
      %dma_wait3A_332 = tpu.memref_squeeze %dma_wait3A_331 : memref<1x1x125xi32, #tpu.memory_space<vmem>> -> memref<125xi32, #tpu.memory_space<vmem>>
      %dma_wait3A_333 = arith.constant 0 : i32
      %dma_wait3A_334 = arith.constant 0 : i32
      %dma_wait3A_335 = tpu.memref_slice %arg2[%dma_wait3A_333, %dma_wait3A_334] : memref<40000x32xf32, #tpu.memory_space<hbm>> -> memref<40000x32xf32, #tpu.memory_space<hbm>>
      tpu.wait_indirect_dma semaphore(%arg7 : memref<!tpu.dma_semaphore, #tpu.memory_space<semaphore_mem>>) src(%dma_wait3A_335 : memref<40000x32xf32, #tpu.memory_space<hbm>>) dst(%dma_wait3A_329 : memref<125x32xf32, #tpu.memory_space<vmem>>)
      %add3A_336 = arith.constant 40000 : i32
      %add3A_337 = arith.addi %add3A_336, %mul3A_2 : i32
      %mul3A_338 = arith.constant 125 : i32
      %mul3A_339 = arith.muli %scan3A_8, %mul3A_338 : i32
      %add3A_340 = arith.addi %add3A_337, %mul3A_339 : i32
      %run_scoped3A_341 = arith.constant 7 : i32
      "tpu.region"() ({
        %run_scoped3A_486 = tpu.sem_alloc : memref<!tpu.dma_semaphore, #tpu.memory_space<semaphore_mem>>
        %dma_start3A_487 = arith.constant 0 : i32
        %dma_start3A_488 = arith.constant 0 : i32
        %dma_start3A_489 = tpu.memref_slice %arg6[%run_scoped3A_341, %dma_start3A_487, %dma_start3A_488] : memref<16x125x32xf32, #tpu.memory_space<vmem>> -> memref<1x125x32xf32, #tpu.memory_space<vmem>>
        %dma_start3A_490 = tpu.memref_squeeze %dma_start3A_489 : memref<1x125x32xf32, #tpu.memory_space<vmem>> -> memref<125x32xf32, #tpu.memory_space<vmem>>
        %dma_start3A_491 = arith.constant 96 : i32
        %dma_start3A_492 = tpu.memref_slice %arg4[%add3A_340, %dma_start3A_491] : memref<160000x128xf32, #tpu.memory_space<hbm>> -> memref<125x32xf32, #tpu.memory_space<hbm>>
        %dma_start3A_493 = arith.constant 96 : i32
        %dma_start3A_494 = tpu.memref_slice %arg4[%add3A_340, %dma_start3A_493] : memref<160000x128xf32, #tpu.memory_space<hbm>> -> memref<125x32xf32, #tpu.memory_space<hbm>>
        %dma_start3A_495 = arith.constant 0 : i32
        %dma_start3A_496 = arith.constant 0 : i32
        %dma_start3A_497 = tpu.memref_slice %arg6[%run_scoped3A_341, %dma_start3A_495, %dma_start3A_496] : memref<16x125x32xf32, #tpu.memory_space<vmem>> -> memref<1x125x32xf32, #tpu.memory_space<vmem>>
        %dma_start3A_498 = tpu.memref_squeeze %dma_start3A_497 : memref<1x125x32xf32, #tpu.memory_space<vmem>> -> memref<125x32xf32, #tpu.memory_space<vmem>>
        tpu.enqueue_dma source(%dma_start3A_498 : memref<125x32xf32, #tpu.memory_space<vmem>>) target(%dma_start3A_494 : memref<125x32xf32, #tpu.memory_space<hbm>>) target_semaphore(%run_scoped3A_486 : memref<!tpu.dma_semaphore, #tpu.memory_space<semaphore_mem>>)
        %dma_wait3A_499 = arith.constant 0 : i32
        %dma_wait3A_500 = arith.constant 0 : i32
        %dma_wait3A_501 = tpu.memref_slice %arg6[%run_scoped3A_341, %dma_wait3A_499, %dma_wait3A_500] : memref<16x125x32xf32, #tpu.memory_space<vmem>> -> memref<1x125x32xf32, #tpu.memory_space<vmem>>
        %dma_wait3A_502 = tpu.memref_squeeze %dma_wait3A_501 : memref<1x125x32xf32, #tpu.memory_space<vmem>> -> memref<125x32xf32, #tpu.memory_space<vmem>>
        %dma_wait3A_503 = arith.constant 96 : i32
        %dma_wait3A_504 = tpu.memref_slice %arg4[%add3A_340, %dma_wait3A_503] : memref<160000x128xf32, #tpu.memory_space<hbm>> -> memref<125x32xf32, #tpu.memory_space<hbm>>
        %dma_wait3A_505 = arith.constant 96 : i32
        %dma_wait3A_506 = tpu.memref_slice %arg4[%add3A_340, %dma_wait3A_505] : memref<160000x128xf32, #tpu.memory_space<hbm>> -> memref<125x32xf32, #tpu.memory_space<hbm>>
        %dma_wait3A_507 = arith.constant 0 : i32
        %dma_wait3A_508 = arith.constant 0 : i32
        %dma_wait3A_509 = tpu.memref_slice %arg6[%run_scoped3A_341, %dma_wait3A_507, %dma_wait3A_508] : memref<16x125x32xf32, #tpu.memory_space<vmem>> -> memref<1x125x32xf32, #tpu.memory_space<vmem>>
        %dma_wait3A_510 = tpu.memref_squeeze %dma_wait3A_509 : memref<1x125x32xf32, #tpu.memory_space<vmem>> -> memref<125x32xf32, #tpu.memory_space<vmem>>
        tpu.wait_dma2 semaphore(%run_scoped3A_486 : memref<!tpu.dma_semaphore, #tpu.memory_space<semaphore_mem>>) src(%dma_wait3A_510 : memref<125x32xf32, #tpu.memory_space<vmem>>) dst(%dma_wait3A_506 : memref<125x32xf32, #tpu.memory_space<hbm>>)
        tpu.yield
      }) : () -> ()
      %dma_wait3A_342 = arith.constant 8 : i32
      %dma_wait3A_343 = arith.constant 8 : i32
      %dma_wait3A_344 = arith.constant 0 : i32
      %dma_wait3A_345 = arith.constant 0 : i32
      %dma_wait3A_346 = tpu.memref_slice %arg6[%dma_wait3A_343, %dma_wait3A_344, %dma_wait3A_345] : memref<16x125x32xf32, #tpu.memory_space<vmem>> -> memref<1x125x32xf32, #tpu.memory_space<vmem>>
      %dma_wait3A_347 = tpu.memref_squeeze %dma_wait3A_346 : memref<1x125x32xf32, #tpu.memory_space<vmem>> -> memref<125x32xf32, #tpu.memory_space<vmem>>
      %dma_wait3A_348 = arith.constant 0 : i32
      %dma_wait3A_349 = tpu.memref_slice %arg5[%dma_wait3A_342, %scan3A_8, %dma_wait3A_348] : memref<16x10x125xi32, #tpu.memory_space<vmem>> -> memref<1x1x125xi32, #tpu.memory_space<vmem>>
      %dma_wait3A_350 = tpu.memref_squeeze %dma_wait3A_349 : memref<1x1x125xi32, #tpu.memory_space<vmem>> -> memref<125xi32, #tpu.memory_space<vmem>>
      %dma_wait3A_351 = arith.constant 0 : i32
      %dma_wait3A_352 = arith.constant 0 : i32
      %dma_wait3A_353 = tpu.memref_slice %arg2[%dma_wait3A_351, %dma_wait3A_352] : memref<40000x32xf32, #tpu.memory_space<hbm>> -> memref<40000x32xf32, #tpu.memory_space<hbm>>
      tpu.wait_indirect_dma semaphore(%arg7 : memref<!tpu.dma_semaphore, #tpu.memory_space<semaphore_mem>>) src(%dma_wait3A_353 : memref<40000x32xf32, #tpu.memory_space<hbm>>) dst(%dma_wait3A_347 : memref<125x32xf32, #tpu.memory_space<vmem>>)
      %add3A_354 = arith.constant 80000 : i32
      %add3A_355 = arith.addi %add3A_354, %mul3A_2 : i32
      %mul3A_356 = arith.constant 125 : i32
      %mul3A_357 = arith.muli %scan3A_8, %mul3A_356 : i32
      %add3A_358 = arith.addi %add3A_355, %mul3A_357 : i32
      %run_scoped3A_359 = arith.constant 8 : i32
      "tpu.region"() ({
        %run_scoped3A_486 = tpu.sem_alloc : memref<!tpu.dma_semaphore, #tpu.memory_space<semaphore_mem>>
        %dma_start3A_487 = arith.constant 0 : i32
        %dma_start3A_488 = arith.constant 0 : i32
        %dma_start3A_489 = tpu.memref_slice %arg6[%run_scoped3A_359, %dma_start3A_487, %dma_start3A_488] : memref<16x125x32xf32, #tpu.memory_space<vmem>> -> memref<1x125x32xf32, #tpu.memory_space<vmem>>
        %dma_start3A_490 = tpu.memref_squeeze %dma_start3A_489 : memref<1x125x32xf32, #tpu.memory_space<vmem>> -> memref<125x32xf32, #tpu.memory_space<vmem>>
        %dma_start3A_491 = arith.constant 0 : i32
        %dma_start3A_492 = tpu.memref_slice %arg4[%add3A_358, %dma_start3A_491] : memref<160000x128xf32, #tpu.memory_space<hbm>> -> memref<125x32xf32, #tpu.memory_space<hbm>>
        %dma_start3A_493 = arith.constant 0 : i32
        %dma_start3A_494 = tpu.memref_slice %arg4[%add3A_358, %dma_start3A_493] : memref<160000x128xf32, #tpu.memory_space<hbm>> -> memref<125x32xf32, #tpu.memory_space<hbm>>
        %dma_start3A_495 = arith.constant 0 : i32
        %dma_start3A_496 = arith.constant 0 : i32
        %dma_start3A_497 = tpu.memref_slice %arg6[%run_scoped3A_359, %dma_start3A_495, %dma_start3A_496] : memref<16x125x32xf32, #tpu.memory_space<vmem>> -> memref<1x125x32xf32, #tpu.memory_space<vmem>>
        %dma_start3A_498 = tpu.memref_squeeze %dma_start3A_497 : memref<1x125x32xf32, #tpu.memory_space<vmem>> -> memref<125x32xf32, #tpu.memory_space<vmem>>
        tpu.enqueue_dma source(%dma_start3A_498 : memref<125x32xf32, #tpu.memory_space<vmem>>) target(%dma_start3A_494 : memref<125x32xf32, #tpu.memory_space<hbm>>) target_semaphore(%run_scoped3A_486 : memref<!tpu.dma_semaphore, #tpu.memory_space<semaphore_mem>>)
        %dma_wait3A_499 = arith.constant 0 : i32
        %dma_wait3A_500 = arith.constant 0 : i32
        %dma_wait3A_501 = tpu.memref_slice %arg6[%run_scoped3A_359, %dma_wait3A_499, %dma_wait3A_500] : memref<16x125x32xf32, #tpu.memory_space<vmem>> -> memref<1x125x32xf32, #tpu.memory_space<vmem>>
        %dma_wait3A_502 = tpu.memref_squeeze %dma_wait3A_501 : memref<1x125x32xf32, #tpu.memory_space<vmem>> -> memref<125x32xf32, #tpu.memory_space<vmem>>
        %dma_wait3A_503 = arith.constant 0 : i32
        %dma_wait3A_504 = tpu.memref_slice %arg4[%add3A_358, %dma_wait3A_503] : memref<160000x128xf32, #tpu.memory_space<hbm>> -> memref<125x32xf32, #tpu.memory_space<hbm>>
        %dma_wait3A_505 = arith.constant 0 : i32
        %dma_wait3A_506 = tpu.memref_slice %arg4[%add3A_358, %dma_wait3A_505] : memref<160000x128xf32, #tpu.memory_space<hbm>> -> memref<125x32xf32, #tpu.memory_space<hbm>>
        %dma_wait3A_507 = arith.constant 0 : i32
        %dma_wait3A_508 = arith.constant 0 : i32
        %dma_wait3A_509 = tpu.memref_slice %arg6[%run_scoped3A_359, %dma_wait3A_507, %dma_wait3A_508] : memref<16x125x32xf32, #tpu.memory_space<vmem>> -> memref<1x125x32xf32, #tpu.memory_space<vmem>>
        %dma_wait3A_510 = tpu.memref_squeeze %dma_wait3A_509 : memref<1x125x32xf32, #tpu.memory_space<vmem>> -> memref<125x32xf32, #tpu.memory_space<vmem>>
        tpu.wait_dma2 semaphore(%run_scoped3A_486 : memref<!tpu.dma_semaphore, #tpu.memory_space<semaphore_mem>>) src(%dma_wait3A_510 : memref<125x32xf32, #tpu.memory_space<vmem>>) dst(%dma_wait3A_506 : memref<125x32xf32, #tpu.memory_space<hbm>>)
        tpu.yield
      }) : () -> ()
      %dma_wait3A_360 = arith.constant 9 : i32
      %dma_wait3A_361 = arith.constant 9 : i32
      %dma_wait3A_362 = arith.constant 0 : i32
      %dma_wait3A_363 = arith.constant 0 : i32
      %dma_wait3A_364 = tpu.memref_slice %arg6[%dma_wait3A_361, %dma_wait3A_362, %dma_wait3A_363] : memref<16x125x32xf32, #tpu.memory_space<vmem>> -> memref<1x125x32xf32, #tpu.memory_space<vmem>>
      %dma_wait3A_365 = tpu.memref_squeeze %dma_wait3A_364 : memref<1x125x32xf32, #tpu.memory_space<vmem>> -> memref<125x32xf32, #tpu.memory_space<vmem>>
      %dma_wait3A_366 = arith.constant 0 : i32
      %dma_wait3A_367 = tpu.memref_slice %arg5[%dma_wait3A_360, %scan3A_8, %dma_wait3A_366] : memref<16x10x125xi32, #tpu.memory_space<vmem>> -> memref<1x1x125xi32, #tpu.memory_space<vmem>>
      %dma_wait3A_368 = tpu.memref_squeeze %dma_wait3A_367 : memref<1x1x125xi32, #tpu.memory_space<vmem>> -> memref<125xi32, #tpu.memory_space<vmem>>
      %dma_wait3A_369 = arith.constant 0 : i32
      %dma_wait3A_370 = arith.constant 0 : i32
      %dma_wait3A_371 = tpu.memref_slice %arg2[%dma_wait3A_369, %dma_wait3A_370] : memref<40000x32xf32, #tpu.memory_space<hbm>> -> memref<40000x32xf32, #tpu.memory_space<hbm>>
      tpu.wait_indirect_dma semaphore(%arg7 : memref<!tpu.dma_semaphore, #tpu.memory_space<semaphore_mem>>) src(%dma_wait3A_371 : memref<40000x32xf32, #tpu.memory_space<hbm>>) dst(%dma_wait3A_365 : memref<125x32xf32, #tpu.memory_space<vmem>>)
      %add3A_372 = arith.constant 80000 : i32
      %add3A_373 = arith.addi %add3A_372, %mul3A_2 : i32
      %mul3A_374 = arith.constant 125 : i32
      %mul3A_375 = arith.muli %scan3A_8, %mul3A_374 : i32
      %add3A_376 = arith.addi %add3A_373, %mul3A_375 : i32
      %run_scoped3A_377 = arith.constant 9 : i32
      "tpu.region"() ({
        %run_scoped3A_486 = tpu.sem_alloc : memref<!tpu.dma_semaphore, #tpu.memory_space<semaphore_mem>>
        %dma_start3A_487 = arith.constant 0 : i32
        %dma_start3A_488 = arith.constant 0 : i32
        %dma_start3A_489 = tpu.memref_slice %arg6[%run_scoped3A_377, %dma_start3A_487, %dma_start3A_488] : memref<16x125x32xf32, #tpu.memory_space<vmem>> -> memref<1x125x32xf32, #tpu.memory_space<vmem>>
        %dma_start3A_490 = tpu.memref_squeeze %dma_start3A_489 : memref<1x125x32xf32, #tpu.memory_space<vmem>> -> memref<125x32xf32, #tpu.memory_space<vmem>>
        %dma_start3A_491 = arith.constant 32 : i32
        %dma_start3A_492 = tpu.memref_slice %arg4[%add3A_376, %dma_start3A_491] : memref<160000x128xf32, #tpu.memory_space<hbm>> -> memref<125x32xf32, #tpu.memory_space<hbm>>
        %dma_start3A_493 = arith.constant 32 : i32
        %dma_start3A_494 = tpu.memref_slice %arg4[%add3A_376, %dma_start3A_493] : memref<160000x128xf32, #tpu.memory_space<hbm>> -> memref<125x32xf32, #tpu.memory_space<hbm>>
        %dma_start3A_495 = arith.constant 0 : i32
        %dma_start3A_496 = arith.constant 0 : i32
        %dma_start3A_497 = tpu.memref_slice %arg6[%run_scoped3A_377, %dma_start3A_495, %dma_start3A_496] : memref<16x125x32xf32, #tpu.memory_space<vmem>> -> memref<1x125x32xf32, #tpu.memory_space<vmem>>
        %dma_start3A_498 = tpu.memref_squeeze %dma_start3A_497 : memref<1x125x32xf32, #tpu.memory_space<vmem>> -> memref<125x32xf32, #tpu.memory_space<vmem>>
        tpu.enqueue_dma source(%dma_start3A_498 : memref<125x32xf32, #tpu.memory_space<vmem>>) target(%dma_start3A_494 : memref<125x32xf32, #tpu.memory_space<hbm>>) target_semaphore(%run_scoped3A_486 : memref<!tpu.dma_semaphore, #tpu.memory_space<semaphore_mem>>)
        %dma_wait3A_499 = arith.constant 0 : i32
        %dma_wait3A_500 = arith.constant 0 : i32
        %dma_wait3A_501 = tpu.memref_slice %arg6[%run_scoped3A_377, %dma_wait3A_499, %dma_wait3A_500] : memref<16x125x32xf32, #tpu.memory_space<vmem>> -> memref<1x125x32xf32, #tpu.memory_space<vmem>>
        %dma_wait3A_502 = tpu.memref_squeeze %dma_wait3A_501 : memref<1x125x32xf32, #tpu.memory_space<vmem>> -> memref<125x32xf32, #tpu.memory_space<vmem>>
        %dma_wait3A_503 = arith.constant 32 : i32
        %dma_wait3A_504 = tpu.memref_slice %arg4[%add3A_376, %dma_wait3A_503] : memref<160000x128xf32, #tpu.memory_space<hbm>> -> memref<125x32xf32, #tpu.memory_space<hbm>>
        %dma_wait3A_505 = arith.constant 32 : i32
        %dma_wait3A_506 = tpu.memref_slice %arg4[%add3A_376, %dma_wait3A_505] : memref<160000x128xf32, #tpu.memory_space<hbm>> -> memref<125x32xf32, #tpu.memory_space<hbm>>
        %dma_wait3A_507 = arith.constant 0 : i32
        %dma_wait3A_508 = arith.constant 0 : i32
        %dma_wait3A_509 = tpu.memref_slice %arg6[%run_scoped3A_377, %dma_wait3A_507, %dma_wait3A_508] : memref<16x125x32xf32, #tpu.memory_space<vmem>> -> memref<1x125x32xf32, #tpu.memory_space<vmem>>
        %dma_wait3A_510 = tpu.memref_squeeze %dma_wait3A_509 : memref<1x125x32xf32, #tpu.memory_space<vmem>> -> memref<125x32xf32, #tpu.memory_space<vmem>>
        tpu.wait_dma2 semaphore(%run_scoped3A_486 : memref<!tpu.dma_semaphore, #tpu.memory_space<semaphore_mem>>) src(%dma_wait3A_510 : memref<125x32xf32, #tpu.memory_space<vmem>>) dst(%dma_wait3A_506 : memref<125x32xf32, #tpu.memory_space<hbm>>)
        tpu.yield
      }) : () -> ()
      %dma_wait3A_378 = arith.constant 10 : i32
      %dma_wait3A_379 = arith.constant 10 : i32
      %dma_wait3A_380 = arith.constant 0 : i32
      %dma_wait3A_381 = arith.constant 0 : i32
      %dma_wait3A_382 = tpu.memref_slice %arg6[%dma_wait3A_379, %dma_wait3A_380, %dma_wait3A_381] : memref<16x125x32xf32, #tpu.memory_space<vmem>> -> memref<1x125x32xf32, #tpu.memory_space<vmem>>
      %dma_wait3A_383 = tpu.memref_squeeze %dma_wait3A_382 : memref<1x125x32xf32, #tpu.memory_space<vmem>> -> memref<125x32xf32, #tpu.memory_space<vmem>>
      %dma_wait3A_384 = arith.constant 0 : i32
      %dma_wait3A_385 = tpu.memref_slice %arg5[%dma_wait3A_378, %scan3A_8, %dma_wait3A_384] : memref<16x10x125xi32, #tpu.memory_space<vmem>> -> memref<1x1x125xi32, #tpu.memory_space<vmem>>
      %dma_wait3A_386 = tpu.memref_squeeze %dma_wait3A_385 : memref<1x1x125xi32, #tpu.memory_space<vmem>> -> memref<125xi32, #tpu.memory_space<vmem>>
      %dma_wait3A_387 = arith.constant 0 : i32
      %dma_wait3A_388 = arith.constant 0 : i32
      %dma_wait3A_389 = tpu.memref_slice %arg2[%dma_wait3A_387, %dma_wait3A_388] : memref<40000x32xf32, #tpu.memory_space<hbm>> -> memref<40000x32xf32, #tpu.memory_space<hbm>>
      tpu.wait_indirect_dma semaphore(%arg7 : memref<!tpu.dma_semaphore, #tpu.memory_space<semaphore_mem>>) src(%dma_wait3A_389 : memref<40000x32xf32, #tpu.memory_space<hbm>>) dst(%dma_wait3A_383 : memref<125x32xf32, #tpu.memory_space<vmem>>)
      %add3A_390 = arith.constant 80000 : i32
      %add3A_391 = arith.addi %add3A_390, %mul3A_2 : i32
      %mul3A_392 = arith.constant 125 : i32
      %mul3A_393 = arith.muli %scan3A_8, %mul3A_392 : i32
      %add3A_394 = arith.addi %add3A_391, %mul3A_393 : i32
      %run_scoped3A_395 = arith.constant 10 : i32
      "tpu.region"() ({
        %run_scoped3A_486 = tpu.sem_alloc : memref<!tpu.dma_semaphore, #tpu.memory_space<semaphore_mem>>
        %dma_start3A_487 = arith.constant 0 : i32
        %dma_start3A_488 = arith.constant 0 : i32
        %dma_start3A_489 = tpu.memref_slice %arg6[%run_scoped3A_395, %dma_start3A_487, %dma_start3A_488] : memref<16x125x32xf32, #tpu.memory_space<vmem>> -> memref<1x125x32xf32, #tpu.memory_space<vmem>>
        %dma_start3A_490 = tpu.memref_squeeze %dma_start3A_489 : memref<1x125x32xf32, #tpu.memory_space<vmem>> -> memref<125x32xf32, #tpu.memory_space<vmem>>
        %dma_start3A_491 = arith.constant 64 : i32
        %dma_start3A_492 = tpu.memref_slice %arg4[%add3A_394, %dma_start3A_491] : memref<160000x128xf32, #tpu.memory_space<hbm>> -> memref<125x32xf32, #tpu.memory_space<hbm>>
        %dma_start3A_493 = arith.constant 64 : i32
        %dma_start3A_494 = tpu.memref_slice %arg4[%add3A_394, %dma_start3A_493] : memref<160000x128xf32, #tpu.memory_space<hbm>> -> memref<125x32xf32, #tpu.memory_space<hbm>>
        %dma_start3A_495 = arith.constant 0 : i32
        %dma_start3A_496 = arith.constant 0 : i32
        %dma_start3A_497 = tpu.memref_slice %arg6[%run_scoped3A_395, %dma_start3A_495, %dma_start3A_496] : memref<16x125x32xf32, #tpu.memory_space<vmem>> -> memref<1x125x32xf32, #tpu.memory_space<vmem>>
        %dma_start3A_498 = tpu.memref_squeeze %dma_start3A_497 : memref<1x125x32xf32, #tpu.memory_space<vmem>> -> memref<125x32xf32, #tpu.memory_space<vmem>>
        tpu.enqueue_dma source(%dma_start3A_498 : memref<125x32xf32, #tpu.memory_space<vmem>>) target(%dma_start3A_494 : memref<125x32xf32, #tpu.memory_space<hbm>>) target_semaphore(%run_scoped3A_486 : memref<!tpu.dma_semaphore, #tpu.memory_space<semaphore_mem>>)
        %dma_wait3A_499 = arith.constant 0 : i32
        %dma_wait3A_500 = arith.constant 0 : i32
        %dma_wait3A_501 = tpu.memref_slice %arg6[%run_scoped3A_395, %dma_wait3A_499, %dma_wait3A_500] : memref<16x125x32xf32, #tpu.memory_space<vmem>> -> memref<1x125x32xf32, #tpu.memory_space<vmem>>
        %dma_wait3A_502 = tpu.memref_squeeze %dma_wait3A_501 : memref<1x125x32xf32, #tpu.memory_space<vmem>> -> memref<125x32xf32, #tpu.memory_space<vmem>>
        %dma_wait3A_503 = arith.constant 64 : i32
        %dma_wait3A_504 = tpu.memref_slice %arg4[%add3A_394, %dma_wait3A_503] : memref<160000x128xf32, #tpu.memory_space<hbm>> -> memref<125x32xf32, #tpu.memory_space<hbm>>
        %dma_wait3A_505 = arith.constant 64 : i32
        %dma_wait3A_506 = tpu.memref_slice %arg4[%add3A_394, %dma_wait3A_505] : memref<160000x128xf32, #tpu.memory_space<hbm>> -> memref<125x32xf32, #tpu.memory_space<hbm>>
        %dma_wait3A_507 = arith.constant 0 : i32
        %dma_wait3A_508 = arith.constant 0 : i32
        %dma_wait3A_509 = tpu.memref_slice %arg6[%run_scoped3A_395, %dma_wait3A_507, %dma_wait3A_508] : memref<16x125x32xf32, #tpu.memory_space<vmem>> -> memref<1x125x32xf32, #tpu.memory_space<vmem>>
        %dma_wait3A_510 = tpu.memref_squeeze %dma_wait3A_509 : memref<1x125x32xf32, #tpu.memory_space<vmem>> -> memref<125x32xf32, #tpu.memory_space<vmem>>
        tpu.wait_dma2 semaphore(%run_scoped3A_486 : memref<!tpu.dma_semaphore, #tpu.memory_space<semaphore_mem>>) src(%dma_wait3A_510 : memref<125x32xf32, #tpu.memory_space<vmem>>) dst(%dma_wait3A_506 : memref<125x32xf32, #tpu.memory_space<hbm>>)
        tpu.yield
      }) : () -> ()
      %dma_wait3A_396 = arith.constant 11 : i32
      %dma_wait3A_397 = arith.constant 11 : i32
      %dma_wait3A_398 = arith.constant 0 : i32
      %dma_wait3A_399 = arith.constant 0 : i32
      %dma_wait3A_400 = tpu.memref_slice %arg6[%dma_wait3A_397, %dma_wait3A_398, %dma_wait3A_399] : memref<16x125x32xf32, #tpu.memory_space<vmem>> -> memref<1x125x32xf32, #tpu.memory_space<vmem>>
      %dma_wait3A_401 = tpu.memref_squeeze %dma_wait3A_400 : memref<1x125x32xf32, #tpu.memory_space<vmem>> -> memref<125x32xf32, #tpu.memory_space<vmem>>
      %dma_wait3A_402 = arith.constant 0 : i32
      %dma_wait3A_403 = tpu.memref_slice %arg5[%dma_wait3A_396, %scan3A_8, %dma_wait3A_402] : memref<16x10x125xi32, #tpu.memory_space<vmem>> -> memref<1x1x125xi32, #tpu.memory_space<vmem>>
      %dma_wait3A_404 = tpu.memref_squeeze %dma_wait3A_403 : memref<1x1x125xi32, #tpu.memory_space<vmem>> -> memref<125xi32, #tpu.memory_space<vmem>>
      %dma_wait3A_405 = arith.constant 0 : i32
      %dma_wait3A_406 = arith.constant 0 : i32
      %dma_wait3A_407 = tpu.memref_slice %arg2[%dma_wait3A_405, %dma_wait3A_406] : memref<40000x32xf32, #tpu.memory_space<hbm>> -> memref<40000x32xf32, #tpu.memory_space<hbm>>
      tpu.wait_indirect_dma semaphore(%arg7 : memref<!tpu.dma_semaphore, #tpu.memory_space<semaphore_mem>>) src(%dma_wait3A_407 : memref<40000x32xf32, #tpu.memory_space<hbm>>) dst(%dma_wait3A_401 : memref<125x32xf32, #tpu.memory_space<vmem>>)
      %add3A_408 = arith.constant 80000 : i32
      %add3A_409 = arith.addi %add3A_408, %mul3A_2 : i32
      %mul3A_410 = arith.constant 125 : i32
      %mul3A_411 = arith.muli %scan3A_8, %mul3A_410 : i32
      %add3A_412 = arith.addi %add3A_409, %mul3A_411 : i32
      %run_scoped3A_413 = arith.constant 11 : i32
      "tpu.region"() ({
        %run_scoped3A_486 = tpu.sem_alloc : memref<!tpu.dma_semaphore, #tpu.memory_space<semaphore_mem>>
        %dma_start3A_487 = arith.constant 0 : i32
        %dma_start3A_488 = arith.constant 0 : i32
        %dma_start3A_489 = tpu.memref_slice %arg6[%run_scoped3A_413, %dma_start3A_487, %dma_start3A_488] : memref<16x125x32xf32, #tpu.memory_space<vmem>> -> memref<1x125x32xf32, #tpu.memory_space<vmem>>
        %dma_start3A_490 = tpu.memref_squeeze %dma_start3A_489 : memref<1x125x32xf32, #tpu.memory_space<vmem>> -> memref<125x32xf32, #tpu.memory_space<vmem>>
        %dma_start3A_491 = arith.constant 96 : i32
        %dma_start3A_492 = tpu.memref_slice %arg4[%add3A_412, %dma_start3A_491] : memref<160000x128xf32, #tpu.memory_space<hbm>> -> memref<125x32xf32, #tpu.memory_space<hbm>>
        %dma_start3A_493 = arith.constant 96 : i32
        %dma_start3A_494 = tpu.memref_slice %arg4[%add3A_412, %dma_start3A_493] : memref<160000x128xf32, #tpu.memory_space<hbm>> -> memref<125x32xf32, #tpu.memory_space<hbm>>
        %dma_start3A_495 = arith.constant 0 : i32
        %dma_start3A_496 = arith.constant 0 : i32
        %dma_start3A_497 = tpu.memref_slice %arg6[%run_scoped3A_413, %dma_start3A_495, %dma_start3A_496] : memref<16x125x32xf32, #tpu.memory_space<vmem>> -> memref<1x125x32xf32, #tpu.memory_space<vmem>>
        %dma_start3A_498 = tpu.memref_squeeze %dma_start3A_497 : memref<1x125x32xf32, #tpu.memory_space<vmem>> -> memref<125x32xf32, #tpu.memory_space<vmem>>
        tpu.enqueue_dma source(%dma_start3A_498 : memref<125x32xf32, #tpu.memory_space<vmem>>) target(%dma_start3A_494 : memref<125x32xf32, #tpu.memory_space<hbm>>) target_semaphore(%run_scoped3A_486 : memref<!tpu.dma_semaphore, #tpu.memory_space<semaphore_mem>>)
        %dma_wait3A_499 = arith.constant 0 : i32
        %dma_wait3A_500 = arith.constant 0 : i32
        %dma_wait3A_501 = tpu.memref_slice %arg6[%run_scoped3A_413, %dma_wait3A_499, %dma_wait3A_500] : memref<16x125x32xf32, #tpu.memory_space<vmem>> -> memref<1x125x32xf32, #tpu.memory_space<vmem>>
        %dma_wait3A_502 = tpu.memref_squeeze %dma_wait3A_501 : memref<1x125x32xf32, #tpu.memory_space<vmem>> -> memref<125x32xf32, #tpu.memory_space<vmem>>
        %dma_wait3A_503 = arith.constant 96 : i32
        %dma_wait3A_504 = tpu.memref_slice %arg4[%add3A_412, %dma_wait3A_503] : memref<160000x128xf32, #tpu.memory_space<hbm>> -> memref<125x32xf32, #tpu.memory_space<hbm>>
        %dma_wait3A_505 = arith.constant 96 : i32
        %dma_wait3A_506 = tpu.memref_slice %arg4[%add3A_412, %dma_wait3A_505] : memref<160000x128xf32, #tpu.memory_space<hbm>> -> memref<125x32xf32, #tpu.memory_space<hbm>>
        %dma_wait3A_507 = arith.constant 0 : i32
        %dma_wait3A_508 = arith.constant 0 : i32
        %dma_wait3A_509 = tpu.memref_slice %arg6[%run_scoped3A_413, %dma_wait3A_507, %dma_wait3A_508] : memref<16x125x32xf32, #tpu.memory_space<vmem>> -> memref<1x125x32xf32, #tpu.memory_space<vmem>>
        %dma_wait3A_510 = tpu.memref_squeeze %dma_wait3A_509 : memref<1x125x32xf32, #tpu.memory_space<vmem>> -> memref<125x32xf32, #tpu.memory_space<vmem>>
        tpu.wait_dma2 semaphore(%run_scoped3A_486 : memref<!tpu.dma_semaphore, #tpu.memory_space<semaphore_mem>>) src(%dma_wait3A_510 : memref<125x32xf32, #tpu.memory_space<vmem>>) dst(%dma_wait3A_506 : memref<125x32xf32, #tpu.memory_space<hbm>>)
        tpu.yield
      }) : () -> ()
      %dma_wait3A_414 = arith.constant 12 : i32
      %dma_wait3A_415 = arith.constant 12 : i32
      %dma_wait3A_416 = arith.constant 0 : i32
      %dma_wait3A_417 = arith.constant 0 : i32
      %dma_wait3A_418 = tpu.memref_slice %arg6[%dma_wait3A_415, %dma_wait3A_416, %dma_wait3A_417] : memref<16x125x32xf32, #tpu.memory_space<vmem>> -> memref<1x125x32xf32, #tpu.memory_space<vmem>>
      %dma_wait3A_419 = tpu.memref_squeeze %dma_wait3A_418 : memref<1x125x32xf32, #tpu.memory_space<vmem>> -> memref<125x32xf32, #tpu.memory_space<vmem>>
      %dma_wait3A_420 = arith.constant 0 : i32
      %dma_wait3A_421 = tpu.memref_slice %arg5[%dma_wait3A_414, %scan3A_8, %dma_wait3A_420] : memref<16x10x125xi32, #tpu.memory_space<vmem>> -> memref<1x1x125xi32, #tpu.memory_space<vmem>>
      %dma_wait3A_422 = tpu.memref_squeeze %dma_wait3A_421 : memref<1x1x125xi32, #tpu.memory_space<vmem>> -> memref<125xi32, #tpu.memory_space<vmem>>
      %dma_wait3A_423 = arith.constant 0 : i32
      %dma_wait3A_424 = arith.constant 0 : i32
      %dma_wait3A_425 = tpu.memref_slice %arg2[%dma_wait3A_423, %dma_wait3A_424] : memref<40000x32xf32, #tpu.memory_space<hbm>> -> memref<40000x32xf32, #tpu.memory_space<hbm>>
      tpu.wait_indirect_dma semaphore(%arg7 : memref<!tpu.dma_semaphore, #tpu.memory_space<semaphore_mem>>) src(%dma_wait3A_425 : memref<40000x32xf32, #tpu.memory_space<hbm>>) dst(%dma_wait3A_419 : memref<125x32xf32, #tpu.memory_space<vmem>>)
      %add3A_426 = arith.constant 120000 : i32
      %add3A_427 = arith.addi %add3A_426, %mul3A_2 : i32
      %mul3A_428 = arith.constant 125 : i32
      %mul3A_429 = arith.muli %scan3A_8, %mul3A_428 : i32
      %add3A_430 = arith.addi %add3A_427, %mul3A_429 : i32
      %run_scoped3A_431 = arith.constant 12 : i32
      "tpu.region"() ({
        %run_scoped3A_486 = tpu.sem_alloc : memref<!tpu.dma_semaphore, #tpu.memory_space<semaphore_mem>>
        %dma_start3A_487 = arith.constant 0 : i32
        %dma_start3A_488 = arith.constant 0 : i32
        %dma_start3A_489 = tpu.memref_slice %arg6[%run_scoped3A_431, %dma_start3A_487, %dma_start3A_488] : memref<16x125x32xf32, #tpu.memory_space<vmem>> -> memref<1x125x32xf32, #tpu.memory_space<vmem>>
        %dma_start3A_490 = tpu.memref_squeeze %dma_start3A_489 : memref<1x125x32xf32, #tpu.memory_space<vmem>> -> memref<125x32xf32, #tpu.memory_space<vmem>>
        %dma_start3A_491 = arith.constant 0 : i32
        %dma_start3A_492 = tpu.memref_slice %arg4[%add3A_430, %dma_start3A_491] : memref<160000x128xf32, #tpu.memory_space<hbm>> -> memref<125x32xf32, #tpu.memory_space<hbm>>
        %dma_start3A_493 = arith.constant 0 : i32
        %dma_start3A_494 = tpu.memref_slice %arg4[%add3A_430, %dma_start3A_493] : memref<160000x128xf32, #tpu.memory_space<hbm>> -> memref<125x32xf32, #tpu.memory_space<hbm>>
        %dma_start3A_495 = arith.constant 0 : i32
        %dma_start3A_496 = arith.constant 0 : i32
        %dma_start3A_497 = tpu.memref_slice %arg6[%run_scoped3A_431, %dma_start3A_495, %dma_start3A_496] : memref<16x125x32xf32, #tpu.memory_space<vmem>> -> memref<1x125x32xf32, #tpu.memory_space<vmem>>
        %dma_start3A_498 = tpu.memref_squeeze %dma_start3A_497 : memref<1x125x32xf32, #tpu.memory_space<vmem>> -> memref<125x32xf32, #tpu.memory_space<vmem>>
        tpu.enqueue_dma source(%dma_start3A_498 : memref<125x32xf32, #tpu.memory_space<vmem>>) target(%dma_start3A_494 : memref<125x32xf32, #tpu.memory_space<hbm>>) target_semaphore(%run_scoped3A_486 : memref<!tpu.dma_semaphore, #tpu.memory_space<semaphore_mem>>)
        %dma_wait3A_499 = arith.constant 0 : i32
        %dma_wait3A_500 = arith.constant 0 : i32
        %dma_wait3A_501 = tpu.memref_slice %arg6[%run_scoped3A_431, %dma_wait3A_499, %dma_wait3A_500] : memref<16x125x32xf32, #tpu.memory_space<vmem>> -> memref<1x125x32xf32, #tpu.memory_space<vmem>>
        %dma_wait3A_502 = tpu.memref_squeeze %dma_wait3A_501 : memref<1x125x32xf32, #tpu.memory_space<vmem>> -> memref<125x32xf32, #tpu.memory_space<vmem>>
        %dma_wait3A_503 = arith.constant 0 : i32
        %dma_wait3A_504 = tpu.memref_slice %arg4[%add3A_430, %dma_wait3A_503] : memref<160000x128xf32, #tpu.memory_space<hbm>> -> memref<125x32xf32, #tpu.memory_space<hbm>>
        %dma_wait3A_505 = arith.constant 0 : i32
        %dma_wait3A_506 = tpu.memref_slice %arg4[%add3A_430, %dma_wait3A_505] : memref<160000x128xf32, #tpu.memory_space<hbm>> -> memref<125x32xf32, #tpu.memory_space<hbm>>
        %dma_wait3A_507 = arith.constant 0 : i32
        %dma_wait3A_508 = arith.constant 0 : i32
        %dma_wait3A_509 = tpu.memref_slice %arg6[%run_scoped3A_431, %dma_wait3A_507, %dma_wait3A_508] : memref<16x125x32xf32, #tpu.memory_space<vmem>> -> memref<1x125x32xf32, #tpu.memory_space<vmem>>
        %dma_wait3A_510 = tpu.memref_squeeze %dma_wait3A_509 : memref<1x125x32xf32, #tpu.memory_space<vmem>> -> memref<125x32xf32, #tpu.memory_space<vmem>>
        tpu.wait_dma2 semaphore(%run_scoped3A_486 : memref<!tpu.dma_semaphore, #tpu.memory_space<semaphore_mem>>) src(%dma_wait3A_510 : memref<125x32xf32, #tpu.memory_space<vmem>>) dst(%dma_wait3A_506 : memref<125x32xf32, #tpu.memory_space<hbm>>)
        tpu.yield
      }) : () -> ()
      %dma_wait3A_432 = arith.constant 13 : i32
      %dma_wait3A_433 = arith.constant 13 : i32
      %dma_wait3A_434 = arith.constant 0 : i32
      %dma_wait3A_435 = arith.constant 0 : i32
      %dma_wait3A_436 = tpu.memref_slice %arg6[%dma_wait3A_433, %dma_wait3A_434, %dma_wait3A_435] : memref<16x125x32xf32, #tpu.memory_space<vmem>> -> memref<1x125x32xf32, #tpu.memory_space<vmem>>
      %dma_wait3A_437 = tpu.memref_squeeze %dma_wait3A_436 : memref<1x125x32xf32, #tpu.memory_space<vmem>> -> memref<125x32xf32, #tpu.memory_space<vmem>>
      %dma_wait3A_438 = arith.constant 0 : i32
      %dma_wait3A_439 = tpu.memref_slice %arg5[%dma_wait3A_432, %scan3A_8, %dma_wait3A_438] : memref<16x10x125xi32, #tpu.memory_space<vmem>> -> memref<1x1x125xi32, #tpu.memory_space<vmem>>
      %dma_wait3A_440 = tpu.memref_squeeze %dma_wait3A_439 : memref<1x1x125xi32, #tpu.memory_space<vmem>> -> memref<125xi32, #tpu.memory_space<vmem>>
      %dma_wait3A_441 = arith.constant 0 : i32
      %dma_wait3A_442 = arith.constant 0 : i32
      %dma_wait3A_443 = tpu.memref_slice %arg2[%dma_wait3A_441, %dma_wait3A_442] : memref<40000x32xf32, #tpu.memory_space<hbm>> -> memref<40000x32xf32, #tpu.memory_space<hbm>>
      tpu.wait_indirect_dma semaphore(%arg7 : memref<!tpu.dma_semaphore, #tpu.memory_space<semaphore_mem>>) src(%dma_wait3A_443 : memref<40000x32xf32, #tpu.memory_space<hbm>>) dst(%dma_wait3A_437 : memref<125x32xf32, #tpu.memory_space<vmem>>)
      %add3A_444 = arith.constant 120000 : i32
      %add3A_445 = arith.addi %add3A_444, %mul3A_2 : i32
      %mul3A_446 = arith.constant 125 : i32
      %mul3A_447 = arith.muli %scan3A_8, %mul3A_446 : i32
      %add3A_448 = arith.addi %add3A_445, %mul3A_447 : i32
      %run_scoped3A_449 = arith.constant 13 : i32
      "tpu.region"() ({
        %run_scoped3A_486 = tpu.sem_alloc : memref<!tpu.dma_semaphore, #tpu.memory_space<semaphore_mem>>
        %dma_start3A_487 = arith.constant 0 : i32
        %dma_start3A_488 = arith.constant 0 : i32
        %dma_start3A_489 = tpu.memref_slice %arg6[%run_scoped3A_449, %dma_start3A_487, %dma_start3A_488] : memref<16x125x32xf32, #tpu.memory_space<vmem>> -> memref<1x125x32xf32, #tpu.memory_space<vmem>>
        %dma_start3A_490 = tpu.memref_squeeze %dma_start3A_489 : memref<1x125x32xf32, #tpu.memory_space<vmem>> -> memref<125x32xf32, #tpu.memory_space<vmem>>
        %dma_start3A_491 = arith.constant 32 : i32
        %dma_start3A_492 = tpu.memref_slice %arg4[%add3A_448, %dma_start3A_491] : memref<160000x128xf32, #tpu.memory_space<hbm>> -> memref<125x32xf32, #tpu.memory_space<hbm>>
        %dma_start3A_493 = arith.constant 32 : i32
        %dma_start3A_494 = tpu.memref_slice %arg4[%add3A_448, %dma_start3A_493] : memref<160000x128xf32, #tpu.memory_space<hbm>> -> memref<125x32xf32, #tpu.memory_space<hbm>>
        %dma_start3A_495 = arith.constant 0 : i32
        %dma_start3A_496 = arith.constant 0 : i32
        %dma_start3A_497 = tpu.memref_slice %arg6[%run_scoped3A_449, %dma_start3A_495, %dma_start3A_496] : memref<16x125x32xf32, #tpu.memory_space<vmem>> -> memref<1x125x32xf32, #tpu.memory_space<vmem>>
        %dma_start3A_498 = tpu.memref_squeeze %dma_start3A_497 : memref<1x125x32xf32, #tpu.memory_space<vmem>> -> memref<125x32xf32, #tpu.memory_space<vmem>>
        tpu.enqueue_dma source(%dma_start3A_498 : memref<125x32xf32, #tpu.memory_space<vmem>>) target(%dma_start3A_494 : memref<125x32xf32, #tpu.memory_space<hbm>>) target_semaphore(%run_scoped3A_486 : memref<!tpu.dma_semaphore, #tpu.memory_space<semaphore_mem>>)
        %dma_wait3A_499 = arith.constant 0 : i32
        %dma_wait3A_500 = arith.constant 0 : i32
        %dma_wait3A_501 = tpu.memref_slice %arg6[%run_scoped3A_449, %dma_wait3A_499, %dma_wait3A_500] : memref<16x125x32xf32, #tpu.memory_space<vmem>> -> memref<1x125x32xf32, #tpu.memory_space<vmem>>
        %dma_wait3A_502 = tpu.memref_squeeze %dma_wait3A_501 : memref<1x125x32xf32, #tpu.memory_space<vmem>> -> memref<125x32xf32, #tpu.memory_space<vmem>>
        %dma_wait3A_503 = arith.constant 32 : i32
        %dma_wait3A_504 = tpu.memref_slice %arg4[%add3A_448, %dma_wait3A_503] : memref<160000x128xf32, #tpu.memory_space<hbm>> -> memref<125x32xf32, #tpu.memory_space<hbm>>
        %dma_wait3A_505 = arith.constant 32 : i32
        %dma_wait3A_506 = tpu.memref_slice %arg4[%add3A_448, %dma_wait3A_505] : memref<160000x128xf32, #tpu.memory_space<hbm>> -> memref<125x32xf32, #tpu.memory_space<hbm>>
        %dma_wait3A_507 = arith.constant 0 : i32
        %dma_wait3A_508 = arith.constant 0 : i32
        %dma_wait3A_509 = tpu.memref_slice %arg6[%run_scoped3A_449, %dma_wait3A_507, %dma_wait3A_508] : memref<16x125x32xf32, #tpu.memory_space<vmem>> -> memref<1x125x32xf32, #tpu.memory_space<vmem>>
        %dma_wait3A_510 = tpu.memref_squeeze %dma_wait3A_509 : memref<1x125x32xf32, #tpu.memory_space<vmem>> -> memref<125x32xf32, #tpu.memory_space<vmem>>
        tpu.wait_dma2 semaphore(%run_scoped3A_486 : memref<!tpu.dma_semaphore, #tpu.memory_space<semaphore_mem>>) src(%dma_wait3A_510 : memref<125x32xf32, #tpu.memory_space<vmem>>) dst(%dma_wait3A_506 : memref<125x32xf32, #tpu.memory_space<hbm>>)
        tpu.yield
      }) : () -> ()
      %dma_wait3A_450 = arith.constant 14 : i32
      %dma_wait3A_451 = arith.constant 14 : i32
      %dma_wait3A_452 = arith.constant 0 : i32
      %dma_wait3A_453 = arith.constant 0 : i32
      %dma_wait3A_454 = tpu.memref_slice %arg6[%dma_wait3A_451, %dma_wait3A_452, %dma_wait3A_453] : memref<16x125x32xf32, #tpu.memory_space<vmem>> -> memref<1x125x32xf32, #tpu.memory_space<vmem>>
      %dma_wait3A_455 = tpu.memref_squeeze %dma_wait3A_454 : memref<1x125x32xf32, #tpu.memory_space<vmem>> -> memref<125x32xf32, #tpu.memory_space<vmem>>
      %dma_wait3A_456 = arith.constant 0 : i32
      %dma_wait3A_457 = tpu.memref_slice %arg5[%dma_wait3A_450, %scan3A_8, %dma_wait3A_456] : memref<16x10x125xi32, #tpu.memory_space<vmem>> -> memref<1x1x125xi32, #tpu.memory_space<vmem>>
      %dma_wait3A_458 = tpu.memref_squeeze %dma_wait3A_457 : memref<1x1x125xi32, #tpu.memory_space<vmem>> -> memref<125xi32, #tpu.memory_space<vmem>>
      %dma_wait3A_459 = arith.constant 0 : i32
      %dma_wait3A_460 = arith.constant 0 : i32
      %dma_wait3A_461 = tpu.memref_slice %arg2[%dma_wait3A_459, %dma_wait3A_460] : memref<40000x32xf32, #tpu.memory_space<hbm>> -> memref<40000x32xf32, #tpu.memory_space<hbm>>
      tpu.wait_indirect_dma semaphore(%arg7 : memref<!tpu.dma_semaphore, #tpu.memory_space<semaphore_mem>>) src(%dma_wait3A_461 : memref<40000x32xf32, #tpu.memory_space<hbm>>) dst(%dma_wait3A_455 : memref<125x32xf32, #tpu.memory_space<vmem>>)
      %add3A_462 = arith.constant 120000 : i32
      %add3A_463 = arith.addi %add3A_462, %mul3A_2 : i32
      %mul3A_464 = arith.constant 125 : i32
      %mul3A_465 = arith.muli %scan3A_8, %mul3A_464 : i32
      %add3A_466 = arith.addi %add3A_463, %mul3A_465 : i32
      %run_scoped3A_467 = arith.constant 14 : i32
      "tpu.region"() ({
        %run_scoped3A_486 = tpu.sem_alloc : memref<!tpu.dma_semaphore, #tpu.memory_space<semaphore_mem>>
        %dma_start3A_487 = arith.constant 0 : i32
        %dma_start3A_488 = arith.constant 0 : i32
        %dma_start3A_489 = tpu.memref_slice %arg6[%run_scoped3A_467, %dma_start3A_487, %dma_start3A_488] : memref<16x125x32xf32, #tpu.memory_space<vmem>> -> memref<1x125x32xf32, #tpu.memory_space<vmem>>
        %dma_start3A_490 = tpu.memref_squeeze %dma_start3A_489 : memref<1x125x32xf32, #tpu.memory_space<vmem>> -> memref<125x32xf32, #tpu.memory_space<vmem>>
        %dma_start3A_491 = arith.constant 64 : i32
        %dma_start3A_492 = tpu.memref_slice %arg4[%add3A_466, %dma_start3A_491] : memref<160000x128xf32, #tpu.memory_space<hbm>> -> memref<125x32xf32, #tpu.memory_space<hbm>>
        %dma_start3A_493 = arith.constant 64 : i32
        %dma_start3A_494 = tpu.memref_slice %arg4[%add3A_466, %dma_start3A_493] : memref<160000x128xf32, #tpu.memory_space<hbm>> -> memref<125x32xf32, #tpu.memory_space<hbm>>
        %dma_start3A_495 = arith.constant 0 : i32
        %dma_start3A_496 = arith.constant 0 : i32
        %dma_start3A_497 = tpu.memref_slice %arg6[%run_scoped3A_467, %dma_start3A_495, %dma_start3A_496] : memref<16x125x32xf32, #tpu.memory_space<vmem>> -> memref<1x125x32xf32, #tpu.memory_space<vmem>>
        %dma_start3A_498 = tpu.memref_squeeze %dma_start3A_497 : memref<1x125x32xf32, #tpu.memory_space<vmem>> -> memref<125x32xf32, #tpu.memory_space<vmem>>
        tpu.enqueue_dma source(%dma_start3A_498 : memref<125x32xf32, #tpu.memory_space<vmem>>) target(%dma_start3A_494 : memref<125x32xf32, #tpu.memory_space<hbm>>) target_semaphore(%run_scoped3A_486 : memref<!tpu.dma_semaphore, #tpu.memory_space<semaphore_mem>>)
        %dma_wait3A_499 = arith.constant 0 : i32
        %dma_wait3A_500 = arith.constant 0 : i32
        %dma_wait3A_501 = tpu.memref_slice %arg6[%run_scoped3A_467, %dma_wait3A_499, %dma_wait3A_500] : memref<16x125x32xf32, #tpu.memory_space<vmem>> -> memref<1x125x32xf32, #tpu.memory_space<vmem>>
        %dma_wait3A_502 = tpu.memref_squeeze %dma_wait3A_501 : memref<1x125x32xf32, #tpu.memory_space<vmem>> -> memref<125x32xf32, #tpu.memory_space<vmem>>
        %dma_wait3A_503 = arith.constant 64 : i32
        %dma_wait3A_504 = tpu.memref_slice %arg4[%add3A_466, %dma_wait3A_503] : memref<160000x128xf32, #tpu.memory_space<hbm>> -> memref<125x32xf32, #tpu.memory_space<hbm>>
        %dma_wait3A_505 = arith.constant 64 : i32
        %dma_wait3A_506 = tpu.memref_slice %arg4[%add3A_466, %dma_wait3A_505] : memref<160000x128xf32, #tpu.memory_space<hbm>> -> memref<125x32xf32, #tpu.memory_space<hbm>>
        %dma_wait3A_507 = arith.constant 0 : i32
        %dma_wait3A_508 = arith.constant 0 : i32
        %dma_wait3A_509 = tpu.memref_slice %arg6[%run_scoped3A_467, %dma_wait3A_507, %dma_wait3A_508] : memref<16x125x32xf32, #tpu.memory_space<vmem>> -> memref<1x125x32xf32, #tpu.memory_space<vmem>>
        %dma_wait3A_510 = tpu.memref_squeeze %dma_wait3A_509 : memref<1x125x32xf32, #tpu.memory_space<vmem>> -> memref<125x32xf32, #tpu.memory_space<vmem>>
        tpu.wait_dma2 semaphore(%run_scoped3A_486 : memref<!tpu.dma_semaphore, #tpu.memory_space<semaphore_mem>>) src(%dma_wait3A_510 : memref<125x32xf32, #tpu.memory_space<vmem>>) dst(%dma_wait3A_506 : memref<125x32xf32, #tpu.memory_space<hbm>>)
        tpu.yield
      }) : () -> ()
      %dma_wait3A_468 = arith.constant 15 : i32
      %dma_wait3A_469 = arith.constant 15 : i32
      %dma_wait3A_470 = arith.constant 0 : i32
      %dma_wait3A_471 = arith.constant 0 : i32
      %dma_wait3A_472 = tpu.memref_slice %arg6[%dma_wait3A_469, %dma_wait3A_470, %dma_wait3A_471] : memref<16x125x32xf32, #tpu.memory_space<vmem>> -> memref<1x125x32xf32, #tpu.memory_space<vmem>>
      %dma_wait3A_473 = tpu.memref_squeeze %dma_wait3A_472 : memref<1x125x32xf32, #tpu.memory_space<vmem>> -> memref<125x32xf32, #tpu.memory_space<vmem>>
      %dma_wait3A_474 = arith.constant 0 : i32
      %dma_wait3A_475 = tpu.memref_slice %arg5[%dma_wait3A_468, %scan3A_8, %dma_wait3A_474] : memref<16x10x125xi32, #tpu.memory_space<vmem>> -> memref<1x1x125xi32, #tpu.memory_space<vmem>>
      %dma_wait3A_476 = tpu.memref_squeeze %dma_wait3A_475 : memref<1x1x125xi32, #tpu.memory_space<vmem>> -> memref<125xi32, #tpu.memory_space<vmem>>
      %dma_wait3A_477 = arith.constant 0 : i32
      %dma_wait3A_478 = arith.constant 0 : i32
      %dma_wait3A_479 = tpu.memref_slice %arg2[%dma_wait3A_477, %dma_wait3A_478] : memref<40000x32xf32, #tpu.memory_space<hbm>> -> memref<40000x32xf32, #tpu.memory_space<hbm>>
      tpu.wait_indirect_dma semaphore(%arg7 : memref<!tpu.dma_semaphore, #tpu.memory_space<semaphore_mem>>) src(%dma_wait3A_479 : memref<40000x32xf32, #tpu.memory_space<hbm>>) dst(%dma_wait3A_473 : memref<125x32xf32, #tpu.memory_space<vmem>>)
      %add3A_480 = arith.constant 120000 : i32
      %add3A_481 = arith.addi %add3A_480, %mul3A_2 : i32
      %mul3A_482 = arith.constant 125 : i32
      %mul3A_483 = arith.muli %scan3A_8, %mul3A_482 : i32
      %add3A_484 = arith.addi %add3A_481, %mul3A_483 : i32
      %run_scoped3A_485 = arith.constant 15 : i32
      "tpu.region"() ({
        %run_scoped3A_486 = tpu.sem_alloc : memref<!tpu.dma_semaphore, #tpu.memory_space<semaphore_mem>>
        %dma_start3A_487 = arith.constant 0 : i32
        %dma_start3A_488 = arith.constant 0 : i32
        %dma_start3A_489 = tpu.memref_slice %arg6[%run_scoped3A_485, %dma_start3A_487, %dma_start3A_488] : memref<16x125x32xf32, #tpu.memory_space<vmem>> -> memref<1x125x32xf32, #tpu.memory_space<vmem>>
        %dma_start3A_490 = tpu.memref_squeeze %dma_start3A_489 : memref<1x125x32xf32, #tpu.memory_space<vmem>> -> memref<125x32xf32, #tpu.memory_space<vmem>>
        %dma_start3A_491 = arith.constant 96 : i32
        %dma_start3A_492 = tpu.memref_slice %arg4[%add3A_484, %dma_start3A_491] : memref<160000x128xf32, #tpu.memory_space<hbm>> -> memref<125x32xf32, #tpu.memory_space<hbm>>
        %dma_start3A_493 = arith.constant 96 : i32
        %dma_start3A_494 = tpu.memref_slice %arg4[%add3A_484, %dma_start3A_493] : memref<160000x128xf32, #tpu.memory_space<hbm>> -> memref<125x32xf32, #tpu.memory_space<hbm>>
        %dma_start3A_495 = arith.constant 0 : i32
        %dma_start3A_496 = arith.constant 0 : i32
        %dma_start3A_497 = tpu.memref_slice %arg6[%run_scoped3A_485, %dma_start3A_495, %dma_start3A_496] : memref<16x125x32xf32, #tpu.memory_space<vmem>> -> memref<1x125x32xf32, #tpu.memory_space<vmem>>
        %dma_start3A_498 = tpu.memref_squeeze %dma_start3A_497 : memref<1x125x32xf32, #tpu.memory_space<vmem>> -> memref<125x32xf32, #tpu.memory_space<vmem>>
        tpu.enqueue_dma source(%dma_start3A_498 : memref<125x32xf32, #tpu.memory_space<vmem>>) target(%dma_start3A_494 : memref<125x32xf32, #tpu.memory_space<hbm>>) target_semaphore(%run_scoped3A_486 : memref<!tpu.dma_semaphore, #tpu.memory_space<semaphore_mem>>)
        %dma_wait3A_499 = arith.constant 0 : i32
        %dma_wait3A_500 = arith.constant 0 : i32
        %dma_wait3A_501 = tpu.memref_slice %arg6[%run_scoped3A_485, %dma_wait3A_499, %dma_wait3A_500] : memref<16x125x32xf32, #tpu.memory_space<vmem>> -> memref<1x125x32xf32, #tpu.memory_space<vmem>>
        %dma_wait3A_502 = tpu.memref_squeeze %dma_wait3A_501 : memref<1x125x32xf32, #tpu.memory_space<vmem>> -> memref<125x32xf32, #tpu.memory_space<vmem>>
        %dma_wait3A_503 = arith.constant 96 : i32
        %dma_wait3A_504 = tpu.memref_slice %arg4[%add3A_484, %dma_wait3A_503] : memref<160000x128xf32, #tpu.memory_space<hbm>> -> memref<125x32xf32, #tpu.memory_space<hbm>>
        %dma_wait3A_505 = arith.constant 96 : i32
        %dma_wait3A_506 = tpu.memref_slice %arg4[%add3A_484, %dma_wait3A_505] : memref<160000x128xf32, #tpu.memory_space<hbm>> -> memref<125x32xf32, #tpu.memory_space<hbm>>
        %dma_wait3A_507 = arith.constant 0 : i32
        %dma_wait3A_508 = arith.constant 0 : i32
        %dma_wait3A_509 = tpu.memref_slice %arg6[%run_scoped3A_485, %dma_wait3A_507, %dma_wait3A_508] : memref<16x125x32xf32, #tpu.memory_space<vmem>> -> memref<1x125x32xf32, #tpu.memory_space<vmem>>
        %dma_wait3A_510 = tpu.memref_squeeze %dma_wait3A_509 : memref<1x125x32xf32, #tpu.memory_space<vmem>> -> memref<125x32xf32, #tpu.memory_space<vmem>>
        tpu.wait_dma2 semaphore(%run_scoped3A_486 : memref<!tpu.dma_semaphore, #tpu.memory_space<semaphore_mem>>) src(%dma_wait3A_510 : memref<125x32xf32, #tpu.memory_space<vmem>>) dst(%dma_wait3A_506 : memref<125x32xf32, #tpu.memory_space<hbm>>)
        tpu.yield
      }) : () -> ()
    }
    %scan3A_7 = arith.constant 10 : i32
    return
  }
}

module attributes {stable_mosaic.version = 14 : i64} {
  func.func @_s1_body(%arg0: i32, %arg1: memref<4000x32xf32, #tpu.memory_space<vmem>>, %arg2: memref<4000x12xf32, #tpu.memory_space<vmem>>, %arg3: memref<8x32xf32, #tpu.memory_space<vmem>>, %arg4: memref<32x16xf32, #tpu.memory_space<vmem>>, %arg5: memref<1x16xf32, #tpu.memory_space<vmem>>, %arg6: memref<16x16xf32, #tpu.memory_space<vmem>>, %arg7: memref<1x16xf32, #tpu.memory_space<vmem>>, %arg8: memref<32x16xf32, #tpu.memory_space<vmem>>, %arg9: memref<1x16xf32, #tpu.memory_space<vmem>>, %arg10: memref<32x16xf32, #tpu.memory_space<vmem>>, %arg11: memref<1x16xf32, #tpu.memory_space<vmem>>, %arg12: memref<16x16xf32, #tpu.memory_space<vmem>>, %arg13: memref<1x16xf32, #tpu.memory_space<vmem>>, %arg14: memref<32x16xf32, #tpu.memory_space<vmem>>, %arg15: memref<1x16xf32, #tpu.memory_space<vmem>>, %arg16: memref<4000x32xf32, #tpu.memory_space<vmem>>) attributes {dimension_semantics = [#tpu.dimension_semantics<arbitrary>], iteration_bounds = array<i64: 10>, scalar_prefetch = 0 : i64, scratch_operands = 0 : i64, tpu.core_type = #tpu.core_type<tc>, window_params = [{transform_indices = @transform_0, window_bounds = array<i64: 4000, 32>}, {transform_indices = @transform_1, window_bounds = array<i64: 4000, 12>}, {pipeline_mode = #tpu.pipeline_mode<synchronous>, transform_indices = @transform_2, window_bounds = array<i64: 8, 32>}, {pipeline_mode = #tpu.pipeline_mode<synchronous>, transform_indices = @transform_3, window_bounds = array<i64: 32, 16>}, {pipeline_mode = #tpu.pipeline_mode<synchronous>, transform_indices = @transform_4, window_bounds = array<i64: 1, 16>}, {pipeline_mode = #tpu.pipeline_mode<synchronous>, transform_indices = @transform_5, window_bounds = array<i64: 16, 16>}, {pipeline_mode = #tpu.pipeline_mode<synchronous>, transform_indices = @transform_6, window_bounds = array<i64: 1, 16>}, {pipeline_mode = #tpu.pipeline_mode<synchronous>, transform_indices = @transform_7, window_bounds = array<i64: 32, 16>}, {pipeline_mode = #tpu.pipeline_mode<synchronous>, transform_indices = @transform_8, window_bounds = array<i64: 1, 16>}, {pipeline_mode = #tpu.pipeline_mode<synchronous>, transform_indices = @transform_9, window_bounds = array<i64: 32, 16>}, {pipeline_mode = #tpu.pipeline_mode<synchronous>, transform_indices = @transform_10, window_bounds = array<i64: 1, 16>}, {pipeline_mode = #tpu.pipeline_mode<synchronous>, transform_indices = @transform_11, window_bounds = array<i64: 16, 16>}, {pipeline_mode = #tpu.pipeline_mode<synchronous>, transform_indices = @transform_12, window_bounds = array<i64: 1, 16>}, {pipeline_mode = #tpu.pipeline_mode<synchronous>, transform_indices = @transform_13, window_bounds = array<i64: 32, 16>}, {pipeline_mode = #tpu.pipeline_mode<synchronous>, transform_indices = @transform_14, window_bounds = array<i64: 1, 16>}, {transform_indices = @transform_15, window_bounds = array<i64: 4000, 32>}]} {
    %get3A = arith.constant 0 : index
    %get3A_0 = arith.constant 0 : index
    %get3A_1 = vector.load %arg1[%get3A, %get3A_0] : memref<4000x32xf32, #tpu.memory_space<vmem>>, vector<4000x32xf32>
    %get3A_2 = arith.constant 0 : index
    %get3A_3 = arith.constant 0 : index
    %get3A_4 = vector.load %arg10[%get3A_2, %get3A_3] : memref<32x16xf32, #tpu.memory_space<vmem>>, vector<32x16xf32>
    %dot_general3A = arith.constant dense<0.000000e+00> : vector<4000x16xf32>
    %dot_general3A_5 = tpu.matmul %get3A_1, %get3A_4, %dot_general3A {dimension_numbers = #tpu.dot_dimension_numbers<[1], [0], [0], [1], [0, 0, 1, 1], [], []>, transpose_lhs_hint = false} : vector<4000x32xf32>, vector<32x16xf32>, vector<4000x16xf32> -> vector<4000x16xf32>
    %get3A_6 = arith.constant 0 : index
    %get3A_7 = arith.constant 0 : index
    %get3A_8 = vector.load %arg11[%get3A_6, %get3A_7] : memref<1x16xf32, #tpu.memory_space<vmem>>, vector<1x16xf32>
    %add3A = vector.broadcast %get3A_8 : vector<1x16xf32> to vector<4000x16xf32>
    %add3A_9 = arith.addf %dot_general3A_5, %add3A : vector<4000x16xf32>
    %max3A = arith.constant 0.000000e+00 : f32
    %max3A_10 = vector.broadcast %max3A : f32 to vector<4000x16xf32>
    %max3A_11 = arith.maximumf %add3A_9, %max3A_10 : vector<4000x16xf32>
    %get3A_12 = arith.constant 0 : index
    %get3A_13 = arith.constant 0 : index
    %get3A_14 = vector.load %arg12[%get3A_12, %get3A_13] : memref<16x16xf32, #tpu.memory_space<vmem>>, vector<16x16xf32>
    %dot_general3A_15 = arith.constant dense<0.000000e+00> : vector<4000x16xf32>
    %dot_general3A_16 = tpu.matmul %max3A_11, %get3A_14, %dot_general3A_15 {dimension_numbers = #tpu.dot_dimension_numbers<[1], [0], [0], [1], [0, 0, 1, 1], [], []>, transpose_lhs_hint = false} : vector<4000x16xf32>, vector<16x16xf32>, vector<4000x16xf32> -> vector<4000x16xf32>
    %get3A_17 = arith.constant 0 : index
    %get3A_18 = arith.constant 0 : index
    %get3A_19 = vector.load %arg13[%get3A_17, %get3A_18] : memref<1x16xf32, #tpu.memory_space<vmem>>, vector<1x16xf32>
    %add3A_20 = vector.broadcast %get3A_19 : vector<1x16xf32> to vector<4000x16xf32>
    %add3A_21 = arith.addf %dot_general3A_16, %add3A_20 : vector<4000x16xf32>
    %max3A_22 = arith.constant 0.000000e+00 : f32
    %max3A_23 = vector.broadcast %max3A_22 : f32 to vector<4000x16xf32>
    %max3A_24 = arith.maximumf %add3A_21, %max3A_23 : vector<4000x16xf32>
    %get3A_25 = arith.constant 0 : index
    %get3A_26 = arith.constant 0 : index
    %get3A_27 = vector.load %arg14[%get3A_25, %get3A_26] : memref<32x16xf32, #tpu.memory_space<vmem>>, vector<32x16xf32>
    %dot_general3A_28 = arith.constant dense<0.000000e+00> : vector<4000x16xf32>
    %dot_general3A_29 = tpu.matmul %get3A_1, %get3A_27, %dot_general3A_28 {dimension_numbers = #tpu.dot_dimension_numbers<[1], [0], [0], [1], [0, 0, 1, 1], [], []>, transpose_lhs_hint = false} : vector<4000x32xf32>, vector<32x16xf32>, vector<4000x16xf32> -> vector<4000x16xf32>
    %get3A_30 = arith.constant 0 : index
    %get3A_31 = arith.constant 0 : index
    %get3A_32 = vector.load %arg15[%get3A_30, %get3A_31] : memref<1x16xf32, #tpu.memory_space<vmem>>, vector<1x16xf32>
    %add3A_33 = vector.broadcast %get3A_32 : vector<1x16xf32> to vector<4000x16xf32>
    %add3A_34 = arith.addf %dot_general3A_29, %add3A_33 : vector<4000x16xf32>
    %max3A_35 = arith.constant 0.000000e+00 : f32
    %max3A_36 = vector.broadcast %max3A_35 : f32 to vector<4000x16xf32>
    %max3A_37 = arith.maximumf %add3A_34, %max3A_36 : vector<4000x16xf32>
    %add3A_38 = arith.addf %max3A_24, %max3A_37 : vector<4000x16xf32>
    %get3A_39 = arith.constant 0 : index
    %get3A_40 = arith.constant 0 : index
    %get3A_41 = vector.load %arg3[%get3A_39, %get3A_40] : memref<8x32xf32, #tpu.memory_space<vmem>>, vector<8x32xf32>
    %get3A_42 = arith.constant 0 : index
    %get3A_43 = arith.constant 0 : index
    %get3A_44 = vector.load %arg4[%get3A_42, %get3A_43] : memref<32x16xf32, #tpu.memory_space<vmem>>, vector<32x16xf32>
    %dot_general3A_45 = arith.constant dense<0.000000e+00> : vector<8x16xf32>
    %dot_general3A_46 = tpu.matmul %get3A_41, %get3A_44, %dot_general3A_45 {dimension_numbers = #tpu.dot_dimension_numbers<[1], [0], [0], [1], [0, 0, 1, 1], [], []>, transpose_lhs_hint = false} : vector<8x32xf32>, vector<32x16xf32>, vector<8x16xf32> -> vector<8x16xf32>
    %get3A_47 = arith.constant 0 : index
    %get3A_48 = arith.constant 0 : index
    %get3A_49 = vector.load %arg5[%get3A_47, %get3A_48] : memref<1x16xf32, #tpu.memory_space<vmem>>, vector<1x16xf32>
    %add3A_50 = vector.broadcast %get3A_49 : vector<1x16xf32> to vector<8x16xf32>
    %add3A_51 = arith.addf %dot_general3A_46, %add3A_50 : vector<8x16xf32>
    %max3A_52 = arith.constant 0.000000e+00 : f32
    %max3A_53 = vector.broadcast %max3A_52 : f32 to vector<8x16xf32>
    %max3A_54 = arith.maximumf %add3A_51, %max3A_53 : vector<8x16xf32>
    %get3A_55 = arith.constant 0 : index
    %get3A_56 = arith.constant 0 : index
    %get3A_57 = vector.load %arg6[%get3A_55, %get3A_56] : memref<16x16xf32, #tpu.memory_space<vmem>>, vector<16x16xf32>
    %dot_general3A_58 = arith.constant dense<0.000000e+00> : vector<8x16xf32>
    %dot_general3A_59 = tpu.matmul %max3A_54, %get3A_57, %dot_general3A_58 {dimension_numbers = #tpu.dot_dimension_numbers<[1], [0], [0], [1], [0, 0, 1, 1], [], []>, transpose_lhs_hint = false} : vector<8x16xf32>, vector<16x16xf32>, vector<8x16xf32> -> vector<8x16xf32>
    %get3A_60 = arith.constant 0 : index
    %get3A_61 = arith.constant 0 : index
    %get3A_62 = vector.load %arg7[%get3A_60, %get3A_61] : memref<1x16xf32, #tpu.memory_space<vmem>>, vector<1x16xf32>
    %add3A_63 = vector.broadcast %get3A_62 : vector<1x16xf32> to vector<8x16xf32>
    %add3A_64 = arith.addf %dot_general3A_59, %add3A_63 : vector<8x16xf32>
    %max3A_65 = arith.constant 0.000000e+00 : f32
    %max3A_66 = vector.broadcast %max3A_65 : f32 to vector<8x16xf32>
    %max3A_67 = arith.maximumf %add3A_64, %max3A_66 : vector<8x16xf32>
    %get3A_68 = arith.constant 0 : index
    %get3A_69 = arith.constant 0 : index
    %get3A_70 = vector.load %arg8[%get3A_68, %get3A_69] : memref<32x16xf32, #tpu.memory_space<vmem>>, vector<32x16xf32>
    %dot_general3A_71 = arith.constant dense<0.000000e+00> : vector<8x16xf32>
    %dot_general3A_72 = tpu.matmul %get3A_41, %get3A_70, %dot_general3A_71 {dimension_numbers = #tpu.dot_dimension_numbers<[1], [0], [0], [1], [0, 0, 1, 1], [], []>, transpose_lhs_hint = false} : vector<8x32xf32>, vector<32x16xf32>, vector<8x16xf32> -> vector<8x16xf32>
    %get3A_73 = arith.constant 0 : index
    %get3A_74 = arith.constant 0 : index
    %get3A_75 = vector.load %arg9[%get3A_73, %get3A_74] : memref<1x16xf32, #tpu.memory_space<vmem>>, vector<1x16xf32>
    %add3A_76 = vector.broadcast %get3A_75 : vector<1x16xf32> to vector<8x16xf32>
    %add3A_77 = arith.addf %dot_general3A_72, %add3A_76 : vector<8x16xf32>
    %max3A_78 = arith.constant 0.000000e+00 : f32
    %max3A_79 = vector.broadcast %max3A_78 : f32 to vector<8x16xf32>
    %max3A_80 = arith.maximumf %add3A_77, %max3A_79 : vector<8x16xf32>
    %add3A_81 = arith.addf %max3A_67, %max3A_80 : vector<8x16xf32>
    %mul3A = arith.mulf %add3A_38, %add3A_38 : vector<4000x16xf32>
    %reduce_sum3A = arith.constant dense<0.000000e+00> : vector<4000xf32>
    %reduce_sum3A_82 = vector.multi_reduction <add>, %mul3A, %reduce_sum3A [1] : vector<4000x16xf32> to vector<4000xf32>
    %broadcast_in_dim3A = vector.shape_cast %reduce_sum3A_82 : vector<4000xf32> to vector<4000x1xf32>
    %broadcast_in_dim3A_83 = arith.constant 1.000000e+00 : f32
    %broadcast_in_dim3A_84 = vector.broadcast %broadcast_in_dim3A_83 : f32 to vector<1x16xf32>
    %mul3A_85 = arith.mulf %add3A_81, %add3A_81 : vector<8x16xf32>
    %dot_general3A_86 = arith.constant dense<0.000000e+00> : vector<1x8xf32>
    %dot_general3A_87 = tpu.matmul %broadcast_in_dim3A_84, %mul3A_85, %dot_general3A_86 {dimension_numbers = #tpu.dot_dimension_numbers<[1], [1], [0], [0], [0, 0, 1, 0], [], []>, transpose_lhs_hint = false} : vector<1x16xf32>, vector<8x16xf32>, vector<1x8xf32> -> vector<1x8xf32>
    %dot_general3A_88 = arith.constant dense<0.000000e+00> : vector<4000x8xf32>
    %dot_general3A_89 = tpu.matmul %add3A_38, %add3A_81, %dot_general3A_88 {dimension_numbers = #tpu.dot_dimension_numbers<[1], [1], [0], [0], [0, 0, 1, 0], [], []>, transpose_lhs_hint = false} : vector<4000x16xf32>, vector<8x16xf32>, vector<4000x8xf32> -> vector<4000x8xf32>
    %add3A_90 = vector.broadcast %broadcast_in_dim3A : vector<4000x1xf32> to vector<4000x8xf32>
    %add3A_91 = vector.broadcast %dot_general3A_87 : vector<1x8xf32> to vector<4000x8xf32>
    %add3A_92 = arith.addf %add3A_90, %add3A_91 : vector<4000x8xf32>
    %mul3A_93 = arith.constant 2.000000e+00 : f32
    %mul3A_94 = vector.broadcast %mul3A_93 : f32 to vector<4000x8xf32>
    %mul3A_95 = arith.mulf %mul3A_94, %dot_general3A_89 : vector<4000x8xf32>
    %sub3A = arith.subf %add3A_92, %mul3A_95 : vector<4000x8xf32>
    %max3A_96 = arith.constant 1.000000e-30 : f32
    %max3A_97 = vector.broadcast %max3A_96 : f32 to vector<4000x8xf32>
    %max3A_98 = arith.maximumf %sub3A, %max3A_97 : vector<4000x8xf32>
    %sqrt3A = math.sqrt %max3A_98 : vector<4000x8xf32>
    %reduce_max3A = arith.constant dense<0xFF800000> : vector<4000xf32>
    %reduce_max3A_99 = vector.multi_reduction <maximumf>, %sqrt3A, %reduce_max3A [1] : vector<4000x8xf32> to vector<4000xf32>
    %broadcast_in_dim3A_100 = vector.shape_cast %reduce_max3A_99 : vector<4000xf32> to vector<4000x1xf32>
    %sub3A_101 = vector.broadcast %broadcast_in_dim3A_100 : vector<4000x1xf32> to vector<4000x8xf32>
    %sub3A_102 = arith.subf %sqrt3A, %sub3A_101 : vector<4000x8xf32>
    %exp3A = math.exp %sub3A_102 : vector<4000x8xf32>
    %reduce_sum3A_103 = arith.constant dense<0.000000e+00> : vector<4000xf32>
    %reduce_sum3A_104 = vector.multi_reduction <add>, %exp3A, %reduce_sum3A_103 [1] : vector<4000x8xf32> to vector<4000xf32>
    %broadcast_in_dim3A_105 = vector.shape_cast %reduce_sum3A_104 : vector<4000xf32> to vector<4000x1xf32>
    %div3A = vector.broadcast %broadcast_in_dim3A_105 : vector<4000x1xf32> to vector<4000x8xf32>
    %div3A_106 = arith.divf %exp3A, %div3A : vector<4000x8xf32>
    %get3A_107 = arith.constant 0 : index
    %get3A_108 = arith.constant 0 : index
    %get3A_109 = vector.load %arg2[%get3A_107, %get3A_108] : memref<4000x12xf32, #tpu.memory_space<vmem>>, vector<4000x12xf32>
    %broadcast_in_dim3A_110 = arith.constant 0.000000e+00 : f32
    %broadcast_in_dim3A_111 = vector.broadcast %broadcast_in_dim3A_110 : f32 to vector<4000x12xf32>
    %concatenate3A = tpu.concatenate %get3A_109, %div3A_106, %broadcast_in_dim3A_111 in 1 : vector<4000x12xf32>, vector<4000x8xf32>, vector<4000x12xf32> -> vector<4000x32xf32>
    %swap3A = arith.constant 0 : index
    %swap3A_112 = arith.constant 0 : index
    %swap3A_113 = vector.load %arg16[%swap3A, %swap3A_112] : memref<4000x32xf32, #tpu.memory_space<vmem>>, vector<4000x32xf32>
    tpu.vector_store %arg16[%swap3A, %swap3A_112], %concatenate3A {strides = array<i32>} : memref<4000x32xf32, #tpu.memory_space<vmem>>, vector<4000x32xf32>,
    return
  }
  func.func @transform_0(%arg0: i32) -> (i32, i32) {
    %c0_i32 = arith.constant 0 : i32
    %c0_i32_0 = arith.constant 0 : i32
    return %arg0, %c0_i32 : i32, i32
  }
  func.func @transform_1(%arg0: i32) -> (i32, i32) {
    %c0_i32 = arith.constant 0 : i32
    %c0_i32_0 = arith.constant 0 : i32
    return %arg0, %c0_i32 : i32, i32
  }
  func.func @transform_2(%arg0: i32) -> (i32, i32) {
    %c0_i32 = arith.constant 0 : i32
    %c0_i32_0 = arith.constant 0 : i32
    %c0_i32_1 = arith.constant 0 : i32
    return %c0_i32, %c0_i32_0 : i32, i32
  }
  func.func @transform_3(%arg0: i32) -> (i32, i32) {
    %c0_i32 = arith.constant 0 : i32
    %c0_i32_0 = arith.constant 0 : i32
    %c0_i32_1 = arith.constant 0 : i32
    return %c0_i32, %c0_i32_0 : i32, i32
  }
  func.func @transform_4(%arg0: i32) -> (i32, i32) {
    %c0_i32 = arith.constant 0 : i32
    %c0_i32_0 = arith.constant 0 : i32
    %c0_i32_1 = arith.constant 0 : i32
    return %c0_i32, %c0_i32_0 : i32, i32
  }
  func.func @transform_5(%arg0: i32) -> (i32, i32) {
    %c0_i32 = arith.constant 0 : i32
    %c0_i32_0 = arith.constant 0 : i32
    %c0_i32_1 = arith.constant 0 : i32
    return %c0_i32, %c0_i32_0 : i32, i32
  }
  func.func @transform_6(%arg0: i32) -> (i32, i32) {
    %c0_i32 = arith.constant 0 : i32
    %c0_i32_0 = arith.constant 0 : i32
    %c0_i32_1 = arith.constant 0 : i32
    return %c0_i32, %c0_i32_0 : i32, i32
  }
  func.func @transform_7(%arg0: i32) -> (i32, i32) {
    %c0_i32 = arith.constant 0 : i32
    %c0_i32_0 = arith.constant 0 : i32
    %c0_i32_1 = arith.constant 0 : i32
    return %c0_i32, %c0_i32_0 : i32, i32
  }
  func.func @transform_8(%arg0: i32) -> (i32, i32) {
    %c0_i32 = arith.constant 0 : i32
    %c0_i32_0 = arith.constant 0 : i32
    %c0_i32_1 = arith.constant 0 : i32
    return %c0_i32, %c0_i32_0 : i32, i32
  }
  func.func @transform_9(%arg0: i32) -> (i32, i32) {
    %c0_i32 = arith.constant 0 : i32
    %c0_i32_0 = arith.constant 0 : i32
    %c0_i32_1 = arith.constant 0 : i32
    return %c0_i32, %c0_i32_0 : i32, i32
  }
  func.func @transform_10(%arg0: i32) -> (i32, i32) {
    %c0_i32 = arith.constant 0 : i32
    %c0_i32_0 = arith.constant 0 : i32
    %c0_i32_1 = arith.constant 0 : i32
    return %c0_i32, %c0_i32_0 : i32, i32
  }
  func.func @transform_11(%arg0: i32) -> (i32, i32) {
    %c0_i32 = arith.constant 0 : i32
    %c0_i32_0 = arith.constant 0 : i32
    %c0_i32_1 = arith.constant 0 : i32
    return %c0_i32, %c0_i32_0 : i32, i32
  }
  func.func @transform_12(%arg0: i32) -> (i32, i32) {
    %c0_i32 = arith.constant 0 : i32
    %c0_i32_0 = arith.constant 0 : i32
    %c0_i32_1 = arith.constant 0 : i32
    return %c0_i32, %c0_i32_0 : i32, i32
  }
  func.func @transform_13(%arg0: i32) -> (i32, i32) {
    %c0_i32 = arith.constant 0 : i32
    %c0_i32_0 = arith.constant 0 : i32
    %c0_i32_1 = arith.constant 0 : i32
    return %c0_i32, %c0_i32_0 : i32, i32
  }
  func.func @transform_14(%arg0: i32) -> (i32, i32) {
    %c0_i32 = arith.constant 0 : i32
    %c0_i32_0 = arith.constant 0 : i32
    %c0_i32_1 = arith.constant 0 : i32
    return %c0_i32, %c0_i32_0 : i32, i32
  }
  func.func @transform_15(%arg0: i32) -> (i32, i32) {
    %c0_i32 = arith.constant 0 : i32
    %c0_i32_0 = arith.constant 0 : i32
    return %arg0, %c0_i32 : i32, i32
  }
}

module attributes {stable_mosaic.version = 14 : i64} {
  func.func @_s3_body(%arg0: i32, %arg1: memref<1000x128xf32, #tpu.memory_space<vmem>>, %arg2: memref<1000x128xf32, #tpu.memory_space<vmem>>, %arg3: memref<1000x128xf32, #tpu.memory_space<vmem>>, %arg4: memref<1000x128xf32, #tpu.memory_space<vmem>>, %arg5: memref<12x256xf32, #tpu.memory_space<vmem>>, %arg6: memref<1x256xf32, #tpu.memory_space<vmem>>, %arg7: memref<1000x256xf32, #tpu.memory_space<vmem>>, %arg8: memref<1x256xf32, #tpu.memory_space<vmem>>) attributes {dimension_semantics = [#tpu.dimension_semantics<arbitrary>], iteration_bounds = array<i64: 40>, scalar_prefetch = 0 : i64, scratch_operands = 0 : i64, tpu.core_type = #tpu.core_type<tc>, window_params = [{transform_indices = @transform_0, window_bounds = array<i64: 1000, 128>}, {transform_indices = @transform_1, window_bounds = array<i64: 1000, 128>}, {transform_indices = @transform_2, window_bounds = array<i64: 1000, 128>}, {transform_indices = @transform_3, window_bounds = array<i64: 1000, 128>}, {pipeline_mode = #tpu.pipeline_mode<synchronous>, transform_indices = @transform_4, window_bounds = array<i64: 12, 256>}, {pipeline_mode = #tpu.pipeline_mode<synchronous>, transform_indices = @transform_5, window_bounds = array<i64: 1, 256>}, {transform_indices = @transform_6, window_bounds = array<i64: 1000, 256>}, {pipeline_mode = #tpu.pipeline_mode<synchronous>, transform_indices = @transform_7, window_bounds = array<i64: 1, 256>}]} {
    %iota3A = tpu.iota {dimensions = array<i32: 0>} : vector<8x256xi32>
    %iota3A_0 = tpu.iota {dimensions = array<i32: 1>} : vector<8x256xi32>
    %jit3A = arith.constant 32 : i32
    %div3A = vector.broadcast %jit3A : i32 to vector<8x256xi32>
    %div3A_1 = arith.divsi %iota3A_0, %div3A : vector<8x256xi32>
    %sign3A = arith.constant 0 : i32
    %sign3A_2 = vector.broadcast %sign3A : i32 to vector<8x256xi32>
    %sign3A_3 = arith.cmpi sgt, %iota3A_0, %sign3A_2 : vector<8x256xi32>
    %sign3A_4 = arith.extui %sign3A_3 : vector<8x256xi1> to vector<8x256xi32>
    %sign3A_5 = arith.constant 0 : i32
    %sign3A_6 = vector.broadcast %sign3A_5 : i32 to vector<8x256xi32>
    %sign3A_7 = arith.cmpi slt, %iota3A_0, %sign3A_6 : vector<8x256xi32>
    %sign3A_8 = arith.extui %sign3A_7 : vector<8x256xi1> to vector<8x256xi32>
    %sign3A_9 = arith.subi %sign3A_4, %sign3A_8 : vector<8x256xi32>
    %sign3A_10 = arith.constant 0 : i32
    %sign3A_11 = arith.cmpi sgt, %jit3A, %sign3A_10 : i32
    %sign3A_12 = arith.extui %sign3A_11 : i1 to i32
    %sign3A_13 = arith.constant 0 : i32
    %sign3A_14 = arith.cmpi slt, %jit3A, %sign3A_13 : i32
    %sign3A_15 = arith.extui %sign3A_14 : i1 to i32
    %sign3A_16 = arith.subi %sign3A_12, %sign3A_15 : i32
    %ne3A = vector.broadcast %sign3A_16 : i32 to vector<8x256xi32>
    %ne3A_17 = arith.cmpi ne, %sign3A_9, %ne3A : vector<8x256xi32>
    %rem3A = vector.broadcast %jit3A : i32 to vector<8x256xi32>
    %rem3A_18 = arith.remsi %iota3A_0, %rem3A : vector<8x256xi32>
    %ne3A_19 = arith.constant 0 : i32
    %ne3A_20 = vector.broadcast %ne3A_19 : i32 to vector<8x256xi32>
    %ne3A_21 = arith.cmpi ne, %rem3A_18, %ne3A_20 : vector<8x256xi32>
    %and3A = arith.andi %ne3A_17, %ne3A_21 : vector<8x256xi1>
    %sub3A = arith.constant 1 : i32
    %sub3A_22 = vector.broadcast %sub3A : i32 to vector<8x256xi32>
    %sub3A_23 = arith.subi %div3A_1, %sub3A_22 : vector<8x256xi32>
    %select_n3A = arith.select %and3A, %sub3A_23, %div3A_1 : vector<8x256xi1>, vector<8x256xi32>
    %eq3A = arith.cmpi eq, %select_n3A, %iota3A : vector<8x256xi32>
    %convert_element_type3A = arith.extui %eq3A : vector<8x256xi1> to vector<8x256xi32>
    %convert_element_type3A_24 = arith.sitofp %convert_element_type3A : vector<8x256xi32> to vector<8x256xf32>
    %get3A = arith.constant 0 : index
    %get3A_25 = arith.constant 0 : index
    %get3A_26 = vector.load %arg1[%get3A, %get3A_25] : memref<1000x128xf32, #tpu.memory_space<vmem>>, vector<1000x128xf32>
    %slice3A = vector.extract_strided_slice %get3A_26 {offsets = [0, 0], sizes = [1000, 12], strides = [1, 1]} : vector<1000x128xf32> to vector<1000x12xf32>
    %slice3A_27 = vector.extract_strided_slice %get3A_26 {offsets = [0, 12], sizes = [1000, 8], strides = [1, 1]} : vector<1000x128xf32> to vector<1000x8xf32>
    %get3A_28 = arith.constant 0 : index
    %get3A_29 = arith.constant 0 : index
    %get3A_30 = vector.load %arg5[%get3A_28, %get3A_29] : memref<12x256xf32, #tpu.memory_space<vmem>>, vector<12x256xf32>
    %dot_general3A = arith.constant dense<0.000000e+00> : vector<1000x256xf32>
    %dot_general3A_31 = tpu.matmul %slice3A, %get3A_30, %dot_general3A {dimension_numbers = #tpu.dot_dimension_numbers<[1], [0], [0], [1], [0, 0, 1, 1], [], []>, transpose_lhs_hint = false} : vector<1000x12xf32>, vector<12x256xf32>, vector<1000x256xf32> -> vector<1000x256xf32>
    %get3A_32 = arith.constant 0 : index
    %get3A_33 = arith.constant 0 : index
    %get3A_34 = vector.load %arg6[%get3A_32, %get3A_33] : memref<1x256xf32, #tpu.memory_space<vmem>>, vector<1x256xf32>
    %add3A = vector.broadcast %get3A_34 : vector<1x256xf32> to vector<1000x256xf32>
    %add3A_35 = arith.addf %dot_general3A_31, %add3A : vector<1000x256xf32>
    %max3A = arith.constant 0.000000e+00 : f32
    %max3A_36 = vector.broadcast %max3A : f32 to vector<1000x256xf32>
    %max3A_37 = arith.maximumf %add3A_35, %max3A_36 : vector<1000x256xf32>
    %dot_general3A_38 = arith.constant dense<0.000000e+00> : vector<1000x256xf32>
    %dot_general3A_39 = tpu.matmul %slice3A_27, %convert_element_type3A_24, %dot_general3A_38 {dimension_numbers = #tpu.dot_dimension_numbers<[1], [0], [0], [1], [0, 0, 1, 1], [], []>, transpose_lhs_hint = false} : vector<1000x8xf32>, vector<8x256xf32>, vector<1000x256xf32> -> vector<1000x256xf32>
    %mul3A = arith.mulf %max3A_37, %dot_general3A_39 : vector<1000x256xf32>
    %slice3A_40 = vector.extract_strided_slice %get3A_26 {offsets = [0, 32], sizes = [1000, 12], strides = [1, 1]} : vector<1000x128xf32> to vector<1000x12xf32>
    %slice3A_41 = vector.extract_strided_slice %get3A_26 {offsets = [0, 44], sizes = [1000, 8], strides = [1, 1]} : vector<1000x128xf32> to vector<1000x8xf32>
    %get3A_42 = arith.constant 0 : index
    %get3A_43 = arith.constant 0 : index
    %get3A_44 = vector.load %arg5[%get3A_42, %get3A_43] : memref<12x256xf32, #tpu.memory_space<vmem>>, vector<12x256xf32>
    %dot_general3A_45 = arith.constant dense<0.000000e+00> : vector<1000x256xf32>
    %dot_general3A_46 = tpu.matmul %slice3A_40, %get3A_44, %dot_general3A_45 {dimension_numbers = #tpu.dot_dimension_numbers<[1], [0], [0], [1], [0, 0, 1, 1], [], []>, transpose_lhs_hint = false} : vector<1000x12xf32>, vector<12x256xf32>, vector<1000x256xf32> -> vector<1000x256xf32>
    %get3A_47 = arith.constant 0 : index
    %get3A_48 = arith.constant 0 : index
    %get3A_49 = vector.load %arg6[%get3A_47, %get3A_48] : memref<1x256xf32, #tpu.memory_space<vmem>>, vector<1x256xf32>
    %add3A_50 = vector.broadcast %get3A_49 : vector<1x256xf32> to vector<1000x256xf32>
    %add3A_51 = arith.addf %dot_general3A_46, %add3A_50 : vector<1000x256xf32>
    %max3A_52 = arith.constant 0.000000e+00 : f32
    %max3A_53 = vector.broadcast %max3A_52 : f32 to vector<1000x256xf32>
    %max3A_54 = arith.maximumf %add3A_51, %max3A_53 : vector<1000x256xf32>
    %dot_general3A_55 = arith.constant dense<0.000000e+00> : vector<1000x256xf32>
    %dot_general3A_56 = tpu.matmul %slice3A_41, %convert_element_type3A_24, %dot_general3A_55 {dimension_numbers = #tpu.dot_dimension_numbers<[1], [0], [0], [1], [0, 0, 1, 1], [], []>, transpose_lhs_hint = false} : vector<1000x8xf32>, vector<8x256xf32>, vector<1000x256xf32> -> vector<1000x256xf32>
    %mul3A_57 = arith.mulf %max3A_54, %dot_general3A_56 : vector<1000x256xf32>
    %add3A_58 = arith.addf %mul3A, %mul3A_57 : vector<1000x256xf32>
    %add3A_59 = arith.addf %slice3A_27, %slice3A_41 : vector<1000x8xf32>
    %slice3A_60 = vector.extract_strided_slice %get3A_26 {offsets = [0, 64], sizes = [1000, 12], strides = [1, 1]} : vector<1000x128xf32> to vector<1000x12xf32>
    %slice3A_61 = vector.extract_strided_slice %get3A_26 {offsets = [0, 76], sizes = [1000, 8], strides = [1, 1]} : vector<1000x128xf32> to vector<1000x8xf32>
    %get3A_62 = arith.constant 0 : index
    %get3A_63 = arith.constant 0 : index
    %get3A_64 = vector.load %arg5[%get3A_62, %get3A_63] : memref<12x256xf32, #tpu.memory_space<vmem>>, vector<12x256xf32>
    %dot_general3A_65 = arith.constant dense<0.000000e+00> : vector<1000x256xf32>
    %dot_general3A_66 = tpu.matmul %slice3A_60, %get3A_64, %dot_general3A_65 {dimension_numbers = #tpu.dot_dimension_numbers<[1], [0], [0], [1], [0, 0, 1, 1], [], []>, transpose_lhs_hint = false} : vector<1000x12xf32>, vector<12x256xf32>, vector<1000x256xf32> -> vector<1000x256xf32>
    %get3A_67 = arith.constant 0 : index
    %get3A_68 = arith.constant 0 : index
    %get3A_69 = vector.load %arg6[%get3A_67, %get3A_68] : memref<1x256xf32, #tpu.memory_space<vmem>>, vector<1x256xf32>
    %add3A_70 = vector.broadcast %get3A_69 : vector<1x256xf32> to vector<1000x256xf32>
    %add3A_71 = arith.addf %dot_general3A_66, %add3A_70 : vector<1000x256xf32>
    %max3A_72 = arith.constant 0.000000e+00 : f32
    %max3A_73 = vector.broadcast %max3A_72 : f32 to vector<1000x256xf32>
    %max3A_74 = arith.maximumf %add3A_71, %max3A_73 : vector<1000x256xf32>
    %dot_general3A_75 = arith.constant dense<0.000000e+00> : vector<1000x256xf32>
    %dot_general3A_76 = tpu.matmul %slice3A_61, %convert_element_type3A_24, %dot_general3A_75 {dimension_numbers = #tpu.dot_dimension_numbers<[1], [0], [0], [1], [0, 0, 1, 1], [], []>, transpose_lhs_hint = false} : vector<1000x8xf32>, vector<8x256xf32>, vector<1000x256xf32> -> vector<1000x256xf32>
    %mul3A_77 = arith.mulf %max3A_74, %dot_general3A_76 : vector<1000x256xf32>
    %add3A_78 = arith.addf %add3A_58, %mul3A_77 : vector<1000x256xf32>
    %add3A_79 = arith.addf %add3A_59, %slice3A_61 : vector<1000x8xf32>
    %slice3A_80 = vector.extract_strided_slice %get3A_26 {offsets = [0, 96], sizes = [1000, 12], strides = [1, 1]} : vector<1000x128xf32> to vector<1000x12xf32>
    %slice3A_81 = vector.extract_strided_slice %get3A_26 {offsets = [0, 108], sizes = [1000, 8], strides = [1, 1]} : vector<1000x128xf32> to vector<1000x8xf32>
    %get3A_82 = arith.constant 0 : index
    %get3A_83 = arith.constant 0 : index
    %get3A_84 = vector.load %arg5[%get3A_82, %get3A_83] : memref<12x256xf32, #tpu.memory_space<vmem>>, vector<12x256xf32>
    %dot_general3A_85 = arith.constant dense<0.000000e+00> : vector<1000x256xf32>
    %dot_general3A_86 = tpu.matmul %slice3A_80, %get3A_84, %dot_general3A_85 {dimension_numbers = #tpu.dot_dimension_numbers<[1], [0], [0], [1], [0, 0, 1, 1], [], []>, transpose_lhs_hint = false} : vector<1000x12xf32>, vector<12x256xf32>, vector<1000x256xf32> -> vector<1000x256xf32>
    %get3A_87 = arith.constant 0 : index
    %get3A_88 = arith.constant 0 : index
    %get3A_89 = vector.load %arg6[%get3A_87, %get3A_88] : memref<1x256xf32, #tpu.memory_space<vmem>>, vector<1x256xf32>
    %add3A_90 = vector.broadcast %get3A_89 : vector<1x256xf32> to vector<1000x256xf32>
    %add3A_91 = arith.addf %dot_general3A_86, %add3A_90 : vector<1000x256xf32>
    %max3A_92 = arith.constant 0.000000e+00 : f32
    %max3A_93 = vector.broadcast %max3A_92 : f32 to vector<1000x256xf32>
    %max3A_94 = arith.maximumf %add3A_91, %max3A_93 : vector<1000x256xf32>
    %dot_general3A_95 = arith.constant dense<0.000000e+00> : vector<1000x256xf32>
    %dot_general3A_96 = tpu.matmul %slice3A_81, %convert_element_type3A_24, %dot_general3A_95 {dimension_numbers = #tpu.dot_dimension_numbers<[1], [0], [0], [1], [0, 0, 1, 1], [], []>, transpose_lhs_hint = false} : vector<1000x8xf32>, vector<8x256xf32>, vector<1000x256xf32> -> vector<1000x256xf32>
    %mul3A_97 = arith.mulf %max3A_94, %dot_general3A_96 : vector<1000x256xf32>
    %add3A_98 = arith.addf %add3A_78, %mul3A_97 : vector<1000x256xf32>
    %add3A_99 = arith.addf %add3A_79, %slice3A_81 : vector<1000x8xf32>
    %get3A_100 = arith.constant 0 : index
    %get3A_101 = arith.constant 0 : index
    %get3A_102 = vector.load %arg2[%get3A_100, %get3A_101] : memref<1000x128xf32, #tpu.memory_space<vmem>>, vector<1000x128xf32>
    %slice3A_103 = vector.extract_strided_slice %get3A_102 {offsets = [0, 0], sizes = [1000, 12], strides = [1, 1]} : vector<1000x128xf32> to vector<1000x12xf32>
    %slice3A_104 = vector.extract_strided_slice %get3A_102 {offsets = [0, 12], sizes = [1000, 8], strides = [1, 1]} : vector<1000x128xf32> to vector<1000x8xf32>
    %get3A_105 = arith.constant 0 : index
    %get3A_106 = arith.constant 0 : index
    %get3A_107 = vector.load %arg5[%get3A_105, %get3A_106] : memref<12x256xf32, #tpu.memory_space<vmem>>, vector<12x256xf32>
    %dot_general3A_108 = arith.constant dense<0.000000e+00> : vector<1000x256xf32>
    %dot_general3A_109 = tpu.matmul %slice3A_103, %get3A_107, %dot_general3A_108 {dimension_numbers = #tpu.dot_dimension_numbers<[1], [0], [0], [1], [0, 0, 1, 1], [], []>, transpose_lhs_hint = false} : vector<1000x12xf32>, vector<12x256xf32>, vector<1000x256xf32> -> vector<1000x256xf32>
    %get3A_110 = arith.constant 0 : index
    %get3A_111 = arith.constant 0 : index
    %get3A_112 = vector.load %arg6[%get3A_110, %get3A_111] : memref<1x256xf32, #tpu.memory_space<vmem>>, vector<1x256xf32>
    %add3A_113 = vector.broadcast %get3A_112 : vector<1x256xf32> to vector<1000x256xf32>
    %add3A_114 = arith.addf %dot_general3A_109, %add3A_113 : vector<1000x256xf32>
    %max3A_115 = arith.constant 0.000000e+00 : f32
    %max3A_116 = vector.broadcast %max3A_115 : f32 to vector<1000x256xf32>
    %max3A_117 = arith.maximumf %add3A_114, %max3A_116 : vector<1000x256xf32>
    %dot_general3A_118 = arith.constant dense<0.000000e+00> : vector<1000x256xf32>
    %dot_general3A_119 = tpu.matmul %slice3A_104, %convert_element_type3A_24, %dot_general3A_118 {dimension_numbers = #tpu.dot_dimension_numbers<[1], [0], [0], [1], [0, 0, 1, 1], [], []>, transpose_lhs_hint = false} : vector<1000x8xf32>, vector<8x256xf32>, vector<1000x256xf32> -> vector<1000x256xf32>
    %mul3A_120 = arith.mulf %max3A_117, %dot_general3A_119 : vector<1000x256xf32>
    %add3A_121 = arith.addf %add3A_98, %mul3A_120 : vector<1000x256xf32>
    %add3A_122 = arith.addf %add3A_99, %slice3A_104 : vector<1000x8xf32>
    %slice3A_123 = vector.extract_strided_slice %get3A_102 {offsets = [0, 32], sizes = [1000, 12], strides = [1, 1]} : vector<1000x128xf32> to vector<1000x12xf32>
    %slice3A_124 = vector.extract_strided_slice %get3A_102 {offsets = [0, 44], sizes = [1000, 8], strides = [1, 1]} : vector<1000x128xf32> to vector<1000x8xf32>
    %get3A_125 = arith.constant 0 : index
    %get3A_126 = arith.constant 0 : index
    %get3A_127 = vector.load %arg5[%get3A_125, %get3A_126] : memref<12x256xf32, #tpu.memory_space<vmem>>, vector<12x256xf32>
    %dot_general3A_128 = arith.constant dense<0.000000e+00> : vector<1000x256xf32>
    %dot_general3A_129 = tpu.matmul %slice3A_123, %get3A_127, %dot_general3A_128 {dimension_numbers = #tpu.dot_dimension_numbers<[1], [0], [0], [1], [0, 0, 1, 1], [], []>, transpose_lhs_hint = false} : vector<1000x12xf32>, vector<12x256xf32>, vector<1000x256xf32> -> vector<1000x256xf32>
    %get3A_130 = arith.constant 0 : index
    %get3A_131 = arith.constant 0 : index
    %get3A_132 = vector.load %arg6[%get3A_130, %get3A_131] : memref<1x256xf32, #tpu.memory_space<vmem>>, vector<1x256xf32>
    %add3A_133 = vector.broadcast %get3A_132 : vector<1x256xf32> to vector<1000x256xf32>
    %add3A_134 = arith.addf %dot_general3A_129, %add3A_133 : vector<1000x256xf32>
    %max3A_135 = arith.constant 0.000000e+00 : f32
    %max3A_136 = vector.broadcast %max3A_135 : f32 to vector<1000x256xf32>
    %max3A_137 = arith.maximumf %add3A_134, %max3A_136 : vector<1000x256xf32>
    %dot_general3A_138 = arith.constant dense<0.000000e+00> : vector<1000x256xf32>
    %dot_general3A_139 = tpu.matmul %slice3A_124, %convert_element_type3A_24, %dot_general3A_138 {dimension_numbers = #tpu.dot_dimension_numbers<[1], [0], [0], [1], [0, 0, 1, 1], [], []>, transpose_lhs_hint = false} : vector<1000x8xf32>, vector<8x256xf32>, vector<1000x256xf32> -> vector<1000x256xf32>
    %mul3A_140 = arith.mulf %max3A_137, %dot_general3A_139 : vector<1000x256xf32>
    %add3A_141 = arith.addf %add3A_121, %mul3A_140 : vector<1000x256xf32>
    %add3A_142 = arith.addf %add3A_122, %slice3A_124 : vector<1000x8xf32>
    %slice3A_143 = vector.extract_strided_slice %get3A_102 {offsets = [0, 64], sizes = [1000, 12], strides = [1, 1]} : vector<1000x128xf32> to vector<1000x12xf32>
    %slice3A_144 = vector.extract_strided_slice %get3A_102 {offsets = [0, 76], sizes = [1000, 8], strides = [1, 1]} : vector<1000x128xf32> to vector<1000x8xf32>
    %get3A_145 = arith.constant 0 : index
    %get3A_146 = arith.constant 0 : index
    %get3A_147 = vector.load %arg5[%get3A_145, %get3A_146] : memref<12x256xf32, #tpu.memory_space<vmem>>, vector<12x256xf32>
    %dot_general3A_148 = arith.constant dense<0.000000e+00> : vector<1000x256xf32>
    %dot_general3A_149 = tpu.matmul %slice3A_143, %get3A_147, %dot_general3A_148 {dimension_numbers = #tpu.dot_dimension_numbers<[1], [0], [0], [1], [0, 0, 1, 1], [], []>, transpose_lhs_hint = false} : vector<1000x12xf32>, vector<12x256xf32>, vector<1000x256xf32> -> vector<1000x256xf32>
    %get3A_150 = arith.constant 0 : index
    %get3A_151 = arith.constant 0 : index
    %get3A_152 = vector.load %arg6[%get3A_150, %get3A_151] : memref<1x256xf32, #tpu.memory_space<vmem>>, vector<1x256xf32>
    %add3A_153 = vector.broadcast %get3A_152 : vector<1x256xf32> to vector<1000x256xf32>
    %add3A_154 = arith.addf %dot_general3A_149, %add3A_153 : vector<1000x256xf32>
    %max3A_155 = arith.constant 0.000000e+00 : f32
    %max3A_156 = vector.broadcast %max3A_155 : f32 to vector<1000x256xf32>
    %max3A_157 = arith.maximumf %add3A_154, %max3A_156 : vector<1000x256xf32>
    %dot_general3A_158 = arith.constant dense<0.000000e+00> : vector<1000x256xf32>
    %dot_general3A_159 = tpu.matmul %slice3A_144, %convert_element_type3A_24, %dot_general3A_158 {dimension_numbers = #tpu.dot_dimension_numbers<[1], [0], [0], [1], [0, 0, 1, 1], [], []>, transpose_lhs_hint = false} : vector<1000x8xf32>, vector<8x256xf32>, vector<1000x256xf32> -> vector<1000x256xf32>
    %mul3A_160 = arith.mulf %max3A_157, %dot_general3A_159 : vector<1000x256xf32>
    %add3A_161 = arith.addf %add3A_141, %mul3A_160 : vector<1000x256xf32>
    %add3A_162 = arith.addf %add3A_142, %slice3A_144 : vector<1000x8xf32>
    %slice3A_163 = vector.extract_strided_slice %get3A_102 {offsets = [0, 96], sizes = [1000, 12], strides = [1, 1]} : vector<1000x128xf32> to vector<1000x12xf32>
    %slice3A_164 = vector.extract_strided_slice %get3A_102 {offsets = [0, 108], sizes = [1000, 8], strides = [1, 1]} : vector<1000x128xf32> to vector<1000x8xf32>
    %get3A_165 = arith.constant 0 : index
    %get3A_166 = arith.constant 0 : index
    %get3A_167 = vector.load %arg5[%get3A_165, %get3A_166] : memref<12x256xf32, #tpu.memory_space<vmem>>, vector<12x256xf32>
    %dot_general3A_168 = arith.constant dense<0.000000e+00> : vector<1000x256xf32>
    %dot_general3A_169 = tpu.matmul %slice3A_163, %get3A_167, %dot_general3A_168 {dimension_numbers = #tpu.dot_dimension_numbers<[1], [0], [0], [1], [0, 0, 1, 1], [], []>, transpose_lhs_hint = false} : vector<1000x12xf32>, vector<12x256xf32>, vector<1000x256xf32> -> vector<1000x256xf32>
    %get3A_170 = arith.constant 0 : index
    %get3A_171 = arith.constant 0 : index
    %get3A_172 = vector.load %arg6[%get3A_170, %get3A_171] : memref<1x256xf32, #tpu.memory_space<vmem>>, vector<1x256xf32>
    %add3A_173 = vector.broadcast %get3A_172 : vector<1x256xf32> to vector<1000x256xf32>
    %add3A_174 = arith.addf %dot_general3A_169, %add3A_173 : vector<1000x256xf32>
    %max3A_175 = arith.constant 0.000000e+00 : f32
    %max3A_176 = vector.broadcast %max3A_175 : f32 to vector<1000x256xf32>
    %max3A_177 = arith.maximumf %add3A_174, %max3A_176 : vector<1000x256xf32>
    %dot_general3A_178 = arith.constant dense<0.000000e+00> : vector<1000x256xf32>
    %dot_general3A_179 = tpu.matmul %slice3A_164, %convert_element_type3A_24, %dot_general3A_178 {dimension_numbers = #tpu.dot_dimension_numbers<[1], [0], [0], [1], [0, 0, 1, 1], [], []>, transpose_lhs_hint = false} : vector<1000x8xf32>, vector<8x256xf32>, vector<1000x256xf32> -> vector<1000x256xf32>
    %mul3A_180 = arith.mulf %max3A_177, %dot_general3A_179 : vector<1000x256xf32>
    %add3A_181 = arith.addf %add3A_161, %mul3A_180 : vector<1000x256xf32>
    %add3A_182 = arith.addf %add3A_162, %slice3A_164 : vector<1000x8xf32>
    %get3A_183 = arith.constant 0 : index
    %get3A_184 = arith.constant 0 : index
    %get3A_185 = vector.load %arg3[%get3A_183, %get3A_184] : memref<1000x128xf32, #tpu.memory_space<vmem>>, vector<1000x128xf32>
    %slice3A_186 = vector.extract_strided_slice %get3A_185 {offsets = [0, 0], sizes = [1000, 12], strides = [1, 1]} : vector<1000x128xf32> to vector<1000x12xf32>
    %slice3A_187 = vector.extract_strided_slice %get3A_185 {offsets = [0, 12], sizes = [1000, 8], strides = [1, 1]} : vector<1000x128xf32> to vector<1000x8xf32>
    %get3A_188 = arith.constant 0 : index
    %get3A_189 = arith.constant 0 : index
    %get3A_190 = vector.load %arg5[%get3A_188, %get3A_189] : memref<12x256xf32, #tpu.memory_space<vmem>>, vector<12x256xf32>
    %dot_general3A_191 = arith.constant dense<0.000000e+00> : vector<1000x256xf32>
    %dot_general3A_192 = tpu.matmul %slice3A_186, %get3A_190, %dot_general3A_191 {dimension_numbers = #tpu.dot_dimension_numbers<[1], [0], [0], [1], [0, 0, 1, 1], [], []>, transpose_lhs_hint = false} : vector<1000x12xf32>, vector<12x256xf32>, vector<1000x256xf32> -> vector<1000x256xf32>
    %get3A_193 = arith.constant 0 : index
    %get3A_194 = arith.constant 0 : index
    %get3A_195 = vector.load %arg6[%get3A_193, %get3A_194] : memref<1x256xf32, #tpu.memory_space<vmem>>, vector<1x256xf32>
    %add3A_196 = vector.broadcast %get3A_195 : vector<1x256xf32> to vector<1000x256xf32>
    %add3A_197 = arith.addf %dot_general3A_192, %add3A_196 : vector<1000x256xf32>
    %max3A_198 = arith.constant 0.000000e+00 : f32
    %max3A_199 = vector.broadcast %max3A_198 : f32 to vector<1000x256xf32>
    %max3A_200 = arith.maximumf %add3A_197, %max3A_199 : vector<1000x256xf32>
    %dot_general3A_201 = arith.constant dense<0.000000e+00> : vector<1000x256xf32>
    %dot_general3A_202 = tpu.matmul %slice3A_187, %convert_element_type3A_24, %dot_general3A_201 {dimension_numbers = #tpu.dot_dimension_numbers<[1], [0], [0], [1], [0, 0, 1, 1], [], []>, transpose_lhs_hint = false} : vector<1000x8xf32>, vector<8x256xf32>, vector<1000x256xf32> -> vector<1000x256xf32>
    %mul3A_203 = arith.mulf %max3A_200, %dot_general3A_202 : vector<1000x256xf32>
    %add3A_204 = arith.addf %add3A_181, %mul3A_203 : vector<1000x256xf32>
    %add3A_205 = arith.addf %add3A_182, %slice3A_187 : vector<1000x8xf32>
    %slice3A_206 = vector.extract_strided_slice %get3A_185 {offsets = [0, 32], sizes = [1000, 12], strides = [1, 1]} : vector<1000x128xf32> to vector<1000x12xf32>
    %slice3A_207 = vector.extract_strided_slice %get3A_185 {offsets = [0, 44], sizes = [1000, 8], strides = [1, 1]} : vector<1000x128xf32> to vector<1000x8xf32>
    %get3A_208 = arith.constant 0 : index
    %get3A_209 = arith.constant 0 : index
    %get3A_210 = vector.load %arg5[%get3A_208, %get3A_209] : memref<12x256xf32, #tpu.memory_space<vmem>>, vector<12x256xf32>
    %dot_general3A_211 = arith.constant dense<0.000000e+00> : vector<1000x256xf32>
    %dot_general3A_212 = tpu.matmul %slice3A_206, %get3A_210, %dot_general3A_211 {dimension_numbers = #tpu.dot_dimension_numbers<[1], [0], [0], [1], [0, 0, 1, 1], [], []>, transpose_lhs_hint = false} : vector<1000x12xf32>, vector<12x256xf32>, vector<1000x256xf32> -> vector<1000x256xf32>
    %get3A_213 = arith.constant 0 : index
    %get3A_214 = arith.constant 0 : index
    %get3A_215 = vector.load %arg6[%get3A_213, %get3A_214] : memref<1x256xf32, #tpu.memory_space<vmem>>, vector<1x256xf32>
    %add3A_216 = vector.broadcast %get3A_215 : vector<1x256xf32> to vector<1000x256xf32>
    %add3A_217 = arith.addf %dot_general3A_212, %add3A_216 : vector<1000x256xf32>
    %max3A_218 = arith.constant 0.000000e+00 : f32
    %max3A_219 = vector.broadcast %max3A_218 : f32 to vector<1000x256xf32>
    %max3A_220 = arith.maximumf %add3A_217, %max3A_219 : vector<1000x256xf32>
    %dot_general3A_221 = arith.constant dense<0.000000e+00> : vector<1000x256xf32>
    %dot_general3A_222 = tpu.matmul %slice3A_207, %convert_element_type3A_24, %dot_general3A_221 {dimension_numbers = #tpu.dot_dimension_numbers<[1], [0], [0], [1], [0, 0, 1, 1], [], []>, transpose_lhs_hint = false} : vector<1000x8xf32>, vector<8x256xf32>, vector<1000x256xf32> -> vector<1000x256xf32>
    %mul3A_223 = arith.mulf %max3A_220, %dot_general3A_222 : vector<1000x256xf32>
    %add3A_224 = arith.addf %add3A_204, %mul3A_223 : vector<1000x256xf32>
    %add3A_225 = arith.addf %add3A_205, %slice3A_207 : vector<1000x8xf32>
    %slice3A_226 = vector.extract_strided_slice %get3A_185 {offsets = [0, 64], sizes = [1000, 12], strides = [1, 1]} : vector<1000x128xf32> to vector<1000x12xf32>
    %slice3A_227 = vector.extract_strided_slice %get3A_185 {offsets = [0, 76], sizes = [1000, 8], strides = [1, 1]} : vector<1000x128xf32> to vector<1000x8xf32>
    %get3A_228 = arith.constant 0 : index
    %get3A_229 = arith.constant 0 : index
    %get3A_230 = vector.load %arg5[%get3A_228, %get3A_229] : memref<12x256xf32, #tpu.memory_space<vmem>>, vector<12x256xf32>
    %dot_general3A_231 = arith.constant dense<0.000000e+00> : vector<1000x256xf32>
    %dot_general3A_232 = tpu.matmul %slice3A_226, %get3A_230, %dot_general3A_231 {dimension_numbers = #tpu.dot_dimension_numbers<[1], [0], [0], [1], [0, 0, 1, 1], [], []>, transpose_lhs_hint = false} : vector<1000x12xf32>, vector<12x256xf32>, vector<1000x256xf32> -> vector<1000x256xf32>
    %get3A_233 = arith.constant 0 : index
    %get3A_234 = arith.constant 0 : index
    %get3A_235 = vector.load %arg6[%get3A_233, %get3A_234] : memref<1x256xf32, #tpu.memory_space<vmem>>, vector<1x256xf32>
    %add3A_236 = vector.broadcast %get3A_235 : vector<1x256xf32> to vector<1000x256xf32>
    %add3A_237 = arith.addf %dot_general3A_232, %add3A_236 : vector<1000x256xf32>
    %max3A_238 = arith.constant 0.000000e+00 : f32
    %max3A_239 = vector.broadcast %max3A_238 : f32 to vector<1000x256xf32>
    %max3A_240 = arith.maximumf %add3A_237, %max3A_239 : vector<1000x256xf32>
    %dot_general3A_241 = arith.constant dense<0.000000e+00> : vector<1000x256xf32>
    %dot_general3A_242 = tpu.matmul %slice3A_227, %convert_element_type3A_24, %dot_general3A_241 {dimension_numbers = #tpu.dot_dimension_numbers<[1], [0], [0], [1], [0, 0, 1, 1], [], []>, transpose_lhs_hint = false} : vector<1000x8xf32>, vector<8x256xf32>, vector<1000x256xf32> -> vector<1000x256xf32>
    %mul3A_243 = arith.mulf %max3A_240, %dot_general3A_242 : vector<1000x256xf32>
    %add3A_244 = arith.addf %add3A_224, %mul3A_243 : vector<1000x256xf32>
    %add3A_245 = arith.addf %add3A_225, %slice3A_227 : vector<1000x8xf32>
    %slice3A_246 = vector.extract_strided_slice %get3A_185 {offsets = [0, 96], sizes = [1000, 12], strides = [1, 1]} : vector<1000x128xf32> to vector<1000x12xf32>
    %slice3A_247 = vector.extract_strided_slice %get3A_185 {offsets = [0, 108], sizes = [1000, 8], strides = [1, 1]} : vector<1000x128xf32> to vector<1000x8xf32>
    %get3A_248 = arith.constant 0 : index
    %get3A_249 = arith.constant 0 : index
    %get3A_250 = vector.load %arg5[%get3A_248, %get3A_249] : memref<12x256xf32, #tpu.memory_space<vmem>>, vector<12x256xf32>
    %dot_general3A_251 = arith.constant dense<0.000000e+00> : vector<1000x256xf32>
    %dot_general3A_252 = tpu.matmul %slice3A_246, %get3A_250, %dot_general3A_251 {dimension_numbers = #tpu.dot_dimension_numbers<[1], [0], [0], [1], [0, 0, 1, 1], [], []>, transpose_lhs_hint = false} : vector<1000x12xf32>, vector<12x256xf32>, vector<1000x256xf32> -> vector<1000x256xf32>
    %get3A_253 = arith.constant 0 : index
    %get3A_254 = arith.constant 0 : index
    %get3A_255 = vector.load %arg6[%get3A_253, %get3A_254] : memref<1x256xf32, #tpu.memory_space<vmem>>, vector<1x256xf32>
    %add3A_256 = vector.broadcast %get3A_255 : vector<1x256xf32> to vector<1000x256xf32>
    %add3A_257 = arith.addf %dot_general3A_252, %add3A_256 : vector<1000x256xf32>
    %max3A_258 = arith.constant 0.000000e+00 : f32
    %max3A_259 = vector.broadcast %max3A_258 : f32 to vector<1000x256xf32>
    %max3A_260 = arith.maximumf %add3A_257, %max3A_259 : vector<1000x256xf32>
    %dot_general3A_261 = arith.constant dense<0.000000e+00> : vector<1000x256xf32>
    %dot_general3A_262 = tpu.matmul %slice3A_247, %convert_element_type3A_24, %dot_general3A_261 {dimension_numbers = #tpu.dot_dimension_numbers<[1], [0], [0], [1], [0, 0, 1, 1], [], []>, transpose_lhs_hint = false} : vector<1000x8xf32>, vector<8x256xf32>, vector<1000x256xf32> -> vector<1000x256xf32>
    %mul3A_263 = arith.mulf %max3A_260, %dot_general3A_262 : vector<1000x256xf32>
    %add3A_264 = arith.addf %add3A_244, %mul3A_263 : vector<1000x256xf32>
    %add3A_265 = arith.addf %add3A_245, %slice3A_247 : vector<1000x8xf32>
    %get3A_266 = arith.constant 0 : index
    %get3A_267 = arith.constant 0 : index
    %get3A_268 = vector.load %arg4[%get3A_266, %get3A_267] : memref<1000x128xf32, #tpu.memory_space<vmem>>, vector<1000x128xf32>
    %slice3A_269 = vector.extract_strided_slice %get3A_268 {offsets = [0, 0], sizes = [1000, 12], strides = [1, 1]} : vector<1000x128xf32> to vector<1000x12xf32>
    %slice3A_270 = vector.extract_strided_slice %get3A_268 {offsets = [0, 12], sizes = [1000, 8], strides = [1, 1]} : vector<1000x128xf32> to vector<1000x8xf32>
    %get3A_271 = arith.constant 0 : index
    %get3A_272 = arith.constant 0 : index
    %get3A_273 = vector.load %arg5[%get3A_271, %get3A_272] : memref<12x256xf32, #tpu.memory_space<vmem>>, vector<12x256xf32>
    %dot_general3A_274 = arith.constant dense<0.000000e+00> : vector<1000x256xf32>
    %dot_general3A_275 = tpu.matmul %slice3A_269, %get3A_273, %dot_general3A_274 {dimension_numbers = #tpu.dot_dimension_numbers<[1], [0], [0], [1], [0, 0, 1, 1], [], []>, transpose_lhs_hint = false} : vector<1000x12xf32>, vector<12x256xf32>, vector<1000x256xf32> -> vector<1000x256xf32>
    %get3A_276 = arith.constant 0 : index
    %get3A_277 = arith.constant 0 : index
    %get3A_278 = vector.load %arg6[%get3A_276, %get3A_277] : memref<1x256xf32, #tpu.memory_space<vmem>>, vector<1x256xf32>
    %add3A_279 = vector.broadcast %get3A_278 : vector<1x256xf32> to vector<1000x256xf32>
    %add3A_280 = arith.addf %dot_general3A_275, %add3A_279 : vector<1000x256xf32>
    %max3A_281 = arith.constant 0.000000e+00 : f32
    %max3A_282 = vector.broadcast %max3A_281 : f32 to vector<1000x256xf32>
    %max3A_283 = arith.maximumf %add3A_280, %max3A_282 : vector<1000x256xf32>
    %dot_general3A_284 = arith.constant dense<0.000000e+00> : vector<1000x256xf32>
    %dot_general3A_285 = tpu.matmul %slice3A_270, %convert_element_type3A_24, %dot_general3A_284 {dimension_numbers = #tpu.dot_dimension_numbers<[1], [0], [0], [1], [0, 0, 1, 1], [], []>, transpose_lhs_hint = false} : vector<1000x8xf32>, vector<8x256xf32>, vector<1000x256xf32> -> vector<1000x256xf32>
    %mul3A_286 = arith.mulf %max3A_283, %dot_general3A_285 : vector<1000x256xf32>
    %add3A_287 = arith.addf %add3A_264, %mul3A_286 : vector<1000x256xf32>
    %add3A_288 = arith.addf %add3A_265, %slice3A_270 : vector<1000x8xf32>
    %slice3A_289 = vector.extract_strided_slice %get3A_268 {offsets = [0, 32], sizes = [1000, 12], strides = [1, 1]} : vector<1000x128xf32> to vector<1000x12xf32>
    %slice3A_290 = vector.extract_strided_slice %get3A_268 {offsets = [0, 44], sizes = [1000, 8], strides = [1, 1]} : vector<1000x128xf32> to vector<1000x8xf32>
    %get3A_291 = arith.constant 0 : index
    %get3A_292 = arith.constant 0 : index
    %get3A_293 = vector.load %arg5[%get3A_291, %get3A_292] : memref<12x256xf32, #tpu.memory_space<vmem>>, vector<12x256xf32>
    %dot_general3A_294 = arith.constant dense<0.000000e+00> : vector<1000x256xf32>
    %dot_general3A_295 = tpu.matmul %slice3A_289, %get3A_293, %dot_general3A_294 {dimension_numbers = #tpu.dot_dimension_numbers<[1], [0], [0], [1], [0, 0, 1, 1], [], []>, transpose_lhs_hint = false} : vector<1000x12xf32>, vector<12x256xf32>, vector<1000x256xf32> -> vector<1000x256xf32>
    %get3A_296 = arith.constant 0 : index
    %get3A_297 = arith.constant 0 : index
    %get3A_298 = vector.load %arg6[%get3A_296, %get3A_297] : memref<1x256xf32, #tpu.memory_space<vmem>>, vector<1x256xf32>
    %add3A_299 = vector.broadcast %get3A_298 : vector<1x256xf32> to vector<1000x256xf32>
    %add3A_300 = arith.addf %dot_general3A_295, %add3A_299 : vector<1000x256xf32>
    %max3A_301 = arith.constant 0.000000e+00 : f32
    %max3A_302 = vector.broadcast %max3A_301 : f32 to vector<1000x256xf32>
    %max3A_303 = arith.maximumf %add3A_300, %max3A_302 : vector<1000x256xf32>
    %dot_general3A_304 = arith.constant dense<0.000000e+00> : vector<1000x256xf32>
    %dot_general3A_305 = tpu.matmul %slice3A_290, %convert_element_type3A_24, %dot_general3A_304 {dimension_numbers = #tpu.dot_dimension_numbers<[1], [0], [0], [1], [0, 0, 1, 1], [], []>, transpose_lhs_hint = false} : vector<1000x8xf32>, vector<8x256xf32>, vector<1000x256xf32> -> vector<1000x256xf32>
    %mul3A_306 = arith.mulf %max3A_303, %dot_general3A_305 : vector<1000x256xf32>
    %add3A_307 = arith.addf %add3A_287, %mul3A_306 : vector<1000x256xf32>
    %add3A_308 = arith.addf %add3A_288, %slice3A_290 : vector<1000x8xf32>
    %slice3A_309 = vector.extract_strided_slice %get3A_268 {offsets = [0, 64], sizes = [1000, 12], strides = [1, 1]} : vector<1000x128xf32> to vector<1000x12xf32>
    %slice3A_310 = vector.extract_strided_slice %get3A_268 {offsets = [0, 76], sizes = [1000, 8], strides = [1, 1]} : vector<1000x128xf32> to vector<1000x8xf32>
    %get3A_311 = arith.constant 0 : index
    %get3A_312 = arith.constant 0 : index
    %get3A_313 = vector.load %arg5[%get3A_311, %get3A_312] : memref<12x256xf32, #tpu.memory_space<vmem>>, vector<12x256xf32>
    %dot_general3A_314 = arith.constant dense<0.000000e+00> : vector<1000x256xf32>
    %dot_general3A_315 = tpu.matmul %slice3A_309, %get3A_313, %dot_general3A_314 {dimension_numbers = #tpu.dot_dimension_numbers<[1], [0], [0], [1], [0, 0, 1, 1], [], []>, transpose_lhs_hint = false} : vector<1000x12xf32>, vector<12x256xf32>, vector<1000x256xf32> -> vector<1000x256xf32>
    %get3A_316 = arith.constant 0 : index
    %get3A_317 = arith.constant 0 : index
    %get3A_318 = vector.load %arg6[%get3A_316, %get3A_317] : memref<1x256xf32, #tpu.memory_space<vmem>>, vector<1x256xf32>
    %add3A_319 = vector.broadcast %get3A_318 : vector<1x256xf32> to vector<1000x256xf32>
    %add3A_320 = arith.addf %dot_general3A_315, %add3A_319 : vector<1000x256xf32>
    %max3A_321 = arith.constant 0.000000e+00 : f32
    %max3A_322 = vector.broadcast %max3A_321 : f32 to vector<1000x256xf32>
    %max3A_323 = arith.maximumf %add3A_320, %max3A_322 : vector<1000x256xf32>
    %dot_general3A_324 = arith.constant dense<0.000000e+00> : vector<1000x256xf32>
    %dot_general3A_325 = tpu.matmul %slice3A_310, %convert_element_type3A_24, %dot_general3A_324 {dimension_numbers = #tpu.dot_dimension_numbers<[1], [0], [0], [1], [0, 0, 1, 1], [], []>, transpose_lhs_hint = false} : vector<1000x8xf32>, vector<8x256xf32>, vector<1000x256xf32> -> vector<1000x256xf32>
    %mul3A_326 = arith.mulf %max3A_323, %dot_general3A_325 : vector<1000x256xf32>
    %add3A_327 = arith.addf %add3A_307, %mul3A_326 : vector<1000x256xf32>
    %add3A_328 = arith.addf %add3A_308, %slice3A_310 : vector<1000x8xf32>
    %slice3A_329 = vector.extract_strided_slice %get3A_268 {offsets = [0, 96], sizes = [1000, 12], strides = [1, 1]} : vector<1000x128xf32> to vector<1000x12xf32>
    %slice3A_330 = vector.extract_strided_slice %get3A_268 {offsets = [0, 108], sizes = [1000, 8], strides = [1, 1]} : vector<1000x128xf32> to vector<1000x8xf32>
    %get3A_331 = arith.constant 0 : index
    %get3A_332 = arith.constant 0 : index
    %get3A_333 = vector.load %arg5[%get3A_331, %get3A_332] : memref<12x256xf32, #tpu.memory_space<vmem>>, vector<12x256xf32>
    %dot_general3A_334 = arith.constant dense<0.000000e+00> : vector<1000x256xf32>
    %dot_general3A_335 = tpu.matmul %slice3A_329, %get3A_333, %dot_general3A_334 {dimension_numbers = #tpu.dot_dimension_numbers<[1], [0], [0], [1], [0, 0, 1, 1], [], []>, transpose_lhs_hint = false} : vector<1000x12xf32>, vector<12x256xf32>, vector<1000x256xf32> -> vector<1000x256xf32>
    %get3A_336 = arith.constant 0 : index
    %get3A_337 = arith.constant 0 : index
    %get3A_338 = vector.load %arg6[%get3A_336, %get3A_337] : memref<1x256xf32, #tpu.memory_space<vmem>>, vector<1x256xf32>
    %add3A_339 = vector.broadcast %get3A_338 : vector<1x256xf32> to vector<1000x256xf32>
    %add3A_340 = arith.addf %dot_general3A_335, %add3A_339 : vector<1000x256xf32>
    %max3A_341 = arith.constant 0.000000e+00 : f32
    %max3A_342 = vector.broadcast %max3A_341 : f32 to vector<1000x256xf32>
    %max3A_343 = arith.maximumf %add3A_340, %max3A_342 : vector<1000x256xf32>
    %dot_general3A_344 = arith.constant dense<0.000000e+00> : vector<1000x256xf32>
    %dot_general3A_345 = tpu.matmul %slice3A_330, %convert_element_type3A_24, %dot_general3A_344 {dimension_numbers = #tpu.dot_dimension_numbers<[1], [0], [0], [1], [0, 0, 1, 1], [], []>, transpose_lhs_hint = false} : vector<1000x8xf32>, vector<8x256xf32>, vector<1000x256xf32> -> vector<1000x256xf32>
    %mul3A_346 = arith.mulf %max3A_343, %dot_general3A_345 : vector<1000x256xf32>
    %add3A_347 = arith.addf %add3A_327, %mul3A_346 : vector<1000x256xf32>
    %add3A_348 = arith.addf %add3A_328, %slice3A_330 : vector<1000x8xf32>
    %div3A_349 = arith.constant 1.000000e+00 : f32
    %div3A_350 = vector.broadcast %div3A_349 : f32 to vector<1000x8xf32>
    %div3A_351 = arith.divf %div3A_350, %add3A_348 : vector<1000x8xf32>
    %dot_general3A_352 = arith.constant dense<0.000000e+00> : vector<1000x256xf32>
    %dot_general3A_353 = tpu.matmul %div3A_351, %convert_element_type3A_24, %dot_general3A_352 {dimension_numbers = #tpu.dot_dimension_numbers<[1], [0], [0], [1], [0, 0, 1, 1], [], []>, transpose_lhs_hint = false} : vector<1000x8xf32>, vector<8x256xf32>, vector<1000x256xf32> -> vector<1000x256xf32>
    %mul3A_354 = arith.mulf %add3A_347, %dot_general3A_353 : vector<1000x256xf32>
    %swap3A = arith.constant 0 : index
    %swap3A_355 = arith.constant 0 : index
    %swap3A_356 = vector.load %arg7[%swap3A, %swap3A_355] : memref<1000x256xf32, #tpu.memory_space<vmem>>, vector<1000x256xf32>
    tpu.vector_store %arg7[%swap3A, %swap3A_355], %mul3A_354 {strides = array<i32>} : memref<1000x256xf32, #tpu.memory_space<vmem>>, vector<1000x256xf32>,
    %reduce_sum3A = arith.constant dense<0.000000e+00> : vector<256xf32>
    %reduce_sum3A_357 = vector.multi_reduction <add>, %mul3A_354, %reduce_sum3A [0] : vector<1000x256xf32> to vector<256xf32>
    %broadcast_in_dim3A = vector.shape_cast %reduce_sum3A_357 : vector<256xf32> to vector<1x256xf32>
    %eq3A_358 = arith.constant 0 : i32
    %eq3A_359 = arith.cmpi eq, %arg0, %eq3A_358 : i32
    %convert_element_type3A_360 = arith.extui %eq3A_359 : i1 to i32
    %cond3A = arith.constant 0 : i32
    %cond3A_361 = arith.cmpi ne, %convert_element_type3A_360, %cond3A : i32
    scf.if %cond3A_361 {
      %swap3A_366 = arith.constant 0 : index
      %swap3A_367 = arith.constant 0 : index
      %swap3A_368 = vector.load %arg8[%swap3A_366, %swap3A_367] : memref<1x256xf32, #tpu.memory_space<vmem>>, vector<1x256xf32>
      tpu.vector_store %arg8[%swap3A_366, %swap3A_367], %broadcast_in_dim3A {strides = array<i32>} : memref<1x256xf32, #tpu.memory_space<vmem>>, vector<1x256xf32>,
    } else {
    }
    %gt3A = arith.constant 0 : i32
    %gt3A_362 = arith.cmpi sgt, %arg0, %gt3A : i32
    %convert_element_type3A_363 = arith.extui %gt3A_362 : i1 to i32
    %cond3A_364 = arith.constant 0 : i32
    %cond3A_365 = arith.cmpi ne, %convert_element_type3A_363, %cond3A_364 : i32
    scf.if %cond3A_365 {
      %get3A_366 = arith.constant 0 : index
      %get3A_367 = arith.constant 0 : index
      %get3A_368 = vector.load %arg8[%get3A_366, %get3A_367] : memref<1x256xf32, #tpu.memory_space<vmem>>, vector<1x256xf32>
      %add3A_369 = arith.addf %get3A_368, %broadcast_in_dim3A : vector<1x256xf32>
      %swap3A_370 = arith.constant 0 : index
      %swap3A_371 = arith.constant 0 : index
      %swap3A_372 = vector.load %arg8[%swap3A_370, %swap3A_371] : memref<1x256xf32, #tpu.memory_space<vmem>>, vector<1x256xf32>
      tpu.vector_store %arg8[%swap3A_370, %swap3A_371], %add3A_369 {strides = array<i32>} : memref<1x256xf32, #tpu.memory_space<vmem>>, vector<1x256xf32>,
    } else {
    }
    return
  }
  func.func @transform_0(%arg0: i32) -> (i32, i32) {
    %add3A = arith.constant 0 : i32
    %add3A_0 = arith.addi %arg0, %add3A : i32
    %c0_i32 = arith.constant 0 : i32
    %c0_i32_1 = arith.constant 0 : i32
    return %add3A_0, %c0_i32 : i32, i32
  }
  func.func @transform_1(%arg0: i32) -> (i32, i32) {
    %add3A = arith.constant 40 : i32
    %add3A_0 = arith.addi %arg0, %add3A : i32
    %c0_i32 = arith.constant 0 : i32
    %c0_i32_1 = arith.constant 0 : i32
    return %add3A_0, %c0_i32 : i32, i32
  }
  func.func @transform_2(%arg0: i32) -> (i32, i32) {
    %add3A = arith.constant 80 : i32
    %add3A_0 = arith.addi %arg0, %add3A : i32
    %c0_i32 = arith.constant 0 : i32
    %c0_i32_1 = arith.constant 0 : i32
    return %add3A_0, %c0_i32 : i32, i32
  }
  func.func @transform_3(%arg0: i32) -> (i32, i32) {
    %add3A = arith.constant 120 : i32
    %add3A_0 = arith.addi %arg0, %add3A : i32
    %c0_i32 = arith.constant 0 : i32
    %c0_i32_1 = arith.constant 0 : i32
    return %add3A_0, %c0_i32 : i32, i32
  }
  func.func @transform_4(%arg0: i32) -> (i32, i32) {
    %c0_i32 = arith.constant 0 : i32
    %c0_i32_0 = arith.constant 0 : i32
    %c0_i32_1 = arith.constant 0 : i32
    return %c0_i32, %c0_i32_0 : i32, i32
  }
  func.func @transform_5(%arg0: i32) -> (i32, i32) {
    %c0_i32 = arith.constant 0 : i32
    %c0_i32_0 = arith.constant 0 : i32
    %c0_i32_1 = arith.constant 0 : i32
    return %c0_i32, %c0_i32_0 : i32, i32
  }
  func.func @transform_6(%arg0: i32) -> (i32, i32) {
    %c0_i32 = arith.constant 0 : i32
    %c0_i32_0 = arith.constant 0 : i32
    return %arg0, %c0_i32 : i32, i32
  }
  func.func @transform_7(%arg0: i32) -> (i32, i32) {
    %c0_i32 = arith.constant 0 : i32
    %c0_i32_0 = arith.constant 0 : i32
    %c0_i32_1 = arith.constant 0 : i32
    return %c0_i32, %c0_i32_0 : i32, i32
  }
}

module attributes {stable_mosaic.version = 14 : i64} {
  func.func @_s4_body(%arg0: memref<8x32xf32, #tpu.memory_space<vmem>>, %arg1: memref<8x32xf32, #tpu.memory_space<vmem>>, %arg2: memref<1x1xf32, #tpu.memory_space<vmem>>) attributes {dimension_semantics = [], scalar_prefetch = 0 : i64, scratch_operands = 0 : i64, tpu.core_type = #tpu.core_type<tc>} {
    %get3A = arith.constant 0 : index
    %get3A_0 = arith.constant 0 : index
    %get3A_1 = vector.load %arg0[%get3A, %get3A_0] : memref<8x32xf32, #tpu.memory_space<vmem>>, vector<8x32xf32>
    %mul3A = arith.constant 2.500000e-05 : f32
    %mul3A_2 = vector.broadcast %mul3A : f32 to vector<8x32xf32>
    %mul3A_3 = arith.mulf %get3A_1, %mul3A_2 : vector<8x32xf32>
    %get3A_4 = arith.constant 0 : index
    %get3A_5 = arith.constant 0 : index
    %get3A_6 = vector.load %arg1[%get3A_4, %get3A_5] : memref<8x32xf32, #tpu.memory_space<vmem>>, vector<8x32xf32>
    %mul3A_7 = arith.constant 9.900000e-01 : f32
    %mul3A_8 = vector.broadcast %mul3A_7 : f32 to vector<8x32xf32>
    %mul3A_9 = arith.mulf %mul3A_8, %get3A_6 : vector<8x32xf32>
    %mul3A_10 = arith.constant 0.00999999977 : f32
    %mul3A_11 = vector.broadcast %mul3A_10 : f32 to vector<8x32xf32>
    %mul3A_12 = arith.mulf %mul3A_11, %mul3A_3 : vector<8x32xf32>
    %add3A = arith.addf %mul3A_9, %mul3A_12 : vector<8x32xf32>
    %mul3A_13 = arith.mulf %add3A, %add3A : vector<8x32xf32>
    %broadcast_in_dim3A = arith.constant 1.000000e+00 : f32
    %broadcast_in_dim3A_14 = vector.broadcast %broadcast_in_dim3A : f32 to vector<1x32xf32>
    %dot_general3A = arith.constant dense<0.000000e+00> : vector<1x8xf32>
    %dot_general3A_15 = tpu.matmul %broadcast_in_dim3A_14, %mul3A_13, %dot_general3A {dimension_numbers = #tpu.dot_dimension_numbers<[1], [1], [0], [0], [0, 0, 1, 0], [], []>, transpose_lhs_hint = false} : vector<1x32xf32>, vector<8x32xf32>, vector<1x8xf32> -> vector<1x8xf32>
    %dot_general3A_16 = arith.constant dense<0.000000e+00> : vector<8x1xf32>
    %dot_general3A_17 = tpu.matmul %mul3A_13, %broadcast_in_dim3A_14, %dot_general3A_16 {dimension_numbers = #tpu.dot_dimension_numbers<[1], [1], [0], [0], [0, 0, 1, 0], [], []>, transpose_lhs_hint = false} : vector<8x32xf32>, vector<1x32xf32>, vector<8x1xf32> -> vector<8x1xf32>
    %dot_general3A_18 = arith.constant dense<0.000000e+00> : vector<8x8xf32>
    %dot_general3A_19 = tpu.matmul %add3A, %add3A, %dot_general3A_18 {dimension_numbers = #tpu.dot_dimension_numbers<[1], [1], [0], [0], [0, 0, 1, 0], [], []>, transpose_lhs_hint = false} : vector<8x32xf32>, vector<8x32xf32>, vector<8x8xf32> -> vector<8x8xf32>
    %add3A_20 = vector.broadcast %dot_general3A_17 : vector<8x1xf32> to vector<8x8xf32>
    %add3A_21 = vector.broadcast %dot_general3A_15 : vector<1x8xf32> to vector<8x8xf32>
    %add3A_22 = arith.addf %add3A_20, %add3A_21 : vector<8x8xf32>
    %mul3A_23 = arith.constant 2.000000e+00 : f32
    %mul3A_24 = vector.broadcast %mul3A_23 : f32 to vector<8x8xf32>
    %mul3A_25 = arith.mulf %mul3A_24, %dot_general3A_19 : vector<8x8xf32>
    %sub3A = arith.subf %add3A_22, %mul3A_25 : vector<8x8xf32>
    %max3A = arith.constant 1.000000e-30 : f32
    %max3A_26 = vector.broadcast %max3A : f32 to vector<8x8xf32>
    %max3A_27 = arith.maximumf %sub3A, %max3A_26 : vector<8x8xf32>
    %sqrt3A = math.sqrt %max3A_27 : vector<8x8xf32>
    %iota3A = tpu.iota {dimensions = array<i32: 0>} : vector<8x8xi32>
    %iota3A_28 = tpu.iota {dimensions = array<i32: 1>} : vector<8x8xi32>
    %eq3A = arith.cmpi eq, %iota3A, %iota3A_28 : vector<8x8xi32>
    %jit3A = arith.constant 0.000000e+00 : f32
    %jit3A_29 = arith.constant 5.000000e-01 : f32
    %broadcast_in_dim3A_30 = vector.broadcast %jit3A : f32 to vector<8x8xf32>
    %broadcast_in_dim3A_31 = vector.broadcast %jit3A_29 : f32 to vector<8x8xf32>
    %select_n3A = arith.select %eq3A, %broadcast_in_dim3A_30, %broadcast_in_dim3A_31 : vector<8x8xi1>, vector<8x8xf32>
    %sub3A_32 = arith.subf %select_n3A, %sqrt3A : vector<8x8xf32>
    %max3A_33 = arith.constant 0.000000e+00 : f32
    %max3A_34 = vector.broadcast %max3A_33 : f32 to vector<8x8xf32>
    %max3A_35 = arith.maximumf %sub3A_32, %max3A_34 : vector<8x8xf32>
    %integer_pow3A = arith.mulf %max3A_35, %max3A_35 : vector<8x8xf32>
    %reduce_sum3A = vector.shape_cast %integer_pow3A : vector<8x8xf32> to vector<1x8x8xf32>
    %reduce_sum3A_36 = arith.constant dense<0.000000e+00> : vector<1xf32>
    %reduce_sum3A_37 = vector.multi_reduction <add>, %reduce_sum3A, %reduce_sum3A_36 [1, 2] : vector<1x8x8xf32> to vector<1xf32>
    %reduce_sum3A_38 = vector.shape_cast %reduce_sum3A_37 : vector<1xf32> to vector<1x1x1xf32>
    %reduce_sum3A_39 = vector.extract %reduce_sum3A_38[0, 0, 0] : f32 from vector<1x1x1xf32>
    %broadcast_in_dim3A_40 = vector.broadcast %reduce_sum3A_39 : f32 to vector<1x1xf32>
    %swap3A = arith.constant 0 : index
    %swap3A_41 = arith.constant 0 : index
    %swap3A_42 = vector.load %arg2[%swap3A, %swap3A_41] : memref<1x1xf32, #tpu.memory_space<vmem>>, vector<1x1xf32>
    tpu.vector_store %arg2[%swap3A, %swap3A_41], %broadcast_in_dim3A_40 {strides = array<i32>} : memref<1x1xf32, #tpu.memory_space<vmem>>, vector<1x1xf32>,
    return
  }
}

</mosaic_0001>

<sc_bundles>
// kernel: kernel.6.cloned.1.call-start
scs
__scs_entry_jumppad:
0x0: {  	(pc) =	sbr.rel $0x88, $3  }
0x1: {  	(tag) =	ssettag $0x0;
	lr =	simm.s32 $0x1  }
0x2: {  	[smem:$0x3F8F] =	sst lr;
	_ =	strace $0xD0000000  }
0x3: {  	_ = 	snop  }
0x4: {  	_ = 	snop  }
0x5: {  	_ = 	snop  }
0x6: {  	_ = 	snop  }
0x7: {  	_ = 	snop  }
__scs_overlays_trampoline_lowered:
0x8: {  	[smem:$0x3F9E] =	sst s0  }
0x9: {  	[smem:$0x3F9F] =	sst s1  }
0xa: {  	[smem:$0x3FA0] =	sst s2  }
0xb: {  	[smem:$0x3FA1] =	sst s3  }
0xc: {  	[smem:$0x3FA2] =	sst s4  }
0xd: {  	[smem:$0x3FA3] =	sst s5  }
0xe: {  	[smem:$0x3FA4] =	sst s6  }
0xf: {  	[smem:$0x3FA5] =	sst s7  }
0x10: {  	[smem:$0x3FA6] =	sst s8  }
0x11: {  	[smem:$0x3FA7] =	sst s9;
	s0 =	simm.s32 @!p0 $0x0  }
0x12: {  	s1 =	sld [smem:$0x3F8D];
	s0 =	simm.s32 @p0 $0x1  }
0x13: {  	[smem:$0x3FA8] =	sst s0;
	s0 =	simm.s32 @!p1 $0x0  }
0x14: {  	s2 =	sld [smem:$0x3F8C];
	s0 =	simm.s32 @p1 $0x1  }
0x15: {  	[smem:$0x3FA9] =	sst s0;
	s0 =	simm.s32 @!p2 $0x0  }
0x16: {  	s3 =	sld [smem:$0x3FDB];
	s0 =	simm.s32 @p2 $0x1  }
0x17: {  	s4 =	simm.s32 $0x1BF5;
	[smem:$0x3FAB] =	sst s0  }
0x18: {  	s0 =	sld [smem:$0x3F8E];
	_ =	swait.ge [sflag:s4], $0x0  }
0x19: {  	s7 =	sld [smem:$0x3F8F]  }
0x1a: {  	s8 =	sadd.s32 $0xFFFFE003, lr  }
0x1b: {  	s9 =	sadd.s32 $0xFFFFFEF7, lr;
	s5 =	simm.s32 $0xFFFFFFFF;
	p2 =	slt.u32 s8, $0xFFFFF086  }
0x1c: {  	p1 =	slt.u32 s9, $0xF7A;
	s5 =	simm.s32 @!p2 $0x0  }
0x1d: {  	s5 =	simm.s32 @p1 $0x1;
	p0 =	seq.s32 s7, s2  }
0x1e: {  	s7 =	smul.u32 @!p0 $0xF7A, s2;
	p2 =	seq.s32 @!p0 s5, $0x0  }
0x1f: {  	s9 =	smul.u32 $0xF7A, s1;
	s8 =	simm.s32 @!p0 $0x1BF5;
	p2 =	por !p2, p0  }
0x20: {  	[sflag:s8] =	ssyncset.s32 @!p0 $0xFFFFF086;
	s6 =	sadd.s32 @!p0 s3, s7;
	s7 =	simm.s32 @!p0 $0x108  }
0x21: {  	s3 =	sadd.s32 s3, s9;
	s6 =	sadd.s32 @!p0 $0x88, s6;
	s7 =	simm.s32 @p2 $0x1082  }
0x22: {  	[simem:s7], [sflag:s8] =	dma.local @!p0 [hbm:s6], $0xF7A  }
0x23: {  	s9 =	sor.u32 $0xD0000000, s2;
	s6 =	simm.s32 $0x108;
	_ =	swait.ge @!p0 [sflag:s8], $0x0  }
0x24: {  	s3 =	sadd.s32 $0x88, s3;
	s6 =	simm.s32 @!p1 $0x1082;
	[sflag:s4] =	ssyncset.s32 $0xFFFFF086  }
0x25: {  	[simem:s6], [sflag:s4] =	dma.local [hbm:s3], $0xF7A  }
0x26: {  	[smem:$0x3F8F] =	sst s1;
	(tag) =	ssettag s2;
	_ =	strace s9  }
0x27: {  	s1 =	sld [smem:$0x3F9F]  }
0x28: {  	s2 =	sld [smem:$0x3FA0]  }
0x29: {  	s4 =	sld [smem:$0x3FA2]  }
0x2a: {  	p0 =	seq.s32 s5, $0x0;
	s5 =	sld [smem:$0x3FA3]  }
0x2b: {  	s6 =	sld [smem:$0x3FA4]  }
0x2c: {  	s7 =	sld [smem:$0x3FA5]  }
0x2d: {  	s3 =	simm.s32 $0x108;
	s8 =	sld [smem:$0x3FA6]  }
0x2e: {  	s3 =	simm.s32 @!p0 $0x1082;
	s9 =	sld [smem:$0x3FA7]  }
0x2f: {  	lr =	sadd.s32 s0, s3;
	s0 =	sld [smem:$0x3F9E]  }
0x30: {  	s3 =	sld [smem:$0x3FA1]  }
0x31: {  	[smem:$0x3FAA] =	sst s10  }
0x32: {  	s10 =	sld [smem:$0x3FA8];
	_ =	sdelay $0x3  }
0x33: {  	p0 =	seq.s32 s10, $0x1;
	s10 =	sld [smem:$0x3FAA];
	_ =	sdelay $0x3  }
0x34: {  	[smem:$0x3FAA] =	sst s10  }
0x35: {  	s10 =	sld [smem:$0x3FA9];
	_ =	sdelay $0x3  }
0x36: {  	p1 =	seq.s32 s10, $0x1;
	s10 =	sld [smem:$0x3FAA];
	_ =	sdelay $0x3  }
0x37: {  	[smem:$0x3FAA] =	sst s10  }
0x38: {  	s10 =	sld [smem:$0x3FAB]  }
0x39: {  	_ = 	snop;
	(pc) =	sbr.ind lr, $3  }
0x3a: {  	_ = 	snop  }
0x3b: {  	_ = 	snop  }
0x3c: {  	p2 =	seq.s32 s10, $0x1;
	s10 =	sld [smem:$0x3FAA]  }
0x3d: {  	_ =	shalt  }
0x3e: {  	_ =	shalt  }
0x3f: {  	_ =	shalt  }
0x40: {  	_ =	shalt  }
0x41: {  	_ =	shalt  }
0x42: {  	_ =	shalt  }
0x43: {  	_ =	shalt  }
0x44: {  	_ =	shalt  }
0x45: {  	_ =	shalt  }
0x46: {  	_ =	shalt  }
0x47: {  	_ =	shalt  }
0x48: {  	_ =	shalt  }
0x49: {  	_ =	shalt  }
0x4a: {  	_ =	shalt  }
0x4b: {  	_ =	shalt  }
0x4c: {  	_ =	shalt  }
0x4d: {  	_ =	shalt  }
0x4e: {  	_ =	shalt  }
0x4f: {  	_ =	shalt  }
0x50: {  	_ =	shalt  }
0x51: {  	_ =	shalt  }
0x52: {  	_ =	shalt  }
0x53: {  	_ =	shalt  }
0x54: {  	_ =	shalt  }
0x55: {  	_ =	shalt  }
0x56: {  	_ =	shalt  }
0x57: {  	_ =	shalt  }
0x58: {  	_ =	shalt  }
0x59: {  	_ =	shalt  }
0x5a: {  	_ =	shalt  }
0x5b: {  	_ =	shalt  }
0x5c: {  	_ =	shalt  }
0x5d: {  	_ =	shalt  }
0x5e: {  	_ =	shalt  }
0x5f: {  	_ =	shalt  }
0x60: {  	_ =	shalt  }
0x61: {  	_ =	shalt  }
0x62: {  	_ =	shalt  }
0x63: {  	_ =	shalt  }
0x64: {  	_ =	shalt  }
0x65: {  	_ =	shalt  }
0x66: {  	_ =	shalt  }
0x67: {  	_ =	shalt  }
0x68: {  	_ =	shalt  }
0x69: {  	_ =	shalt  }
0x6a: {  	_ =	shalt  }
0x6b: {  	_ =	shalt  }
0x6c: {  	_ =	shalt  }
0x6d: {  	_ =	shalt  }
0x6e: {  	_ =	shalt  }
0x6f: {  	_ =	shalt  }
0x70: {  	_ =	shalt  }
0x71: {  	_ =	shalt  }
0x72: {  	_ =	shalt  }
0x73: {  	_ =	shalt  }
0x74: {  	_ =	shalt  }
0x75: {  	_ =	shalt  }
0x76: {  	_ =	shalt  }
0x77: {  	_ =	shalt  }
0x78: {  	_ =	shalt  }
0x79: {  	_ =	shalt  }
0x7a: {  	_ =	shalt  }
0x7b: {  	_ =	shalt  }
0x7c: {  	_ =	shalt  }
0x7d: {  	_ =	shalt  }
0x7e: {  	_ =	shalt  }
0x7f: {  	_ =	shalt  }
0x80: {  	_ =	shalt  }
0x81: {  	_ =	shalt  }
0x82: {  	_ =	shalt  }
0x83: {  	_ =	shalt  }
0x84: {  	_ =	shalt  }
0x85: {  	_ =	shalt  }
0x86: {  	_ =	shalt  }
0x87: {  	_ =	shalt  }
.Lfunc_end0:
.L_simem_size_0:
called_computation.1_lowered:
.L_overlay_start_0:
0x88: {  	s2 =	sld [smem:$0x3FD9]  }
0x89: {  	s3 =	sld [smem:$0x3FFE];
	_ =	sdelay $0x1  }
0x8a: {  	s1 =	srdreg.scid  }
0x8b: {  	s0 =	sand.u32 $0x1, s1  }
0x8c: {  	s14 =	sshll.u32 s0, $0xA;
	s2 =	sadd.s32 s3, s2  }
0x8d: {  	s2 =	sadd.s32 s2, s14  }
0x8e: {  	[smem:$0x3FB6] =	sst s2  }
0x8f: {  	_ = 	snop  }
0x90: {  	s2 =	sld [smem:$0x3FD0];
	_ =	sdelay $0x2  }
0x91: {  	s15 =	simm.s32 $0xA;
	s4 =	simm.s32 $0x10  }
0x92: {  	[smem:s4], [sflag:s15] =	dma.local [hbm:s2], $0x1  }
0x93: {  	_ =	swait.eq [sflag:s15], $0x1  }
0x94: {  	[sflag:s15] =	ssyncset.done $0x0  }
0x95: {  	[sflag:s15] =	ssyncadd.s32 $0xFFFFFFFF  }
0x96: {  	s16 =	sld [smem:$0x10];
	(tm) =	ssettm $0x1  }
0x97: {  	s17 =	sld [smem:$0x3FFB];
	_ =	sdelay $0x3  }
0x98: {  	_ =	strace s17  }
0x99: {  	s3 =	sld [smem:$0x3FFC];
	_ =	sdelay $0x3  }
0x9a: {  	_ =	strace s3  }
0x9b: {  	s3 =	sld [smem:$0x3FFD];
	_ =	sdelay $0x3  }
0x9c: {  	_ =	strace s3  }
0x9d: {  	_ =	strace $0x8FFFFFFF  }
0x9e: {  	s18 =	sld [smem:$0x3FDB];
	_ =	sdelay $0x1  }
0x9f: {  	s19 =	simm.s32 $_scs_section_size  }
0xa0: {  	s5 =	simm.s32 $_size__tile_overlayer_lowered;
	s6 =	simm.s32 $_tile_overlayer_lowered  }
0xa1: {  	s22 =	simm.s32 $0x1BFF;
	s21 =	sshll.u32 s6, $0x1;
	s3 =	sadd.s32 s19, s18  }
0xa2: {  	s7 =	simm.s32 $0x0;
	s20 =	sshll.u32 s5, $0x1;
	s5 =	sadd.s32 s21, s3  }
0xa3: {  	[timem:s7], [sflag:s22] =	dma.local [hbm:s5], s20  }
0xa4: {  	_ =	swait.ge [sflag:s22], s20  }
0xa5: {  	s4 =	ssub.s32 $0x0, s20;
	[sflag:s22] =	ssyncset.done $0x0  }
0xa6: {  	[sflag:s22] =	ssyncadd.s32 s4;
	_ =	sdelay $0x1  }
0xa7: {  	s23 =	simm.s32 $0x1B8B  }
0xa8: {  	_ =	swait.ge [sflag:s23], $0x1  }
0xa9: {  	[sflag:s23] =	ssyncset.done $0x0  }
0xaa: {  	s25 =	simm.s32 $0x1B8E;
	s24 =	sld [smem:$0x3FFE];
	[sflag:s23] =	ssyncadd.s32 $0xFFFFFFFF  }
0xab: {  	s26 =	simm.s32 $execute0_lowered;
	[smem:$0x3FD2] =	sst s25  }
0xac: {  	s5 =	sshll.u32 s26, $0x1;
	_ =	strace $0x80000046;
	[dreg:$0x1] =	wrdreg $0xFFFFFFFF  }
0xad: {  	s28 =	simm.s32 $_size_execute0_lowered;
	s3 =	sadd.s32 s3, s5;
	[dreg:$0x0] =	wrdreg $0x0  }
0xae: {  	s5 =	sshll.u32 s28, $0x1;
	[dreg:$0x2] =	wrdreg s3  }
0xaf: {  	[dreg:$0x3] =	wrdreg s5  }
0xb0: {  	[dreg:$0x4] =	wrdreg $0xC0  }
0xb1: {  	_ =	task [dreg:s7], $0x5FFFF  }
0xb2: {  	[dreg:$0x1] =	wrdreg $0xFFFFFFFF  }
0xb3: {  	[dreg:$0x0] =	wrdreg $0x60  }
0xb4: {  	[dreg:$0x2] =	wrdreg s16  }
0xb5: {  	[dreg:$0x3] =	wrdreg s24  }
0xb6: {  	[dreg:$0x4] =	wrdreg $0x9  }
0xb7: {  	_ =	task.clear_ibuf [dreg:s7], $0x5FFFF;
	_ =	strace $0x90000046  }
0xb8: {  	s29 =	simm.s32 $0x9;
	_ =	strace $0x80000048  }
0xb9: {  	_ =	swait.ge [sflag:s29], $0x1  }
0xba: {  	[sflag:s29] =	ssyncadd.s32 $0xFFFFFFFF  }
0xbb: {  	_ =	strace $0x90000048  }
0xbc: {  	_ =	sfence  }
0xbd: {  	s30 =	sld [smem:$0x0];
	_ =	sdelay $0x2  }
0xbe: {  	s31 =	sshll.u32 s1, $0xD;
	s1 =	sshrl.u32 s1, $0x2  }
0xbf: {  	s3 =	sand.u32 $0x4000, s31;
	s1 =	sadd.s32 s1, s30  }
0xc0: {  	s0 =	sor.u32 s3, s0;
	s1 =	sshll.u32 s1, $0x11  }
0xc1: {  	s0 =	sor.u32 s1, s0  }
0xc2: {  	s0 =	sadd.s32 $0x8F2B, s0  }
0xc3: {  	[sflag:s0] =	ssyncadd.remote.s32 $0x1  }
0xc4: {  	_ =	sfence.sel $0xFFFF  }
0xc5: {  	[dreg:$0x0] =	wrdreg $0xFFFFFFFF;
	(pc) =	sbr.abs _section_cstart, $3  }
0xc6: {  	[dreg:$0x1] =	wrdreg $0xFFFFFFFF  }
0xc7: {  	_ =	task.clear_ibuf [dreg:s7], $0x2FFFF;
	_ =	strace $0x9FFFFFFF  }
0xc8: {  	(tm) =	ssettm $0x7FFFFFFF  }
0xc9: {  	_ =	shalt  }
tec
execute0_lowered:
.L_overlay_start_1:
0x0: {  	(tag) =	ssettag $0x1  }
0x1: {  	s1 =	rddreg [dreg:$0x0]  }
0x2: {  	s0 =	rddreg [dreg:$0x1];
	s3 =	simm.s32 $0x0;
	s2 =	srdreg.scid  }
0x3: {  	s5 =	stileid.u32;
	s8 =	simm.s32 $0x2;
	s9 =	simm.s32 $0x7D  }
0x4: {  	s10 =	simm.s32 $0x5000;
	s11 =	simm.s32 $0x5FA0;
	s12 =	simm.s32 $0x6F40  }
0x5: {  	s13 =	simm.s32 $0x7EE0;
	s14 =	simm.s32 $0x8E80;
	s15 =	simm.s32 $0x9E20  }
0x6: {  	s16 =	simm.s32 $0xADC0;
	s17 =	simm.s32 $0xBD60;
	s18 =	simm.s32 $0xCD00  }
0x7: {  	s19 =	simm.s32 $0xDCA0;
	s20 =	simm.s32 $0xEC40;
	s21 =	simm.s32 $0xFBE0  }
0x8: {  	s22 =	simm.s32 $0x10B80;
	s23 =	simm.s32 $0x11B20;
	s24 =	simm.s32 $0x12AC0  }
0x9: {  	s25 =	simm.s32 $0x13A60;
	s26 =	simm.s32 $0x1;
	s28 =	simm.s32 $0x20  }
0xa: {  	s29 =	simm.s32 $0x80;
	s30 =	simm.s32 $0x0;
	s2 =	sand.u32 $0x1, s2  }
0xb: {  	s4 =	sshll.u32 s5, $0x1;
	s5 =	smul.u32 $0x9C40, s5;
	[smem:$0x7FF] =	sst s3  }
0xc: {  	s4 =	sor.u32 s2, s4;
	s6 =	smul.u32 $0x4E20, s2;
	s2 =	ssub.s32 $0x2, s2  }
0xd: {  	s4 =	smul.u32 $0xA0, s4;
	s5 =	sadd.s32 s5, s0;
	s7 =	sshrl.u32 s2, $0x1  }
0xe: {  	_ =	strace $0x80000047;
	s5 =	sadd.s32 s6, s5;
	s2 =	ssub.s32 s2, s7  }
0xf: {  	s7 =	simm.s32 $0xA000;
	s0 =	sadd.s32 s4, s0;
	s6 =	sadd.s32 $0x16A00, s5  }
0x10: {  	s5 =	smax.u32 s2, $0x1;
	s4 =	sadd.s32 $0x2A00, s0;
	[dreg:$0x3] =	wrdreg s6  }
.LBB2_1:
0x11: {  	s0 =	simm.s32 $0x500  }
0x12: {  	[tilespmem:s3], [sflag:$0x2] =	stream.strided.gather [hbm4b:s4+s0], $0x5000, s7, s0, $0x38;
	[tilespmem:$0x14A00] =	vst v63  }
0x13: {  	_ =	swait.ge [sflag:s8], $0x5000  }
0x14: {  	[sflag:s8] =	ssyncset.done $0x0  }
0x15: {  	[sflag:s8] =	ssyncadd.s32 $0xFFFFB000  }
0x16: {  	[tilespmem:s10], [sflag:$0x1] =	stream.indirect.gather [hbm4b:s1+s9], $0x20, s3, s9, $0xb8;
	[tilespmem:$0x14A00] =	vst v63  }
0x17: {  	s6 =	simm.s32 $0x500  }
0x18: {  	[tilespmem:s11], [sflag:$0x1] =	stream.indirect.gather [hbm4b:s1+s9], $0x20, s6, s9, $0xb8;
	[tilespmem:$0x14A00] =	vst v63  }
0x19: {  	s2 =	simm.s32 $0xA00  }
0x1a: {  	[tilespmem:s12], [sflag:$0x1] =	stream.indirect.gather [hbm4b:s1+s9], $0x20, s2, s9, $0xb8;
	[tilespmem:$0x14A00] =	vst v63  }
0x1b: {  	s6 =	simm.s32 $0xF00  }
0x1c: {  	[tilespmem:s13], [sflag:$0x1] =	stream.indirect.gather [hbm4b:s1+s9], $0x20, s6, s9, $0xb8;
	[tilespmem:$0x14A00] =	vst v63  }
0x1d: {  	s2 =	simm.s32 $0x1400  }
0x1e: {  	[tilespmem:s14], [sflag:$0x1] =	stream.indirect.gather [hbm4b:s1+s9], $0x20, s2, s9, $0xb8;
	[tilespmem:$0x14A00] =	vst v63  }
0x1f: {  	s6 =	simm.s32 $0x1900  }
0x20: {  	[tilespmem:s15], [sflag:$0x1] =	stream.indirect.gather [hbm4b:s1+s9], $0x20, s6, s9, $0xb8;
	[tilespmem:$0x14A00] =	vst v63  }
0x21: {  	s2 =	simm.s32 $0x1E00  }
0x22: {  	[tilespmem:s16], [sflag:$0x1] =	stream.indirect.gather [hbm4b:s1+s9], $0x20, s2, s9, $0xb8;
	[tilespmem:$0x14A00] =	vst v63  }
0x23: {  	s6 =	simm.s32 $0x2300  }
0x24: {  	[tilespmem:s17], [sflag:$0x1] =	stream.indirect.gather [hbm4b:s1+s9], $0x20, s6, s9, $0xb8;
	[tilespmem:$0x14A00] =	vst v63  }
0x25: {  	s2 =	simm.s32 $0x2800  }
0x26: {  	[tilespmem:s18], [sflag:$0x1] =	stream.indirect.gather [hbm4b:s1+s9], $0x20, s2, s9, $0xb8;
	[tilespmem:$0x14A00] =	vst v63  }
0x27: {  	s6 =	simm.s32 $0x2D00  }
0x28: {  	[tilespmem:s19], [sflag:$0x1] =	stream.indirect.gather [hbm4b:s1+s9], $0x20, s6, s9, $0xb8;
	[tilespmem:$0x14A00] =	vst v63  }
0x29: {  	s2 =	simm.s32 $0x3200  }
0x2a: {  	[tilespmem:s20], [sflag:$0x1] =	stream.indirect.gather [hbm4b:s1+s9], $0x20, s2, s9, $0xb8;
	[tilespmem:$0x14A00] =	vst v63  }
0x2b: {  	s6 =	simm.s32 $0x3700  }
0x2c: {  	[tilespmem:s21], [sflag:$0x1] =	stream.indirect.gather [hbm4b:s1+s9], $0x20, s6, s9, $0xb8;
	[tilespmem:$0x14A00] =	vst v63  }
0x2d: {  	s2 =	simm.s32 $0x3C00  }
0x2e: {  	[tilespmem:s22], [sflag:$0x1] =	stream.indirect.gather [hbm4b:s1+s9], $0x20, s2, s9, $0xb8;
	[tilespmem:$0x14A00] =	vst v63  }
0x2f: {  	s6 =	simm.s32 $0x4100  }
0x30: {  	[tilespmem:s23], [sflag:$0x1] =	stream.indirect.gather [hbm4b:s1+s9], $0x20, s6, s9, $0xb8;
	[tilespmem:$0x14A00] =	vst v63  }
0x31: {  	s2 =	simm.s32 $0x4600  }
0x32: {  	[tilespmem:s24], [sflag:$0x1] =	stream.indirect.gather [hbm4b:s1+s9], $0x20, s2, s9, $0xb8;
	[tilespmem:$0x14A00] =	vst v63  }
0x33: {  	s6 =	simm.s32 $0x4B00  }
0x34: {  	[tilespmem:s25], [sflag:$0x1] =	stream.indirect.gather [hbm4b:s1+s9], $0x20, s6, s9, $0xb8;
	[tilespmem:$0x14A00] =	vst v63  }
0x35: {  	_ =	swait.ge [sflag:s26], $0xFA0  }
0x36: {  	s2 =	rddreg [dreg:$0x3];
	[sflag:s26] =	ssyncset.done $0x0  }
0x37: {  	[sflag:s26] =	ssyncadd.s32 $0xFFFFF060;
	s0 =	sadd.s32 $0x0, s2  }
0x38: {  	[hbm4b:s0+s28] =	stream.strided.scatter [tilespmem:s10], [sflag:$0x2], $0xFA0, s29, s28, $0x38;
	[tilespmem:$0x14A00] =	vst v63  }
0x39: {  	_ =	swait.ge [sflag:s8], $0xFA0  }
0x3a: {  	[sflag:s8] =	ssyncset.done $0x0  }
0x3b: {  	[sflag:s8] =	ssyncadd.s32 $0xFFFFF060  }
0x3c: {  	_ =	swait.ge [sflag:s26], $0xFA0  }
0x3d: {  	[sflag:s26] =	ssyncset.done $0x0  }
0x3e: {  	s2 =	sadd.s32 $0x4, s0;
	[sflag:s26] =	ssyncadd.s32 $0xFFFFF060  }
0x3f: {  	[hbm4b:s2+s28] =	stream.strided.scatter [tilespmem:s11], [sflag:$0x2], $0xFA0, s29, s28, $0x38;
	[tilespmem:$0x14A00] =	vst v63  }
0x40: {  	_ =	swait.ge [sflag:s8], $0xFA0  }
0x41: {  	[sflag:s8] =	ssyncset.done $0x0  }
0x42: {  	[sflag:s8] =	ssyncadd.s32 $0xFFFFF060  }
0x43: {  	_ =	swait.ge [sflag:s26], $0xFA0  }
0x44: {  	[sflag:s26] =	ssyncset.done $0x0  }
0x45: {  	s6 =	sadd.s32 $0x8, s0;
	[sflag:s26] =	ssyncadd.s32 $0xFFFFF060  }
0x46: {  	[hbm4b:s6+s28] =	stream.strided.scatter [tilespmem:s12], [sflag:$0x2], $0xFA0, s29, s28, $0x38;
	[tilespmem:$0x14A00] =	vst v63  }
0x47: {  	_ =	swait.ge [sflag:s8], $0xFA0  }
0x48: {  	[sflag:s8] =	ssyncset.done $0x0  }
0x49: {  	[sflag:s8] =	ssyncadd.s32 $0xFFFFF060  }
0x4a: {  	_ =	swait.ge [sflag:s26], $0xFA0  }
0x4b: {  	[sflag:s26] =	ssyncset.done $0x0  }
0x4c: {  	s6 =	sadd.s32 $0xC, s0;
	[sflag:s26] =	ssyncadd.s32 $0xFFFFF060  }
0x4d: {  	[hbm4b:s6+s28] =	stream.strided.scatter [tilespmem:s13], [sflag:$0x2], $0xFA0, s29, s28, $0x38;
	[tilespmem:$0x14A00] =	vst v63  }
0x4e: {  	_ =	swait.ge [sflag:s8], $0xFA0  }
0x4f: {  	[sflag:s8] =	ssyncset.done $0x0  }
0x50: {  	[sflag:s8] =	ssyncadd.s32 $0xFFFFF060  }
0x51: {  	_ =	swait.ge [sflag:s26], $0xFA0  }
0x52: {  	[sflag:s26] =	ssyncset.done $0x0  }
0x53: {  	s6 =	sadd.s32 $0x9C400, s0;
	[sflag:s26] =	ssyncadd.s32 $0xFFFFF060  }
0x54: {  	[hbm4b:s6+s28] =	stream.strided.scatter [tilespmem:s14], [sflag:$0x2], $0xFA0, s29, s28, $0x38;
	[tilespmem:$0x14A00] =	vst v63  }
0x55: {  	_ =	swait.ge [sflag:s8], $0xFA0  }
0x56: {  	[sflag:s8] =	ssyncset.done $0x0  }
0x57: {  	[sflag:s8] =	ssyncadd.s32 $0xFFFFF060  }
0x58: {  	_ =	swait.ge [sflag:s26], $0xFA0  }
0x59: {  	[sflag:s26] =	ssyncset.done $0x0  }
0x5a: {  	s6 =	sadd.s32 $0x9C404, s0;
	[sflag:s26] =	ssyncadd.s32 $0xFFFFF060  }
0x5b: {  	[hbm4b:s6+s28] =	stream.strided.scatter [tilespmem:s15], [sflag:$0x2], $0xFA0, s29, s28, $0x38;
	[tilespmem:$0x14A00] =	vst v63  }
0x5c: {  	_ =	swait.ge [sflag:s8], $0xFA0  }
0x5d: {  	[sflag:s8] =	ssyncset.done $0x0  }
0x5e: {  	[sflag:s8] =	ssyncadd.s32 $0xFFFFF060  }
0x5f: {  	_ =	swait.ge [sflag:s26], $0xFA0  }
0x60: {  	[sflag:s26] =	ssyncset.done $0x0  }
0x61: {  	s6 =	sadd.s32 $0x9C408, s0;
	[sflag:s26] =	ssyncadd.s32 $0xFFFFF060  }
0x62: {  	[hbm4b:s6+s28] =	stream.strided.scatter [tilespmem:s16], [sflag:$0x2], $0xFA0, s29, s28, $0x38;
	[tilespmem:$0x14A00] =	vst v63  }
0x63: {  	_ =	swait.ge [sflag:s8], $0xFA0  }
0x64: {  	[sflag:s8] =	ssyncset.done $0x0  }
0x65: {  	[sflag:s8] =	ssyncadd.s32 $0xFFFFF060  }
0x66: {  	_ =	swait.ge [sflag:s26], $0xFA0  }
0x67: {  	[sflag:s26] =	ssyncset.done $0x0  }
0x68: {  	s6 =	sadd.s32 $0x9C40C, s0;
	[sflag:s26] =	ssyncadd.s32 $0xFFFFF060  }
0x69: {  	[hbm4b:s6+s28] =	stream.strided.scatter [tilespmem:s17], [sflag:$0x2], $0xFA0, s29, s28, $0x38;
	[tilespmem:$0x14A00] =	vst v63  }
0x6a: {  	_ =	swait.ge [sflag:s8], $0xFA0  }
0x6b: {  	[sflag:s8] =	ssyncset.done $0x0  }
0x6c: {  	[sflag:s8] =	ssyncadd.s32 $0xFFFFF060  }
0x6d: {  	_ =	swait.ge [sflag:s26], $0xFA0  }
0x6e: {  	[sflag:s26] =	ssyncset.done $0x0  }
0x6f: {  	s6 =	sadd.s32 $0x138800, s0;
	[sflag:s26] =	ssyncadd.s32 $0xFFFFF060  }
0x70: {  	[hbm4b:s6+s28] =	stream.strided.scatter [tilespmem:s18], [sflag:$0x2], $0xFA0, s29, s28, $0x38;
	[tilespmem:$0x14A00] =	vst v63  }
0x71: {  	_ =	swait.ge [sflag:s8], $0xFA0  }
0x72: {  	[sflag:s8] =	ssyncset.done $0x0  }
0x73: {  	[sflag:s8] =	ssyncadd.s32 $0xFFFFF060  }
0x74: {  	_ =	swait.ge [sflag:s26], $0xFA0  }
0x75: {  	[sflag:s26] =	ssyncset.done $0x0  }
0x76: {  	s6 =	sadd.s32 $0x138804, s0;
	[sflag:s26] =	ssyncadd.s32 $0xFFFFF060  }
0x77: {  	[hbm4b:s6+s28] =	stream.strided.scatter [tilespmem:s19], [sflag:$0x2], $0xFA0, s29, s28, $0x38;
	[tilespmem:$0x14A00] =	vst v63  }
0x78: {  	_ =	swait.ge [sflag:s8], $0xFA0  }
0x79: {  	[sflag:s8] =	ssyncset.done $0x0  }
0x7a: {  	[sflag:s8] =	ssyncadd.s32 $0xFFFFF060  }
0x7b: {  	_ =	swait.ge [sflag:s26], $0xFA0  }
0x7c: {  	[sflag:s26] =	ssyncset.done $0x0  }
0x7d: {  	s6 =	sadd.s32 $0x138808, s0;
	[sflag:s26] =	ssyncadd.s32 $0xFFFFF060  }
0x7e: {  	[hbm4b:s6+s28] =	stream.strided.scatter [tilespmem:s20], [sflag:$0x2], $0xFA0, s29, s28, $0x38;
	[tilespmem:$0x14A00] =	vst v63  }
0x7f: {  	_ =	swait.ge [sflag:s8], $0xFA0  }
0x80: {  	[sflag:s8] =	ssyncset.done $0x0  }
0x81: {  	[sflag:s8] =	ssyncadd.s32 $0xFFFFF060  }
0x82: {  	_ =	swait.ge [sflag:s26], $0xFA0  }
0x83: {  	[sflag:s26] =	ssyncset.done $0x0  }
0x84: {  	s6 =	sadd.s32 $0x13880C, s0;
	[sflag:s26] =	ssyncadd.s32 $0xFFFFF060  }
0x85: {  	[hbm4b:s6+s28] =	stream.strided.scatter [tilespmem:s21], [sflag:$0x2], $0xFA0, s29, s28, $0x38;
	[tilespmem:$0x14A00] =	vst v63  }
0x86: {  	_ =	swait.ge [sflag:s8], $0xFA0  }
0x87: {  	[sflag:s8] =	ssyncset.done $0x0  }
0x88: {  	[sflag:s8] =	ssyncadd.s32 $0xFFFFF060  }
0x89: {  	_ =	swait.ge [sflag:s26], $0xFA0  }
0x8a: {  	[sflag:s26] =	ssyncset.done $0x0  }
0x8b: {  	s6 =	sadd.s32 $0x1D4C00, s0;
	[sflag:s26] =	ssyncadd.s32 $0xFFFFF060  }
0x8c: {  	[hbm4b:s6+s28] =	stream.strided.scatter [tilespmem:s22], [sflag:$0x2], $0xFA0, s29, s28, $0x38;
	[tilespmem:$0x14A00] =	vst v63  }
0x8d: {  	_ =	swait.ge [sflag:s8], $0xFA0  }
0x8e: {  	[sflag:s8] =	ssyncset.done $0x0  }
0x8f: {  	[sflag:s8] =	ssyncadd.s32 $0xFFFFF060  }
0x90: {  	_ =	swait.ge [sflag:s26], $0xFA0  }
0x91: {  	[sflag:s26] =	ssyncset.done $0x0  }
0x92: {  	s6 =	sadd.s32 $0x1D4C04, s0;
	[sflag:s26] =	ssyncadd.s32 $0xFFFFF060  }
0x93: {  	[hbm4b:s6+s28] =	stream.strided.scatter [tilespmem:s23], [sflag:$0x2], $0xFA0, s29, s28, $0x38;
	[tilespmem:$0x14A00] =	vst v63  }
0x94: {  	_ =	swait.ge [sflag:s8], $0xFA0  }
0x95: {  	[sflag:s8] =	ssyncset.done $0x0  }
0x96: {  	[sflag:s8] =	ssyncadd.s32 $0xFFFFF060  }
0x97: {  	_ =	swait.ge [sflag:s26], $0xFA0  }
0x98: {  	[sflag:s26] =	ssyncset.done $0x0  }
0x99: {  	s6 =	sadd.s32 $0x1D4C08, s0;
	[sflag:s26] =	ssyncadd.s32 $0xFFFFF060  }
0x9a: {  	[hbm4b:s6+s28] =	stream.strided.scatter [tilespmem:s24], [sflag:$0x2], $0xFA0, s29, s28, $0x38;
	[tilespmem:$0x14A00] =	vst v63  }
0x9b: {  	_ =	swait.ge [sflag:s8], $0xFA0  }
0x9c: {  	[sflag:s8] =	ssyncset.done $0x0  }
0x9d: {  	[sflag:s8] =	ssyncadd.s32 $0xFFFFF060  }
0x9e: {  	_ =	swait.ge [sflag:s26], $0xFA0  }
0x9f: {  	[sflag:s26] =	ssyncset.done $0x0  }
0xa0: {  	s0 =	sadd.s32 $0x1D4C0C, s0;
	[sflag:s26] =	ssyncadd.s32 $0xFFFFF060  }
0xa1: {  	[hbm4b:s0+s28] =	stream.strided.scatter [tilespmem:s25], [sflag:$0x2], $0xFA0, s29, s28, $0x38;
	[tilespmem:$0x14A00] =	vst v63  }
0xa2: {  	_ =	swait.ge [sflag:s8], $0xFA0  }
0xa3: {  	s31 =	simm.s32 $0x7D0;
	s0 =	simm.s32 $0x0;
	[sflag:s8] =	ssyncset.done $0x0  }
.LBB2_2:
0xa4: {  	[sflag:s8] =	ssyncadd.s32 $0xFFFFF060;
	s0 =	sadd.s32 $0x80, s0  }
0xa5: {  	[tilespmem:s10], [sflag:$0x1] =	stream.indirect.gather [hbm4b:s1+s9], $0x20, s0, s9, $0xb8;
	[tilespmem:$0x14A00] =	vst v63  }
0xa6: {  	s6 =	sadd.s32 $0x500, s0  }
0xa7: {  	[tilespmem:s11], [sflag:$0x1] =	stream.indirect.gather [hbm4b:s1+s9], $0x20, s6, s9, $0xb8;
	[tilespmem:$0x14A00] =	vst v63  }
0xa8: {  	s6 =	sadd.s32 $0xA00, s0  }
0xa9: {  	[tilespmem:s12], [sflag:$0x1] =	stream.indirect.gather [hbm4b:s1+s9], $0x20, s6, s9, $0xb8;
	[tilespmem:$0x14A00] =	vst v63  }
0xaa: {  	s6 =	sadd.s32 $0xF00, s0  }
0xab: {  	[tilespmem:s13], [sflag:$0x1] =	stream.indirect.gather [hbm4b:s1+s9], $0x20, s6, s9, $0xb8;
	[tilespmem:$0x14A00] =	vst v63  }
0xac: {  	s6 =	sadd.s32 $0x1400, s0  }
0xad: {  	[tilespmem:s14], [sflag:$0x1] =	stream.indirect.gather [hbm4b:s1+s9], $0x20, s6, s9, $0xb8;
	[tilespmem:$0x14A00] =	vst v63  }
0xae: {  	s6 =	sadd.s32 $0x1900, s0  }
0xaf: {  	[tilespmem:s15], [sflag:$0x1] =	stream.indirect.gather [hbm4b:s1+s9], $0x20, s6, s9, $0xb8;
	[tilespmem:$0x14A00] =	vst v63  }
0xb0: {  	s6 =	sadd.s32 $0x1E00, s0  }
0xb1: {  	[tilespmem:s16], [sflag:$0x1] =	stream.indirect.gather [hbm4b:s1+s9], $0x20, s6, s9, $0xb8;
	[tilespmem:$0x14A00] =	vst v63  }
0xb2: {  	s6 =	sadd.s32 $0x2300, s0  }
0xb3: {  	[tilespmem:s17], [sflag:$0x1] =	stream.indirect.gather [hbm4b:s1+s9], $0x20, s6, s9, $0xb8;
	[tilespmem:$0x14A00] =	vst v63  }
0xb4: {  	s6 =	sadd.s32 $0x2800, s0  }
0xb5: {  	[tilespmem:s18], [sflag:$0x1] =	stream.indirect.gather [hbm4b:s1+s9], $0x20, s6, s9, $0xb8;
	[tilespmem:$0x14A00] =	vst v63  }
0xb6: {  	s6 =	sadd.s32 $0x2D00, s0  }
0xb7: {  	[tilespmem:s19], [sflag:$0x1] =	stream.indirect.gather [hbm4b:s1+s9], $0x20, s6, s9, $0xb8;
	[tilespmem:$0x14A00] =	vst v63  }
0xb8: {  	s6 =	sadd.s32 $0x3200, s0  }
0xb9: {  	[tilespmem:s20], [sflag:$0x1] =	stream.indirect.gather [hbm4b:s1+s9], $0x20, s6, s9, $0xb8;
	[tilespmem:$0x14A00] =	vst v63  }
0xba: {  	s6 =	sadd.s32 $0x3700, s0  }
0xbb: {  	[tilespmem:s21], [sflag:$0x1] =	stream.indirect.gather [hbm4b:s1+s9], $0x20, s6, s9, $0xb8;
	[tilespmem:$0x14A00] =	vst v63  }
0xbc: {  	s6 =	sadd.s32 $0x3C00, s0  }
0xbd: {  	[tilespmem:s22], [sflag:$0x1] =	stream.indirect.gather [hbm4b:s1+s9], $0x20, s6, s9, $0xb8;
	[tilespmem:$0x14A00] =	vst v63  }
0xbe: {  	s6 =	sadd.s32 $0x4100, s0  }
0xbf: {  	[tilespmem:s23], [sflag:$0x1] =	stream.indirect.gather [hbm4b:s1+s9], $0x20, s6, s9, $0xb8;
	[tilespmem:$0x14A00] =	vst v63  }
0xc0: {  	s6 =	sadd.s32 $0x4600, s0  }
0xc1: {  	[tilespmem:s24], [sflag:$0x1] =	stream.indirect.gather [hbm4b:s1+s9], $0x20, s6, s9, $0xb8;
	[tilespmem:$0x14A00] =	vst v63  }
0xc2: {  	s6 =	sadd.s32 $0x4B00, s0  }
0xc3: {  	[tilespmem:s25], [sflag:$0x1] =	stream.indirect.gather [hbm4b:s1+s9], $0x20, s6, s9, $0xb8;
	[tilespmem:$0x14A00] =	vst v63  }
0xc4: {  	_ =	swait.ge [sflag:s26], $0xFA0  }
0xc5: {  	s2 =	smov.u32 s31;
	s6 =	rddreg [dreg:$0x3];
	[sflag:s26] =	ssyncset.done $0x0  }
0xc6: {  	[sflag:s26] =	ssyncadd.s32 $0xFFFFF060;
	s2 =	sadd.s32 s2, s6  }
0xc7: {  	[hbm4b:s2+s28] =	stream.strided.scatter [tilespmem:s10], [sflag:$0x2], $0xFA0, s29, s28, $0x38;
	[tilespmem:$0x14A00] =	vst v63  }
0xc8: {  	_ =	swait.ge [sflag:s8], $0xFA0  }
0xc9: {  	[sflag:s8] =	ssyncset.done $0x0  }
0xca: {  	[sflag:s8] =	ssyncadd.s32 $0xFFFFF060  }
0xcb: {  	_ =	swait.ge [sflag:s26], $0xFA0  }
0xcc: {  	[sflag:s26] =	ssyncset.done $0x0  }
0xcd: {  	s6 =	sadd.s32 $0x4, s2;
	[sflag:s26] =	ssyncadd.s32 $0xFFFFF060  }
0xce: {  	[hbm4b:s6+s28] =	stream.strided.scatter [tilespmem:s11], [sflag:$0x2], $0xFA0, s29, s28, $0x38;
	[tilespmem:$0x14A00] =	vst v63  }
0xcf: {  	_ =	swait.ge [sflag:s8], $0xFA0  }
0xd0: {  	[sflag:s8] =	ssyncset.done $0x0  }
0xd1: {  	[sflag:s8] =	ssyncadd.s32 $0xFFFFF060  }
0xd2: {  	_ =	swait.ge [sflag:s26], $0xFA0  }
0xd3: {  	[sflag:s26] =	ssyncset.done $0x0  }
0xd4: {  	s6 =	sadd.s32 $0x8, s2;
	[sflag:s26] =	ssyncadd.s32 $0xFFFFF060  }
0xd5: {  	[hbm4b:s6+s28] =	stream.strided.scatter [tilespmem:s12], [sflag:$0x2], $0xFA0, s29, s28, $0x38;
	[tilespmem:$0x14A00] =	vst v63  }
0xd6: {  	_ =	swait.ge [sflag:s8], $0xFA0  }
0xd7: {  	[sflag:s8] =	ssyncset.done $0x0  }
0xd8: {  	[sflag:s8] =	ssyncadd.s32 $0xFFFFF060  }
0xd9: {  	_ =	swait.ge [sflag:s26], $0xFA0  }
0xda: {  	[sflag:s26] =	ssyncset.done $0x0  }
0xdb: {  	s6 =	sadd.s32 $0xC, s2;
	[sflag:s26] =	ssyncadd.s32 $0xFFFFF060  }
0xdc: {  	[hbm4b:s6+s28] =	stream.strided.scatter [tilespmem:s13], [sflag:$0x2], $0xFA0, s29, s28, $0x38;
	[tilespmem:$0x14A00] =	vst v63  }
0xdd: {  	_ =	swait.ge [sflag:s8], $0xFA0  }
0xde: {  	[sflag:s8] =	ssyncset.done $0x0  }
0xdf: {  	[sflag:s8] =	ssyncadd.s32 $0xFFFFF060  }
0xe0: {  	_ =	swait.ge [sflag:s26], $0xFA0  }
0xe1: {  	[sflag:s26] =	ssyncset.done $0x0  }
0xe2: {  	s6 =	sadd.s32 $0x9C400, s2;
	[sflag:s26] =	ssyncadd.s32 $0xFFFFF060  }
0xe3: {  	[hbm4b:s6+s28] =	stream.strided.scatter [tilespmem:s14], [sflag:$0x2], $0xFA0, s29, s28, $0x38;
	[tilespmem:$0x14A00] =	vst v63  }
0xe4: {  	_ =	swait.ge [sflag:s8], $0xFA0  }
0xe5: {  	[sflag:s8] =	ssyncset.done $0x0  }
0xe6: {  	[sflag:s8] =	ssyncadd.s32 $0xFFFFF060  }
0xe7: {  	_ =	swait.ge [sflag:s26], $0xFA0  }
0xe8: {  	[sflag:s26] =	ssyncset.done $0x0  }
0xe9: {  	s6 =	sadd.s32 $0x9C404, s2;
	[sflag:s26] =	ssyncadd.s32 $0xFFFFF060  }
0xea: {  	[hbm4b:s6+s28] =	stream.strided.scatter [tilespmem:s15], [sflag:$0x2], $0xFA0, s29, s28, $0x38;
	[tilespmem:$0x14A00] =	vst v63  }
0xeb: {  	_ =	swait.ge [sflag:s8], $0xFA0  }
0xec: {  	[sflag:s8] =	ssyncset.done $0x0  }
0xed: {  	[sflag:s8] =	ssyncadd.s32 $0xFFFFF060  }
0xee: {  	_ =	swait.ge [sflag:s26], $0xFA0  }
0xef: {  	[sflag:s26] =	ssyncset.done $0x0  }
0xf0: {  	s6 =	sadd.s32 $0x9C408, s2;
	[sflag:s26] =	ssyncadd.s32 $0xFFFFF060  }
0xf1: {  	[hbm4b:s6+s28] =	stream.strided.scatter [tilespmem:s16], [sflag:$0x2], $0xFA0, s29, s28, $0x38;
	[tilespmem:$0x14A00] =	vst v63  }
0xf2: {  	_ =	swait.ge [sflag:s8], $0xFA0  }
0xf3: {  	[sflag:s8] =	ssyncset.done $0x0  }
0xf4: {  	[sflag:s8] =	ssyncadd.s32 $0xFFFFF060  }
0xf5: {  	_ =	swait.ge [sflag:s26], $0xFA0  }
0xf6: {  	[sflag:s26] =	ssyncset.done $0x0  }
0xf7: {  	s6 =	sadd.s32 $0x9C40C, s2;
	[sflag:s26] =	ssyncadd.s32 $0xFFFFF060  }
0xf8: {  	[hbm4b:s6+s28] =	stream.strided.scatter [tilespmem:s17], [sflag:$0x2], $0xFA0, s29, s28, $0x38;
	[tilespmem:$0x14A00] =	vst v63  }
0xf9: {  	_ =	swait.ge [sflag:s8], $0xFA0  }
0xfa: {  	[sflag:s8] =	ssyncset.done $0x0  }
0xfb: {  	[sflag:s8] =	ssyncadd.s32 $0xFFFFF060  }
0xfc: {  	_ =	swait.ge [sflag:s26], $0xFA0  }
0xfd: {  	[sflag:s26] =	ssyncset.done $0x0  }
0xfe: {  	s6 =	sadd.s32 $0x138800, s2;
	[sflag:s26] =	ssyncadd.s32 $0xFFFFF060  }
0xff: {  	[hbm4b:s6+s28] =	stream.strided.scatter [tilespmem:s18], [sflag:$0x2], $0xFA0, s29, s28, $0x38;
	[tilespmem:$0x14A00] =	vst v63  }
0x100: {  	_ =	swait.ge [sflag:s8], $0xFA0  }
0x101: {  	[sflag:s8] =	ssyncset.done $0x0  }
0x102: {  	[sflag:s8] =	ssyncadd.s32 $0xFFFFF060  }
0x103: {  	_ =	swait.ge [sflag:s26], $0xFA0  }
0x104: {  	[sflag:s26] =	ssyncset.done $0x0  }
0x105: {  	s6 =	sadd.s32 $0x138804, s2;
	[sflag:s26] =	ssyncadd.s32 $0xFFFFF060  }
0x106: {  	[hbm4b:s6+s28] =	stream.strided.scatter [tilespmem:s19], [sflag:$0x2], $0xFA0, s29, s28, $0x38;
	[tilespmem:$0x14A00] =	vst v63  }
0x107: {  	_ =	swait.ge [sflag:s8], $0xFA0  }
0x108: {  	[sflag:s8] =	ssyncset.done $0x0  }
0x109: {  	[sflag:s8] =	ssyncadd.s32 $0xFFFFF060  }
0x10a: {  	_ =	swait.ge [sflag:s26], $0xFA0  }
0x10b: {  	[sflag:s26] =	ssyncset.done $0x0  }
0x10c: {  	s6 =	sadd.s32 $0x138808, s2;
	[sflag:s26] =	ssyncadd.s32 $0xFFFFF060  }
0x10d: {  	[hbm4b:s6+s28] =	stream.strided.scatter [tilespmem:s20], [sflag:$0x2], $0xFA0, s29, s28, $0x38;
	[tilespmem:$0x14A00] =	vst v63  }
0x10e: {  	_ =	swait.ge [sflag:s8], $0xFA0  }
0x10f: {  	[sflag:s8] =	ssyncset.done $0x0  }
0x110: {  	[sflag:s8] =	ssyncadd.s32 $0xFFFFF060  }
0x111: {  	_ =	swait.ge [sflag:s26], $0xFA0  }
0x112: {  	[sflag:s26] =	ssyncset.done $0x0  }
0x113: {  	s6 =	sadd.s32 $0x13880C, s2;
	[sflag:s26] =	ssyncadd.s32 $0xFFFFF060  }
0x114: {  	[hbm4b:s6+s28] =	stream.strided.scatter [tilespmem:s21], [sflag:$0x2], $0xFA0, s29, s28, $0x38;
	[tilespmem:$0x14A00] =	vst v63  }
0x115: {  	_ =	swait.ge [sflag:s8], $0xFA0  }
0x116: {  	[sflag:s8] =	ssyncset.done $0x0  }
0x117: {  	[sflag:s8] =	ssyncadd.s32 $0xFFFFF060  }
0x118: {  	_ =	swait.ge [sflag:s26], $0xFA0  }
0x119: {  	[sflag:s26] =	ssyncset.done $0x0  }
0x11a: {  	s6 =	sadd.s32 $0x1D4C00, s2;
	[sflag:s26] =	ssyncadd.s32 $0xFFFFF060  }
0x11b: {  	[hbm4b:s6+s28] =	stream.strided.scatter [tilespmem:s22], [sflag:$0x2], $0xFA0, s29, s28, $0x38;
	[tilespmem:$0x14A00] =	vst v63  }
0x11c: {  	_ =	swait.ge [sflag:s8], $0xFA0  }
0x11d: {  	[sflag:s8] =	ssyncset.done $0x0  }
0x11e: {  	[sflag:s8] =	ssyncadd.s32 $0xFFFFF060  }
0x11f: {  	_ =	swait.ge [sflag:s26], $0xFA0  }
0x120: {  	[sflag:s26] =	ssyncset.done $0x0  }
0x121: {  	s6 =	sadd.s32 $0x1D4C04, s2;
	[sflag:s26] =	ssyncadd.s32 $0xFFFFF060  }
0x122: {  	[hbm4b:s6+s28] =	stream.strided.scatter [tilespmem:s23], [sflag:$0x2], $0xFA0, s29, s28, $0x38;
	[tilespmem:$0x14A00] =	vst v63  }
0x123: {  	_ =	swait.ge [sflag:s8], $0xFA0  }
0x124: {  	[sflag:s8] =	ssyncset.done $0x0  }
0x125: {  	[sflag:s8] =	ssyncadd.s32 $0xFFFFF060  }
0x126: {  	_ =	swait.ge [sflag:s26], $0xFA0  }
0x127: {  	[sflag:s26] =	ssyncset.done $0x0  }
0x128: {  	s6 =	sadd.s32 $0x1D4C08, s2;
	[sflag:s26] =	ssyncadd.s32 $0xFFFFF060  }
0x129: {  	[hbm4b:s6+s28] =	stream.strided.scatter [tilespmem:s24], [sflag:$0x2], $0xFA0, s29, s28, $0x38;
	[tilespmem:$0x14A00] =	vst v63  }
0x12a: {  	_ =	swait.ge [sflag:s8], $0xFA0  }
0x12b: {  	[sflag:s8] =	ssyncset.done $0x0  }
0x12c: {  	[sflag:s8] =	ssyncadd.s32 $0xFFFFF060  }
0x12d: {  	p0 =	sne.s32 s31, $0x4650;
	_ =	swait.ge [sflag:s26], $0xFA0  }
.Ltmp0:
0x12e: {  	[sflag:s26] =	ssyncset.done $0x0;
	(pc) =	sbr.rel @p0 .LBB2_2-.Ltmp0, $4  }
0x12f: {  	s2 =	sadd.s32 $0x1D4C0C, s2;
	[sflag:s26] =	ssyncadd.s32 $0xFFFFF060  }
0x130: {  	[hbm4b:s2+s28] =	stream.strided.scatter [tilespmem:s25], [sflag:$0x2], $0xFA0, s29, s28, $0x38;
	[tilespmem:$0x14A00] =	vst v63  }
0x131: {  	_ =	swait.ge [sflag:s8], $0xFA0  }
0x132: {  	s31 =	sadd.s32 $0x7D0, s31;
	[sflag:s8] =	ssyncset.done $0x0  }
0x133: {  	s30 =	sadd.s32 $0x1, s30  }
0x134: {  	p0 =	sne.s32 s30, s5  }
.Ltmp1:
0x135: {  	_ = 	snop;
	(pc) =	sbr.rel @p0 .LBB2_1-.Ltmp1, $2  }
0x136: {  	_ =	sdelay $0x2  }
0x137: {  	[sflag:s8] =	ssyncadd.s32 $0xFFFFF060  }
0x138: {  	_ =	sfence.sel $0x180000  }
0x139: {  	[bflag:$0x0] =	sbarrier.arrive $0xFFFF  }
0x13a: {  	_ =	strace $0x90000047  }
0x13b: {  	s0 =	stileid.u32;
	[bflag:$0x2] =	sbarrier.arrive $0xFFFF  }
0x13c: {  	p0 =	sne.s32 s0, $0x0;
	s0 =	rddreg [dreg:$0x2]  }
0x13d: {  	s0 =	sadd.s32 @!p0 $0x100000, s0  }
0x13e: {  	[sflag:s0] =	ssyncadd.tile.s32 @!p0 $0x1;
	_ =	shalt  }
.Lfunc_end2:
_tile_overlayer_lowered:
.L_overlay_start_2:
0x13f: {  	(tag) =	ssettag $0x2  }
0x140: {  	s0 =	rddreg [dreg:$0x0];
	s2 =	stileid.u32  }
0x141: {  	s1 =	rddreg [dreg:$0x1];
	p0 =	sne.s32 s2, $0x0  }
0x142: {  	s3 =	rddreg [dreg:$0x2];
	[bflag:$0x3] =	sbarrier.arrive $0xFFFF;
	s2 =	simm.s32 @!p0 $0x1C02  }
0x143: {  	[timem:s3], [sflag:s2] =	dma.local @!p0 [hbm:s0], s1  }
0x144: {  	s0 =	simm.s32 @!p0 $0x2  }
0x145: {  	_ =	swait.ge @!p0 [sflag:s0], s1  }
0x146: {  	s1 =	ssub.s32 @!p0 $0x0, s1;
	[sflag:s0] =	ssyncset.done @!p0 $0x0  }
0x147: {  	[sflag:s0] =	ssyncadd.s32 @!p0 s1  }
0x148: {  	[bflag:$0x3] =	sbarrier.arrive $0xFFFF  }
0x149: {  	_ =	shalt  }

// kernel: sparse-core-data-format-call.cloned.1.call-start
scs
called_computation_lowered:
.L_overlay_start_0:
0x0: {  	s2 =	sld [smem:$0x3FD9]  }
0x1: {  	s3 =	sld [smem:$0x3FFE];
	_ =	sdelay $0x1  }
0x2: {  	s1 =	srdreg.scid  }
0x3: {  	s0 =	sand.u32 $0x1, s1  }
0x4: {  	s15 =	sshll.u32 s0, $0xA;
	s2 =	sadd.s32 s3, s2  }
0x5: {  	s2 =	sadd.s32 s2, s15  }
0x6: {  	[smem:$0x3FB6] =	sst s2  }
0x7: {  	_ = 	snop  }
0x8: {  	s2 =	sld [smem:$0x3FD0];
	_ =	sdelay $0x2  }
0x9: {  	s16 =	simm.s32 $0xA;
	s4 =	simm.s32 $0x10  }
0xa: {  	[smem:s4], [sflag:s16] =	dma.local [hbm:s2], $0x1  }
0xb: {  	_ =	swait.eq [sflag:s16], $0x1  }
0xc: {  	[sflag:s16] =	ssyncset.done $0x0  }
0xd: {  	[sflag:s16] =	ssyncadd.s32 $0xFFFFFFFF  }
0xe: {  	s17 =	sld [smem:$0x10];
	(tm) =	ssettm $0x1  }
0xf: {  	s18 =	sld [smem:$0x3FFB];
	_ =	sdelay $0x3  }
0x10: {  	_ =	strace s18  }
0x11: {  	s3 =	sld [smem:$0x3FFC];
	_ =	sdelay $0x3  }
0x12: {  	_ =	strace s3  }
0x13: {  	s3 =	sld [smem:$0x3FFD];
	_ =	sdelay $0x3  }
0x14: {  	_ =	strace s3  }
0x15: {  	_ =	strace $0x8FFFFFFF  }
0x16: {  	s19 =	sld [smem:$0x3FDB];
	_ =	sdelay $0x1  }
0x17: {  	s20 =	simm.s32 $_scs_section_size  }
0x18: {  	s5 =	simm.s32 $_size__tile_overlayer_lowered;
	s6 =	simm.s32 $_tile_overlayer_lowered  }
0x19: {  	s23 =	simm.s32 $0x1BFF;
	s22 =	sshll.u32 s6, $0x1;
	s3 =	sadd.s32 s20, s19  }
0x1a: {  	s7 =	simm.s32 $0x0;
	s21 =	sshll.u32 s5, $0x1;
	s5 =	sadd.s32 s22, s3  }
0x1b: {  	[timem:s7], [sflag:s23] =	dma.local [hbm:s5], s21  }
0x1c: {  	_ =	swait.ge [sflag:s23], s21  }
0x1d: {  	s4 =	ssub.s32 $0x0, s21;
	[sflag:s23] =	ssyncset.done $0x0  }
0x1e: {  	[sflag:s23] =	ssyncadd.s32 s4;
	_ =	sdelay $0x1  }
0x1f: {  	s24 =	simm.s32 $0x1B8B  }
0x20: {  	_ =	swait.ge [sflag:s24], $0x1  }
0x21: {  	[sflag:s24] =	ssyncset.done $0x0  }
0x22: {  	s26 =	simm.s32 $0x1B8E;
	s25 =	sld [smem:$0x3FFE];
	[sflag:s24] =	ssyncadd.s32 $0xFFFFFFFF  }
0x23: {  	s27 =	simm.s32 $execute0_lowered;
	[smem:$0x3FD2] =	sst s26  }
0x24: {  	s5 =	sshll.u32 s27, $0x1;
	_ =	strace $0x80000049;
	[dreg:$0x1] =	wrdreg $0xFFFFFFFF  }
0x25: {  	s28 =	simm.s32 $_size_execute0_lowered;
	s3 =	sadd.s32 s3, s5;
	[dreg:$0x0] =	wrdreg $0x0  }
0x26: {  	s5 =	sshll.u32 s28, $0x1;
	[dreg:$0x2] =	wrdreg s3  }
0x27: {  	[dreg:$0x3] =	wrdreg s5  }
0x28: {  	[dreg:$0x4] =	wrdreg $0xC0  }
0x29: {  	_ =	task [dreg:s7], $0x5FFFF  }
0x2a: {  	[dreg:$0x1] =	wrdreg $0xFFFFFFFF  }
0x2b: {  	[dreg:$0x0] =	wrdreg $0x60  }
0x2c: {  	[dreg:$0x2] =	wrdreg s25  }
0x2d: {  	[dreg:$0x3] =	wrdreg s17  }
0x2e: {  	[dreg:$0x4] =	wrdreg $0x9  }
0x2f: {  	_ =	task.clear_ibuf [dreg:s7], $0x5FFFF;
	_ =	strace $0x90000049  }
0x30: {  	s29 =	simm.s32 $0x9;
	_ =	strace $0x8000004B  }
0x31: {  	_ =	swait.ge [sflag:s29], $0x1  }
0x32: {  	[sflag:s29] =	ssyncadd.s32 $0xFFFFFFFF  }
0x33: {  	_ =	strace $0x9000004B  }
0x34: {  	_ =	sfence  }
0x35: {  	s30 =	sld [smem:$0x0];
	_ =	sdelay $0x2  }
0x36: {  	s31 =	sshll.u32 s1, $0xD;
	s1 =	sshrl.u32 s1, $0x2  }
0x37: {  	s3 =	sand.u32 $0x4000, s31;
	s1 =	sadd.s32 s1, s30  }
0x38: {  	s0 =	sor.u32 s3, s0;
	s1 =	sshll.u32 s1, $0x11  }
0x39: {  	s0 =	sor.u32 s1, s0  }
0x3a: {  	s0 =	sadd.s32 $0x8F2B, s0  }
0x3b: {  	[sflag:s0] =	ssyncadd.remote.s32 $0x1  }
0x3c: {  	_ =	sfence.sel $0xFFFF  }
0x3d: {  	[dreg:$0x0] =	wrdreg $0xFFFFFFFF;
	(pc) =	sbr.abs _section_cstart, $3  }
0x3e: {  	[dreg:$0x1] =	wrdreg $0xFFFFFFFF  }
0x3f: {  	_ =	task.clear_ibuf [dreg:s7], $0x2FFFF;
	_ =	strace $0x9FFFFFFF  }
0x40: {  	(tm) =	ssettm $0x7FFFFFFF  }
0x41: {  	_ =	shalt  }
tec
execute0_lowered:
.L_overlay_start_1:
0x0: {  	(tag) =	ssettag $0x1  }
0x1: {  	s7 =	rddreg [dreg:$0x0]  }
0x2: {  	s2 =	rddreg [dreg:$0x1]  }
0x3: {  	s0 =	stileid.u32;
	s1 =	srdreg.scid;
	s31 =	simm.s32 $0x2  }
0x4: {  	s18 =	simm.s32 $0x0;
	s11 =	simm.s32 $0x0;
	s17 =	simm.s32 $0x0  }
0x5: {  	s20 =	simm.s32 $0x0;
	s19 =	simm.s32 $0x0;
	s14 =	simm.s32 $0x0  }
0x6: {  	s16 =	simm.s32 $0x0;
	s3 =	sshll.u32 s0, $0x2;
	s4 =	sshll.u32 s0, $0x4  }
0x7: {  	s5 =	sshll.u32 s1, $0x8;
	s1 =	rddreg [dreg:$0x2];
	_ =	strace $0x8000004A  }
0x8: {  	s8 =	sshrl.u32 s0, $0x1;
	s3 =	sand.u32 $0x4, s3;
	s4 =	sor.u32 s4, s5  }
0x9: {  	s7 =	sadd.s32 $0x2A00, s7;
	s4 =	sand.u32 $0x180, s4;
	s30 =	ssub.s32 $0x8, s3  }
0xa: {  	s6 =	sshrl.u32 s30, $0x2;
	s9 =	ssub.s32 $0x2700, s4;
	s10 =	sshrl.u32 s30, $0x3  }
.Ltmp0:
0xb: {  	s6 =	sand.u32 $0x1, s6;
	s9 =	sshrl.u32 s9, $0x9;
	(pc) =	sbr.rel .LBB1_1-.Ltmp0, $4  }
0xc: {  	s5 =	simm.s32 $0x1;
	s6 =	sadd.s32 s10, s6;
	s9 =	sadd.s32 $0x1, s9  }
0xd: {  	s8 =	sand.u32 $0x3, s8;
	[sflag:s5] =	ssyncpa.u1 $0x0;
	s6 =	smul.u32 s6, s9  }
0xe: {  	s13 =	smov.u32 s8;
	s15 =	smov.u32 s3;
	[sflag:s31] =	ssyncpa.u1 $0x0  }
0xf: {  	s12 =	smov.u32 s4;
	s10 =	simm.s32 $0x13C00;
	s9 =	sadd.s32 $0x1, s6  }
.LBB1_7:
0x10: {  	s21 =	sadd.s32 $0x200, s12  }
0x11: {  	s17 =	sadd.s32 $0x4, s13;
	s22 =	smov.u32 s13;
	p1 =	sgt.s32 s21, $0x270F  }
0x12: {  	s22 =	smov.u32 @p1 s17  }
0x13: {  	s23 =	smov.u32 s14;
	s17 =	sadd.s32 $0x20, s14;
	p2 =	sgt.s32 s22, $0x3  }
0x14: {  	s23 =	smov.u32 @p2 s17  }
0x15: {  	s24 =	smov.u32 s15;
	s17 =	sadd.s32 $0x8, s15;
	p3 =	sgt.s32 s23, $0x1F  }
0x16: {  	p0 =	slt.u32 s16, $0x2;
	s24 =	smov.u32 @p3 s17  }
0x17: {  	s18 =	smov.u32 s12;
	s21 =	smov.u32 @p1 s4;
	p1 =	sgt.s32 s24, $0x7  }
0x18: {  	s25 =	simm.s32 @!p0 $0x2;
	s24 =	smov.u32 @p1 s3;
	p1 =	sne.s32 s16, s9  }
.Ltmp1:
0x19: {  	s20 =	smov.u32 s14;
	_ =	swait.ge @!p0 [sflag:s25], $0x4000;
	(pc) =	sbr.rel @!p1 .LBB1_8-.Ltmp1, $4  }
0x1a: {  	s19 =	smov.u32 s15;
	s11 =	sadd.s32 $0x4000, s11;
	[sflag:s25] =	ssyncset.done @!p0 $0x0  }
0x1b: {  	s12 =	smov.u32 s21;
	s22 =	smov.u32 @p2 s8;
	[sflag:s25] =	ssyncadd.s32 @!p0 $0xFFFFC000  }
0x1c: {  	s23 =	simm.s32 @p3 $0x0;
	s17 =	smov.u32 s13;
	s13 =	smov.u32 s22  }
0x1d: {  	s14 =	smov.u32 s23;
	s16 =	sadd.s32 $0x1, s16;
	s15 =	smov.u32 s24  }
.LBB1_1:
0x1e: {  	p0 =	sge.u32 s16, s6  }
0x1f: {  	s21 =	sshrl.u32 @!p0 s13, $0x2  }
0x20: {  	s22 =	sshll.u32 @!p0 s12, $0x2;
	s21 =	smul.u32 @!p0 $0x9E00, s21  }
0x21: {  	s23 =	sshll.u32 @!p0 s13, $0x7;
	s22 =	sand.u32 @!p0 $0xFFFFFE00, s22  }
0x22: {  	s21 =	sadd.s32 @!p0 s21, s22;
	s22 =	sand.u32 @!p0 $0x180, s23  }
0x23: {  	s23 =	sand.u32 @!p0 $0x7F, s12;
	s21 =	sor.u32 @!p0 s22, s21  }
0x24: {  	s22 =	sor.u32 @!p0 s23, s21  }
0x25: {  	s23 =	smulhi.u32 @!p0 $0xCF6474A9, s22  }
0x26: {  	s21 =	smulhi.u32 @!p0 $0xCF6474A9, s21  }
0x27: {  	s31 =	sadd.s32 $0xFFFFFFFF, s16;
	s25 =	smul.u32 @!p0 $0x27800, s15;
	s23 =	sshrl.u32 @!p0 s23, $0xD  }
0x28: {  	s24 =	sxor.u32 @!p0 $0xFFFFFFFF, s16;
	s21 =	sshrl.u32 @!p0 s21, $0xD;
	s23 =	smul.u32 @!p0 $0x2780, s23  }
0x29: {  	s26 =	smul.u32 @!p0 $0x13C0, s14;
	s24 =	sshll.u32 @!p0 s24, $0xE;
	s21 =	sand.u32 @!p0 $0x3, s21  }
0x2a: {  	s21 =	smul.u32 @!p0 $0x4F0, s21;
	s22 =	ssub.s32 @!p0 s22, s23;
	s23 =	sadd.s32 @!p0 s7, s25  }
0x2b: {  	s24 =	sand.u32 @!p0 $0x4000, s24;
	s23 =	sadd.s32 @!p0 s26, s23;
	s25 =	sand.u32 @!p0 $0x7, s22  }
0x2c: {  	s22 =	sshrl.u32 @!p0 s22, $0x3;
	s21 =	sadd.s32 @!p0 s21, s23;
	s23 =	sshll.u32 @!p0 s25, $0x12  }
0x2d: {  	s21 =	sadd.s32 @!p0 s22, s21;
	s22 =	sor.u32 @!p0 $0x80, s23;
	s23 =	simm.s32 @!p0 $0x9E00  }
0x2e: {  	[tilespmem:s24], [sflag:$0x1] =	stream.strided.gather @!p0 [hbm4b:s21+s22], $0x4000, s23, s22, $0x38;
	[tilespmem:$0x10000] =	vst v63  }
0x2f: {  	p0 =	sge.u32 s31, s6  }
.Ltmp2:
0x30: {  	_ = 	snop;
	(pc) =	sbr.rel @p0 .LBB1_7-.Ltmp2, $1  }
0x31: {  	_ =	sdelay $0x3  }
0x32: {  	s22 =	sand.u32 $0x4000, s11;
	_ =	swait.ge [sflag:s5], $0x4000;
	s21 =	sshll.u32 s16, $0xE  }
0x33: {  	s24 =	simm.s32 $0x0;
	[sflag:s5] =	ssyncset.done $0x0;
	s21 =	sand.u32 $0x4000, s21  }
0x34: {  	s23 =	sor.u32 $0x8040, s22;
	[sflag:s5] =	ssyncadd.s32 $0xFFFFC000;
	s21 =	sor.u32 $0x8000, s21  }
.LBB1_3:
0x35: {  	v1 =	vmov s22;
	_ =	sdelay $0x3  }
0x36: {  	s25 =	simm.s32 $0x0  }
0x37: {  	v7 =	vld.idx.msk [tilespmem:v1+s25+$0x70 ss:$0x1], $0xffff  }
0x38: {  	v0 =	vmov s23;
	v8 =	vld.idx.msk [tilespmem:v1+s25+$0x0 ss:$0x1], $0xffff  }
0x39: {  	v6 =	vld.idx.msk [tilespmem:v1+s25+$0x10 ss:$0x1], $0xffff  }
0x3a: {  	v5 =	vld.idx.msk [tilespmem:v1+s25+$0x20 ss:$0x1], $0xffff  }
0x3b: {  	v4 =	vld.idx.msk [tilespmem:v1+s25+$0x30 ss:$0x1], $0xffff  }
0x3c: {  	v2 =	vld.idx.msk [tilespmem:v1+s25+$0x40 ss:$0x1], $0xffff  }
0x3d: {  	v3 =	vld.idx.msk [tilespmem:v1+s25+$0x50 ss:$0x1], $0xffff;
	[tilespmem:v0+s25+$0x30 ss:$0x1] =	vst.idx.msk $0xffff, v7  }
0x3e: {  	s26 =	simm.s32 $0x80;
	s27 =	simm.s32 $0x400;
	[tilespmem:v0+s25+$0xFFFFFFC0 ss:$0x1] =	vst.idx.msk $0xffff, v8;
	v7 =	vld.idx.msk [tilespmem:v1+s25+$0x60 ss:$0x1], $0xffff  }
.LBB1_4:
0x3f: {  	p0 =	sne.s32 s27, $0x3E00;
	v8 =	vld.idx.msk [tilespmem:v1+s26+$0x70 ss:$0x1], $0xffff;
	[tilespmem:v0+s25+$0xFFFFFFD0 ss:$0x1] =	vst.idx.msk $0xffff, v6  }
0x40: {  	v9 =	vld.idx.msk [tilespmem:v1+s26+$0x0 ss:$0x1], $0xffff;
	[tilespmem:v0+s25+$0xFFFFFFE0 ss:$0x1] =	vst.idx.msk $0xffff, v5  }
0x41: {  	v6 =	vld.idx.msk [tilespmem:v1+s26+$0x10 ss:$0x1], $0xffff;
	[tilespmem:v0+s25+$0xFFFFFFF0 ss:$0x1] =	vst.idx.msk $0xffff, v4  }
.Ltmp3:
0x42: {  	v5 =	vld.idx.msk [tilespmem:v1+s26+$0x20 ss:$0x1], $0xffff;
	[tilespmem:v0+s25+$0x0 ss:$0x1] =	vst.idx.msk $0xffff, v2;
	(pc) =	sbr.rel @p0 .LBB1_4-.Ltmp3, $4  }
0x43: {  	v4 =	vld.idx.msk [tilespmem:v1+s26+$0x30 ss:$0x1], $0xffff;
	[tilespmem:v0+s25+$0x10 ss:$0x1] =	vst.idx.msk $0xffff, v3  }
0x44: {  	v2 =	vld.idx.msk [tilespmem:v1+s26+$0x40 ss:$0x1], $0xffff;
	[tilespmem:v0+s25+$0x20 ss:$0x1] =	vst.idx.msk $0xffff, v7;
	s25 =	smov.u32 s26  }
0x45: {  	v3 =	vld.idx.msk [tilespmem:v1+s25+$0x50 ss:$0x1], $0xffff;
	[tilespmem:v0+s25+$0x30 ss:$0x1] =	vst.idx.msk $0xffff, v8  }
0x46: {  	s26 =	sshra.s32 s27, $0x2;
	s27 =	sadd.s32 $0x200, s27;
	[tilespmem:v0+s25+$0xFFFFFFC0 ss:$0x1] =	vst.idx.msk $0xffff, v9;
	v7 =	vld.idx.msk [tilespmem:v1+s25+$0x60 ss:$0x1], $0xffff  }
0x47: {  	_ =	sdelay $0x3  }
0x48: {  	[tilespmem:v0+s25+$0xFFFFFFD0 ss:$0x1] =	vst.idx.msk $0xffff, v6  }
0x49: {  	v56 =	vld.idx.msk [tilespmem:v1+s26+$0x70 ss:$0x1], $0xffff;
	[tilespmem:v0+s25+$0xFFFFFFE0 ss:$0x1] =	vst.idx.msk $0xffff, v5  }
0x4a: {  	v57 =	vld.idx.msk [tilespmem:v1+s26+$0x0 ss:$0x1], $0xffff;
	[tilespmem:v0+s25+$0xFFFFFFF0 ss:$0x1] =	vst.idx.msk $0xffff, v4  }
0x4b: {  	v58 =	vld.idx.msk [tilespmem:v1+s26+$0x10 ss:$0x1], $0xffff;
	[tilespmem:v0+s25+$0x0 ss:$0x1] =	vst.idx.msk $0xffff, v2  }
0x4c: {  	v59 =	vld.idx.msk [tilespmem:v1+s26+$0x20 ss:$0x1], $0xffff;
	[tilespmem:v0+s25+$0x10 ss:$0x1] =	vst.idx.msk $0xffff, v3  }
0x4d: {  	v60 =	vld.idx.msk [tilespmem:v1+s26+$0x30 ss:$0x1], $0xffff;
	[tilespmem:v0+s25+$0x20 ss:$0x1] =	vst.idx.msk $0xffff, v7  }
0x4e: {  	v61 =	vld.idx.msk [tilespmem:v1+s26+$0x40 ss:$0x1], $0xffff;
	[tilespmem:v0+s26+$0x30 ss:$0x1] =	vst.idx.msk $0xffff, v56  }
0x4f: {  	v62 =	vld.idx.msk [tilespmem:v1+s26+$0x50 ss:$0x1], $0xffff;
	s24 =	sadd.s32 $0x1, s24;
	[tilespmem:v0+s26+$0xFFFFFFC0 ss:$0x1] =	vst.idx.msk $0xffff, v57  }
0x50: {  	v63 =	vld.idx.msk [tilespmem:v1+s26+$0x60 ss:$0x1], $0xffff;
	p0 =	sne.s32 s24, $0x4;
	[tilespmem:v0+s26+$0xFFFFFFD0 ss:$0x1] =	vst.idx.msk $0xffff, v58  }
.Ltmp4:
0x51: {  	[tilespmem:v0+s26+$0xFFFFFFE0 ss:$0x1] =	vst.idx.msk $0xffff, v59;
	(pc) =	sbr.rel @p0 .LBB1_3-.Ltmp4, $4  }
0x52: {  	[tilespmem:v0+s26+$0xFFFFFFF0 ss:$0x1] =	vst.idx.msk $0xffff, v60  }
0x53: {  	[tilespmem:v0+s26+$0x0 ss:$0x1] =	vst.idx.msk $0xffff, v61  }
0x54: {  	[tilespmem:v0+s26+$0x10 ss:$0x1] =	vst.idx.msk $0xffff, v62  }
0x55: {  	s22 =	sadd.s32 $0x1000, s22;
	s23 =	sadd.s32 $0x1000, s23;
	[tilespmem:v0+s26+$0x20 ss:$0x1] =	vst.idx.msk $0xffff, v63  }
0x56: {  	s22 =	sshrl.u32 s20, $0x3  }
0x57: {  	s23 =	sshll.u32 s18, $0x3;
	s22 =	smul.u32 $0x13C00, s22  }
0x58: {  	s27 =	sshll.u32 s20, $0x7;
	s23 =	sand.u32 $0xFFFFFC00, s23  }
0x59: {  	s20 =	sand.u32 $0x380, s27;
	s22 =	sadd.s32 s22, s23  }
0x5a: {  	s28 =	sand.u32 $0x7F, s18;
	s20 =	sor.u32 s20, s22  }
0x5b: {  	s18 =	sor.u32 s28, s20;
	s20 =	smulhi.u32 $0xCF6474A9, s20  }
0x5c: {  	s29 =	smulhi.u32 $0xCF6474A9, s18  }
0x5d: {  	s19 =	smul.u32 $0x9E00, s19  }
0x5e: {  	s17 =	smul.u32 $0x4F000, s17;
	s20 =	sshrl.u32 s20, $0xD;
	s22 =	sshrl.u32 s29, $0xD  }
0x5f: {  	s20 =	sand.u32 $0x1F, s20;
	s22 =	smul.u32 $0x2780, s22  }
0x60: {  	s20 =	smul.u32 $0x4F0, s20  }
.Ltmp5:
0x61: {  	s19 =	sadd.s32 s2, s19;
	s18 =	ssub.s32 s18, s22;
	(pc) =	sbr.rel .LBB1_7-.Ltmp5, $4  }
0x62: {  	s17 =	sadd.s32 s17, s19;
	s30 =	sand.u32 $0x7, s18  }
0x63: {  	s17 =	sadd.s32 s20, s17;
	s18 =	sshrl.u32 s18, $0x3;
	s19 =	sshll.u32 s30, $0x12  }
0x64: {  	s17 =	sadd.s32 s18, s17;
	s31 =	sor.u32 $0x400, s19  }
0x65: {  	[hbm4b:s17+s31] =	stream.strided.scatter [tilespmem:s21], [sflag:$0x2], $0x4000, s10, s31, $0x38;
	[tilespmem:$0x10000] =	vst v63  }
.LBB1_8:
0x66: {  	_ =	sfence.sel $0x180000  }
0x67: {  	s2 =	simm.s32 $0x1;
	[bflag:$0x0] =	sbarrier.arrive $0xFFFF  }
0x68: {  	s31 =	simm.s32 $0x2;
	[sflag:s2] =	ssyncpa.u1 $0x1  }
0x69: {  	[sflag:s31] =	ssyncpa.u1 $0x1  }
0x6a: {  	p0 =	sne.s32 s0, $0x0;
	_ =	strace $0x9000004A  }
0x6b: {  	s0 =	sadd.s32 @!p0 $0x100000, s1;
	[bflag:$0x2] =	sbarrier.arrive $0xFFFF  }
0x6c: {  	[sflag:s0] =	ssyncadd.tile.s32 @!p0 $0x1;
	_ =	shalt  }
.Lfunc_end1:
_tile_overlayer_lowered:
.L_overlay_start_2:
0x6d: {  	(tag) =	ssettag $0x2  }
0x6e: {  	s0 =	rddreg [dreg:$0x0];
	s2 =	stileid.u32  }
0x6f: {  	s1 =	rddreg [dreg:$0x1];
	p0 =	sne.s32 s2, $0x0  }
0x70: {  	s3 =	rddreg [dreg:$0x2];
	[bflag:$0x3] =	sbarrier.arrive $0xFFFF;
	s2 =	simm.s32 @!p0 $0x1C01  }
0x71: {  	[timem:s3], [sflag:s2] =	dma.local @!p0 [hbm:s0], s1  }
0x72: {  	s0 =	simm.s32 @!p0 $0x1  }
0x73: {  	_ =	swait.ge @!p0 [sflag:s0], s1  }
0x74: {  	s1 =	ssub.s32 @!p0 $0x0, s1;
	[sflag:s0] =	ssyncset.done @!p0 $0x0  }
0x75: {  	[sflag:s0] =	ssyncadd.s32 @!p0 s1  }
0x76: {  	[bflag:$0x3] =	sbarrier.arrive $0xFFFF  }
0x77: {  	_ =	shalt  }

</sc_bundles>
